<compile_context>
chip_gen: v7x
topology: tpu7x:2x2x1
jax: 0.10.2.dev20260603
libtpu: 0.0.44.dev20260713+nightly
codegen_flags: <defaults>
</compile_context>

<pallas_src>
import functools
import math

import jax
import jax.numpy as jnp
from jax import lax
from jax.experimental import pallas as pl
from jax.experimental.pallas import tpu as pltpu
from jax.experimental.pallas import tpu_sc as plsc

_LAT = 721
_LON = 1440
_LEVEL = 8
_N = 1000000

_NW = 32
_CHUNK = 1008
_CPW = 31
_PPW = _CHUNK * _CPW
_GROUPS = _CHUNK // 16
_TAIL = _N - _PPW * _NW
_TAILBASE = _PPW * _NW
_SUBS = [(o, min(128, _CHUNK - o)) for o in range(0, _CHUNK, 128)]


_LONP = 1664
_NWIN = 12


def _interp_matrix(h, H, HP=None):
    HP = H if HP is None else HP
    dsti = jnp.minimum(lax.broadcasted_iota(jnp.int32, (HP, h), 0), H - 1)
    dst = dsti.astype(jnp.float32)
    src = lax.broadcasted_iota(jnp.int32, (HP, h), 1)
    ys = jnp.maximum((dst + 0.5) * (h / H) - 0.5, 0.0)
    y0 = jnp.floor(ys).astype(jnp.int32)
    y1 = jnp.minimum(y0 + 1, h - 1)
    fy = ys - y0.astype(jnp.float32)
    return jnp.where(src == y0, 1.0 - fy, 0.0) + jnp.where(src == y1, fy, 0.0)


def _upsample_body(g_ref, o_ref, *, h, w):
    g = g_ref[...]
    cxt = _interp_matrix(w, _LON, _LONP).T
    ry = _interp_matrix(h, _LAT)
    m = jnp.dot(g, cxt, preferred_element_type=jnp.float32)
    o_ref[...] = jnp.dot(ry, m, preferred_element_type=jnp.float32
                         ).astype(jnp.bfloat16)


def _upsample_level(g2d):
    h, w = g2d.shape
    return pl.pallas_call(
        functools.partial(_upsample_body, h=h, w=w),
        out_shape=jax.ShapeDtypeStruct((_LAT, _LONP), jnp.bfloat16),
    )(g2d)


def _selection_matrix():
    import numpy as np
    r = np.arange(2048)[:, None]
    c = np.arange(2048)[None, :]
    i, dx = r // 256, r % 256
    xl, l = c // 16, c % 16
    lev = np.where(l < 8, l, 15 - l)
    shift = (l >= 8).astype(np.int64)
    wm = ((i == lev) & (dx == xl + shift)).astype(np.float32)
    return jnp.asarray(wm, jnp.bfloat16)


def _interleave_body(*refs):
    us = refs[:_LEVEL]
    wm_ref = refs[_LEVEL]
    o_ref = refs[_LEVEL + 1]
    w = pl.program_id(0)
    ws = pl.multiple_of(w * 128, 128)
    b = jnp.concatenate([u[:, pl.ds(ws, 256)] for u in us], axis=1)
    o_ref[0] = jnp.dot(b, wm_ref[...], preferred_element_type=jnp.float32)


def _interleave(ups):
    return pl.pallas_call(
        _interleave_body,
        grid=(_NWIN,),
        in_specs=[pl.BlockSpec((_LAT, _LONP), lambda i: (0, 0))] * _LEVEL
        + [pl.BlockSpec((2048, 2048), lambda i: (0, 0))],
        out_specs=pl.BlockSpec((1, _LAT, 2048), lambda i: (i, 0, 0)),
        out_shape=jax.ShapeDtypeStruct((_NWIN, _LAT, 2048), jnp.float32),
    )(*(list(ups) + [_selection_matrix()]))


def _sc_sample_body(t_hbm, lat_hbm, lon_hbm, out_hbm,
                    latv, lonv, idx0, idx1, wyb, wxb,
                    rows0, rows1, outb, sem):
    nc = 2
    wid = lax.axis_index("s") * nc + lax.axis_index("c")
    base = wid * _PPW

    def do_chunk(pbase, npts, subs):
        groups = npts // 16
        pltpu.sync_copy(lat_hbm.at[pl.ds(pbase, npts)], latv.at[pl.ds(0, npts)])
        pltpu.sync_copy(lon_hbm.at[pl.ds(pbase, npts)], lonv.at[pl.ds(0, npts)])

        def index_body(g, _):
            la = latv[pl.ds(g * 16, 16)]
            lo = lonv[pl.ds(g * 16, 16)]
            y = (90.0 - la) * 4.0
            x = lo * 4.0
            y0 = jnp.clip(y.astype(jnp.int32), 0, _LAT - 1)
            x0 = jnp.clip(x.astype(jnp.int32), 0, _LON - 1)
            wyb[pl.ds(g * 16, 16)] = y - y0.astype(jnp.float32)
            wxb[pl.ds(g * 16, 16)] = x - x0.astype(jnp.float32)
            y1 = jnp.minimum(y0 + 1, _LAT - 1)
            xblk = (x0 >> 7) * (_LAT * 128) + (x0 & 127)
            idx0[pl.ds(g * 16, 16)] = xblk + y0 * 128
            idx1[pl.ds(g * 16, 16)] = xblk + y1 * 128
            return 0

        lax.fori_loop(0, groups, index_body, 0, unroll=False)

        copies = []
        for off, sz in subs:
            copies.append(pltpu.async_copy(
                t_hbm.at[idx0.at[pl.ds(off, sz)]],
                rows0.at[pl.ds(off, sz), :], sem))
            copies.append(pltpu.async_copy(
                t_hbm.at[idx1.at[pl.ds(off, sz)]],
                rows1.at[pl.ds(off, sz), :], sem))
        for cp in copies:
            cp.wait()

        def combine_body(g, _):
            wy16 = wyb[pl.ds(g * 16, 16)]
            wx16 = wxb[pl.ds(g * 16, 16)]
            for j in range(16):
                p = g * 16 + j
                va0 = rows0[p, :]
                va1 = rows1[p, :]
                by = lax.broadcast_in_dim(wy16[j:j + 1], (16,), (0,))
                bx = lax.broadcast_in_dim(wx16[j:j + 1], (16,), (0,))
                m = va0 + by * (va1 - va0)
                mr = lax.rev(m, (0,))
                o = m + bx * (mr - m)
                outb[pl.ds(p * 8, 16)] = o
            return 0

        lax.fori_loop(0, groups, combine_body, 0, unroll=False)
        pltpu.sync_copy(outb.at[pl.ds(0, npts * _LEVEL)],
                        out_hbm.at[pl.ds(pbase * _LEVEL, npts * _LEVEL)])

    def chunk_body(ci, _):
        do_chunk(base + ci * _CHUNK, _CHUNK, _SUBS)
        return 0

    lax.fori_loop(0, _CPW, chunk_body, 0, unroll=False)

    @pl.when(wid == _NW - 1)
    def _():
        do_chunk(_TAILBASE, _TAIL, [(0, _TAIL)])


def _sc_sample(table, lat, lon):
    mesh = plsc.VectorSubcoreMesh(core_axis_name="c", subcore_axis_name="s")
    f = pl.kernel(
        _sc_sample_body,
        out_type=jax.ShapeDtypeStruct((_N * _LEVEL,), jnp.float32),
        mesh=mesh,
        compiler_params=pltpu.CompilerParams(use_tc_tiling_on_sc=False),
        scratch_types=[
            pltpu.VMEM((_CHUNK,), jnp.float32),
            pltpu.VMEM((_CHUNK,), jnp.float32),
            pltpu.VMEM((_CHUNK,), jnp.int32),
            pltpu.VMEM((_CHUNK,), jnp.int32),
            pltpu.VMEM((_CHUNK,), jnp.float32),
            pltpu.VMEM((_CHUNK,), jnp.float32),
            pltpu.VMEM((_CHUNK, 16), jnp.float32),
            pltpu.VMEM((_CHUNK, 16), jnp.float32),
            pltpu.VMEM((_CHUNK * _LEVEL + 16,), jnp.float32),
            pltpu.SemaphoreType.DMA,
        ],
    )
    return f(table, lat, lon)


def kernel(x, grid_0, grid_1, grid_2, grid_3, grid_4, grid_5, grid_6, grid_7):
    grids = [grid_0, grid_1, grid_2, grid_3, grid_4, grid_5, grid_6, grid_7]
    ups = [jnp.pad(grids[0][0, 0], ((0, 0), (0, _LONP - _LON)),
                   mode="edge").astype(jnp.bfloat16)]
    for g in grids[1:]:
        ups.append(_upsample_level(g[0, 0]))
    table = _interleave(ups).reshape(_NWIN * _LAT * 128, 16)

    lat = x[:, 0]
    lon = x[:, 1]
    return _sc_sample(table, lat, lon).reshape(_N, _LEVEL)

# --- scband reference (transcript-rebuilt; emitter-appended) ---
"""Pipeline reference for scband-coolchic-interp-enc-27075473834477 (READ-ONLY COPY).

The authoritative reference and input builder live on the scoring server;
editing this copy changes nothing except your own understanding.
"""

import math
import jax, jax.numpy as jnp
import numpy as np

LAT_SHAPE = 721
LON_SHAPE = 1440
LEVEL = 8
RESOLUTION = 0.25
N_POINTS = 1000000


def setup_inputs(seed: int = 0):
    key = jax.random.key(seed)
    klat, klon = jax.random.split(key)
    lat = jax.random.uniform(klat, (N_POINTS, 1), dtype=jnp.float32, minval=-90.0, maxval=90.0)
    lon = jax.random.uniform(klon, (N_POINTS, 1), dtype=jnp.float32, minval=0.0, maxval=360.0)
    x = jnp.concatenate([lat, lon], axis=-1)
    inp = {"x": x}
    for i in range(LEVEL):
        h = int(math.ceil(LAT_SHAPE / 2 ** i))
        w = int(math.ceil(LON_SHAPE / 2 ** i))
        inp["grid_%d" % i] = jax.random.uniform(jax.random.fold_in(key, 100 + i), (1, 1, h, w), dtype=jnp.float32)
    return inp


def _upsample_bilinear(g, H, W):
    # Faithful port of F.interpolate(mode='bilinear', align_corners=False):
    # src = max(0, (dst + 0.5) * (src_size / dst_size) - 0.5)
    h, w = g.shape
    ys = jnp.maximum((jnp.arange(H, dtype=jnp.float32) + 0.5) * (h / H) - 0.5, 0.0)
    xs = jnp.maximum((jnp.arange(W, dtype=jnp.float32) + 0.5) * (w / W) - 0.5, 0.0)
    y0 = jnp.floor(ys).astype(jnp.int32)
    x0 = jnp.floor(xs).astype(jnp.int32)
    y1 = jnp.minimum(y0 + 1, h - 1)
    x1 = jnp.minimum(x0 + 1, w - 1)
    wy = (ys - y0.astype(jnp.float32))[:, None]
    wx = (xs - x0.astype(jnp.float32))[None, :]
    gy0 = g[y0]
    gy1 = g[y1]
    top = gy0[:, x0] * (1.0 - wx) + gy0[:, x1] * wx
    bot = gy1[:, x0] * (1.0 - wx) + gy1[:, x1] * wx
    return top * (1.0 - wy) + bot * wy


def _bilinear_interpolate(grid, lat_idx, lon_idx):
    lat_floor = jnp.clip(jnp.floor(lat_idx).astype(jnp.int32), 0, grid.shape[0] - 1)
    lon_floor = jnp.clip(jnp.floor(lon_idx).astype(jnp.int32), 0, grid.shape[1] - 1)
    lat_ceil = jnp.clip(jnp.floor(lat_idx).astype(jnp.int32) + 1, 0, grid.shape[0] - 1)
    lon_ceil = jnp.clip(jnp.floor(lon_idx).astype(jnp.int32) + 1, 0, grid.shape[1] - 1)
    values_ff = grid[lat_floor, lon_floor]
    values_fc = grid[lat_floor, lon_ceil]
    values_cf = grid[lat_ceil, lon_floor]
    values_cc = grid[lat_ceil, lon_cc_helper] if False else grid[lat_ceil, lon_ceil]
    lat_frac = lat_idx - lat_floor.astype(jnp.float32)
    lon_frac = lon_idx - lon_floor.astype(jnp.float32)
    values_f = values_ff + lon_frac * (values_fc - values_ff)
    values_c = values_cf + lon_frac * (values_cc - values_cf)
    return values_f + lat_frac * (values_c - values_f)


def reference(x, grid_0, grid_1, grid_2, grid_3, grid_4, grid_5, grid_6, grid_7):
    grids = [grid_0, grid_1, grid_2, grid_3, grid_4, grid_5, grid_6, grid_7]
    ups = [_upsample_bilinear(g[0, 0], LAT_SHAPE, LON_SHAPE) for g in grids]
    lat = x[..., 0:1]
    lon = x[..., 1:2]
    lat_idx = (90.0 - lat) / RESOLUTION
    lon_idx = (lon - 0.0) / RESOLUTION
    reps = [jnp.squeeze(_bilinear_interpolate(up, lat_idx, lon_idx)) for up in ups]
    return jnp.stack(reps, axis=-1)

if __name__ == "__main__":
    import jax
    _d = setup_inputs()
    print(jax.jit(kernel)(*tuple(_d.values())))

</pallas_src>

<mosaic_0001>
#map = affine_map<(d0, d1) -> (0, 0)>
#map1 = affine_map<(d0, d1) -> (0)>
module attributes {stable_mosaic.version = 14 : i64} {
  func.func @_sc_sample_body(%arg0: i32, %arg1: i32, %arg2: memref<1107456x16xf32, #tpu.memory_space<hbm>>, %arg3: memref<1000000xf32, #tpu.memory_space<hbm>>, %arg4: memref<1000000xf32, #tpu.memory_space<hbm>>, %arg5: memref<8000000xf32, #tpu.memory_space<hbm>>, %arg6: memref<1008xf32, #tpu.memory_space<vmem>>, %arg7: memref<1008xf32, #tpu.memory_space<vmem>>, %arg8: memref<1008xi32, #tpu.memory_space<vmem>>, %arg9: memref<1008xi32, #tpu.memory_space<vmem>>, %arg10: memref<1008xf32, #tpu.memory_space<vmem>>, %arg11: memref<1008xf32, #tpu.memory_space<vmem>>, %arg12: memref<1008x16xf32, #tpu.memory_space<vmem>>, %arg13: memref<1008x16xf32, #tpu.memory_space<vmem>>, %arg14: memref<8080xf32, #tpu.memory_space<vmem>>, %arg15: memref<!tpu.dma_semaphore, #tpu.memory_space<semaphore_mem>>) attributes {dimension_semantics = [#tpu.dimension_semantics<core_parallel>, #tpu.dimension_semantics<subcore_parallel>], iteration_bounds = array<i64: 2, 16>, scalar_prefetch = 0 : i64, scratch_operands = 10 : i64, tpu.core_type = #tpu.core_type<sc_vector_subcore>, window_params = [{transform_indices = #map}, {transform_indices = #map1}, {transform_indices = #map1}, {transform_indices = #map1}]} {
    %mul3A = arith.constant 2 : i32
    %mul3A_0 = arith.muli %arg1, %mul3A : i32
    %add3A = arith.addi %mul3A_0, %arg0 : i32
    %mul3A_1 = arith.constant 31248 : i32
    %mul3A_2 = arith.muli %add3A, %mul3A_1 : i32
    %scan3A = arith.constant 0 : i32
    %scan3A_3 = arith.constant 0 : i32
    %scan3A_4 = arith.constant 31 : i32
    %scan3A_5 = arith.addi %scan3A_3, %scan3A_4 : i32
    %scan3A_6 = arith.constant 1 : i32
    %scan3A_7 = scf.for %scan3A_11 = %scan3A_3 to %scan3A_5 step %scan3A_6 iter_args(%scan3A_12 = %scan3A) -> (i32)  : i32 {
      %mul3A_13 = arith.constant 1008 : i32
      %mul3A_14 = arith.muli %scan3A_11, %mul3A_13 : i32
      %add3A_15 = arith.addi %mul3A_2, %mul3A_14 : i32
      "tpu.region"() ({
        %run_scoped3A = tpu.sem_alloc : memref<!tpu.dma_semaphore, #tpu.memory_space<semaphore_mem>>
        %dma_start3A_287 = arith.constant 0 : i32
        %dma_start3A_288 = tpu.memref_slice %arg6[%dma_start3A_287] : memref<1008xf32, #tpu.memory_space<vmem>> -> memref<1008xf32, #tpu.memory_space<vmem>>
        %dma_start3A_289 = tpu.memref_slice %arg3[%add3A_15] : memref<1000000xf32, #tpu.memory_space<hbm>> -> memref<1008xf32, #tpu.memory_space<hbm>>
        %dma_start3A_290 = arith.constant 0 : i32
        %dma_start3A_291 = tpu.memref_slice %arg6[%dma_start3A_290] : memref<1008xf32, #tpu.memory_space<vmem>> -> memref<1008xf32, #tpu.memory_space<vmem>>
        %dma_start3A_292 = tpu.memref_slice %arg3[%add3A_15] : memref<1000000xf32, #tpu.memory_space<hbm>> -> memref<1008xf32, #tpu.memory_space<hbm>>
        tpu.enqueue_dma source(%dma_start3A_292 : memref<1008xf32, #tpu.memory_space<hbm>>) target(%dma_start3A_291 : memref<1008xf32, #tpu.memory_space<vmem>>) target_semaphore(%run_scoped3A : memref<!tpu.dma_semaphore, #tpu.memory_space<semaphore_mem>>)
        %dma_wait3A_293 = arith.constant 0 : i32
        %dma_wait3A_294 = tpu.memref_slice %arg6[%dma_wait3A_293] : memref<1008xf32, #tpu.memory_space<vmem>> -> memref<1008xf32, #tpu.memory_space<vmem>>
        %dma_wait3A_295 = tpu.memref_slice %arg3[%add3A_15] : memref<1000000xf32, #tpu.memory_space<hbm>> -> memref<1008xf32, #tpu.memory_space<hbm>>
        %dma_wait3A_296 = arith.constant 0 : i32
        %dma_wait3A_297 = tpu.memref_slice %arg6[%dma_wait3A_296] : memref<1008xf32, #tpu.memory_space<vmem>> -> memref<1008xf32, #tpu.memory_space<vmem>>
        %dma_wait3A_298 = tpu.memref_slice %arg3[%add3A_15] : memref<1000000xf32, #tpu.memory_space<hbm>> -> memref<1008xf32, #tpu.memory_space<hbm>>
        tpu.wait_dma2 semaphore(%run_scoped3A : memref<!tpu.dma_semaphore, #tpu.memory_space<semaphore_mem>>) src(%dma_wait3A_298 : memref<1008xf32, #tpu.memory_space<hbm>>) dst(%dma_wait3A_297 : memref<1008xf32, #tpu.memory_space<vmem>>)
        tpu.yield
      }) : () -> ()
      "tpu.region"() ({
        %run_scoped3A = tpu.sem_alloc : memref<!tpu.dma_semaphore, #tpu.memory_space<semaphore_mem>>
        %dma_start3A_287 = arith.constant 0 : i32
        %dma_start3A_288 = tpu.memref_slice %arg7[%dma_start3A_287] : memref<1008xf32, #tpu.memory_space<vmem>> -> memref<1008xf32, #tpu.memory_space<vmem>>
        %dma_start3A_289 = tpu.memref_slice %arg4[%add3A_15] : memref<1000000xf32, #tpu.memory_space<hbm>> -> memref<1008xf32, #tpu.memory_space<hbm>>
        %dma_start3A_290 = arith.constant 0 : i32
        %dma_start3A_291 = tpu.memref_slice %arg7[%dma_start3A_290] : memref<1008xf32, #tpu.memory_space<vmem>> -> memref<1008xf32, #tpu.memory_space<vmem>>
        %dma_start3A_292 = tpu.memref_slice %arg4[%add3A_15] : memref<1000000xf32, #tpu.memory_space<hbm>> -> memref<1008xf32, #tpu.memory_space<hbm>>
        tpu.enqueue_dma source(%dma_start3A_292 : memref<1008xf32, #tpu.memory_space<hbm>>) target(%dma_start3A_291 : memref<1008xf32, #tpu.memory_space<vmem>>) target_semaphore(%run_scoped3A : memref<!tpu.dma_semaphore, #tpu.memory_space<semaphore_mem>>)
        %dma_wait3A_293 = arith.constant 0 : i32
        %dma_wait3A_294 = tpu.memref_slice %arg7[%dma_wait3A_293] : memref<1008xf32, #tpu.memory_space<vmem>> -> memref<1008xf32, #tpu.memory_space<vmem>>
        %dma_wait3A_295 = tpu.memref_slice %arg4[%add3A_15] : memref<1000000xf32, #tpu.memory_space<hbm>> -> memref<1008xf32, #tpu.memory_space<hbm>>
        %dma_wait3A_296 = arith.constant 0 : i32
        %dma_wait3A_297 = tpu.memref_slice %arg7[%dma_wait3A_296] : memref<1008xf32, #tpu.memory_space<vmem>> -> memref<1008xf32, #tpu.memory_space<vmem>>
        %dma_wait3A_298 = tpu.memref_slice %arg4[%add3A_15] : memref<1000000xf32, #tpu.memory_space<hbm>> -> memref<1008xf32, #tpu.memory_space<hbm>>
        tpu.wait_dma2 semaphore(%run_scoped3A : memref<!tpu.dma_semaphore, #tpu.memory_space<semaphore_mem>>) src(%dma_wait3A_298 : memref<1008xf32, #tpu.memory_space<hbm>>) dst(%dma_wait3A_297 : memref<1008xf32, #tpu.memory_space<vmem>>)
        tpu.yield
      }) : () -> ()
      %scan3A_16 = arith.constant 0 : i32
      %scan3A_17 = arith.constant 0 : i32
      %scan3A_18 = arith.constant 63 : i32
      %scan3A_19 = arith.addi %scan3A_17, %scan3A_18 : i32
      %scan3A_20 = arith.constant 1 : i32
      %scan3A_21 = scf.for %scan3A_287 = %scan3A_17 to %scan3A_19 step %scan3A_20 iter_args(%scan3A_288 = %scan3A_16) -> (i32)  : i32 {
        %mul3A_289 = arith.constant 16 : i32
        %mul3A_290 = arith.muli %scan3A_287, %mul3A_289 : i32
        %get3A = arith.index_cast %mul3A_290 : i32 to index
        %get3A_291 = tpu.vector_load %arg6[%get3A] {strides = array<i32>} : memref<1008xf32, #tpu.memory_space<vmem>>, vector<16xf32>,
        %get3A_292 = vector.shape_cast %get3A_291 : vector<16xf32> to vector<16xf32>
        %mul3A_293 = arith.constant 16 : i32
        %mul3A_294 = arith.muli %scan3A_287, %mul3A_293 : i32
        %get3A_295 = arith.index_cast %mul3A_294 : i32 to index
        %get3A_296 = tpu.vector_load %arg7[%get3A_295] {strides = array<i32>} : memref<1008xf32, #tpu.memory_space<vmem>>, vector<16xf32>,
        %get3A_297 = vector.shape_cast %get3A_296 : vector<16xf32> to vector<16xf32>
        %sub3A = arith.constant 9.000000e+01 : f32
        %sub3A_298 = vector.broadcast %sub3A : f32 to vector<16xf32>
        %sub3A_299 = arith.subf %sub3A_298, %get3A_292 : vector<16xf32>
        %mul3A_300 = arith.constant 4.000000e+00 : f32
        %mul3A_301 = vector.broadcast %mul3A_300 : f32 to vector<16xf32>
        %mul3A_302 = arith.mulf %sub3A_299, %mul3A_301 : vector<16xf32>
        %mul3A_303 = arith.constant 4.000000e+00 : f32
        %mul3A_304 = vector.broadcast %mul3A_303 : f32 to vector<16xf32>
        %mul3A_305 = arith.mulf %get3A_297, %mul3A_304 : vector<16xf32>
        %convert_element_type3A_306 = arith.fptosi %mul3A_302 : vector<16xf32> to vector<16xi32>
        %jit3A = arith.constant 0 : i32
        %jit3A_307 = arith.constant 720 : i32
        %max3A = vector.broadcast %jit3A : i32 to vector<16xi32>
        %max3A_308 = arith.maxsi %max3A, %convert_element_type3A_306 : vector<16xi32>
        %min3A = vector.broadcast %jit3A_307 : i32 to vector<16xi32>
        %min3A_309 = arith.minsi %min3A, %max3A_308 : vector<16xi32>
        %convert_element_type3A_310 = arith.fptosi %mul3A_305 : vector<16xf32> to vector<16xi32>
        %jit3A_311 = arith.constant 0 : i32
        %jit3A_312 = arith.constant 1439 : i32
        %max3A_313 = vector.broadcast %jit3A_311 : i32 to vector<16xi32>
        %max3A_314 = arith.maxsi %max3A_313, %convert_element_type3A_310 : vector<16xi32>
        %min3A_315 = vector.broadcast %jit3A_312 : i32 to vector<16xi32>
        %min3A_316 = arith.minsi %min3A_315, %max3A_314 : vector<16xi32>
        %convert_element_type3A_317 = arith.sitofp %min3A_309 : vector<16xi32> to vector<16xf32>
        %sub3A_318 = arith.subf %mul3A_302, %convert_element_type3A_317 : vector<16xf32>
        %mul3A_319 = arith.constant 16 : i32
        %mul3A_320 = arith.muli %scan3A_287, %mul3A_319 : i32
        %swap3A = arith.index_cast %mul3A_320 : i32 to index
        %swap3A_321 = tpu.vector_load %arg10[%swap3A] {strides = array<i32>} : memref<1008xf32, #tpu.memory_space<vmem>>, vector<16xf32>,
        %swap3A_322 = vector.shape_cast %swap3A_321 : vector<16xf32> to vector<16xf32>
        %swap3A_323 = vector.shape_cast %sub3A_318 : vector<16xf32> to vector<16xf32>
        tpu.vector_store %arg10[%swap3A], %swap3A_323 {strides = array<i32>} : memref<1008xf32, #tpu.memory_space<vmem>>, vector<16xf32>,
        %convert_element_type3A_324 = arith.sitofp %min3A_316 : vector<16xi32> to vector<16xf32>
        %sub3A_325 = arith.subf %mul3A_305, %convert_element_type3A_324 : vector<16xf32>
        %mul3A_326 = arith.constant 16 : i32
        %mul3A_327 = arith.muli %scan3A_287, %mul3A_326 : i32
        %swap3A_328 = arith.index_cast %mul3A_327 : i32 to index
        %swap3A_329 = tpu.vector_load %arg11[%swap3A_328] {strides = array<i32>} : memref<1008xf32, #tpu.memory_space<vmem>>, vector<16xf32>,
        %swap3A_330 = vector.shape_cast %swap3A_329 : vector<16xf32> to vector<16xf32>
        %swap3A_331 = vector.shape_cast %sub3A_325 : vector<16xf32> to vector<16xf32>
        tpu.vector_store %arg11[%swap3A_328], %swap3A_331 {strides = array<i32>} : memref<1008xf32, #tpu.memory_space<vmem>>, vector<16xf32>,
        %add3A_332 = arith.constant 1 : i32
        %add3A_333 = vector.broadcast %add3A_332 : i32 to vector<16xi32>
        %add3A_334 = arith.addi %min3A_309, %add3A_333 : vector<16xi32>
        %min3A_335 = arith.constant 720 : i32
        %min3A_336 = vector.broadcast %min3A_335 : i32 to vector<16xi32>
        %min3A_337 = arith.minsi %add3A_334, %min3A_336 : vector<16xi32>
        %shift_right_arithmetic3A = arith.constant 7 : i32
        %shift_right_arithmetic3A_338 = vector.broadcast %shift_right_arithmetic3A : i32 to vector<16xi32>
        %shift_right_arithmetic3A_339 = arith.shrsi %min3A_316, %shift_right_arithmetic3A_338 : vector<16xi32>
        %mul3A_340 = arith.constant 92288 : i32
        %mul3A_341 = vector.broadcast %mul3A_340 : i32 to vector<16xi32>
        %mul3A_342 = arith.muli %shift_right_arithmetic3A_339, %mul3A_341 : vector<16xi32>
        %and3A = arith.constant 127 : i32
        %and3A_343 = vector.broadcast %and3A : i32 to vector<16xi32>
        %and3A_344 = arith.andi %min3A_316, %and3A_343 : vector<16xi32>
        %add3A_345 = arith.addi %mul3A_342, %and3A_344 : vector<16xi32>
        %mul3A_346 = arith.constant 128 : i32
        %mul3A_347 = vector.broadcast %mul3A_346 : i32 to vector<16xi32>
        %mul3A_348 = arith.muli %min3A_309, %mul3A_347 : vector<16xi32>
        %add3A_349 = arith.addi %add3A_345, %mul3A_348 : vector<16xi32>
        %mul3A_350 = arith.constant 16 : i32
        %mul3A_351 = arith.muli %scan3A_287, %mul3A_350 : i32
        %swap3A_352 = arith.index_cast %mul3A_351 : i32 to index
        %swap3A_353 = tpu.vector_load %arg8[%swap3A_352] {strides = array<i32>} : memref<1008xi32, #tpu.memory_space<vmem>>, vector<16xi32>,
        %swap3A_354 = vector.shape_cast %swap3A_353 : vector<16xi32> to vector<16xi32>
        %swap3A_355 = vector.shape_cast %add3A_349 : vector<16xi32> to vector<16xi32>
        tpu.vector_store %arg8[%swap3A_352], %swap3A_355 {strides = array<i32>} : memref<1008xi32, #tpu.memory_space<vmem>>, vector<16xi32>,
        %mul3A_356 = arith.constant 128 : i32
        %mul3A_357 = vector.broadcast %mul3A_356 : i32 to vector<16xi32>
        %mul3A_358 = arith.muli %min3A_337, %mul3A_357 : vector<16xi32>
        %add3A_359 = arith.addi %add3A_345, %mul3A_358 : vector<16xi32>
        %mul3A_360 = arith.constant 16 : i32
        %mul3A_361 = arith.muli %scan3A_287, %mul3A_360 : i32
        %swap3A_362 = arith.index_cast %mul3A_361 : i32 to index
        %swap3A_363 = tpu.vector_load %arg9[%swap3A_362] {strides = array<i32>} : memref<1008xi32, #tpu.memory_space<vmem>>, vector<16xi32>,
        %swap3A_364 = vector.shape_cast %swap3A_363 : vector<16xi32> to vector<16xi32>
        %swap3A_365 = vector.shape_cast %add3A_359 : vector<16xi32> to vector<16xi32>
        tpu.vector_store %arg9[%swap3A_362], %swap3A_365 {strides = array<i32>} : memref<1008xi32, #tpu.memory_space<vmem>>, vector<16xi32>,
        %scan3A_366 = arith.constant 0 : i32
        scf.yield %scan3A_366 : i32
      }
      %scan3A_22 = arith.constant 63 : i32
      %dma_start3A = arith.constant 0 : i32
      %dma_start3A_23 = arith.constant 0 : i32
      %dma_start3A_24 = tpu.memref_slice %arg12[%dma_start3A, %dma_start3A_23] : memref<1008x16xf32, #tpu.memory_space<vmem>> -> memref<128x16xf32, #tpu.memory_space<vmem>>
      %dma_start3A_25 = arith.constant 0 : i32
      %dma_start3A_26 = tpu.memref_slice %arg8[%dma_start3A_25] : memref<1008xi32, #tpu.memory_space<vmem>> -> memref<128xi32, #tpu.memory_space<vmem>>
      %dma_start3A_27 = arith.constant 0 : i32
      %dma_start3A_28 = arith.constant 0 : i32
      %dma_start3A_29 = tpu.memref_slice %arg2[%dma_start3A_27, %dma_start3A_28] : memref<1107456x16xf32, #tpu.memory_space<hbm>> -> memref<1107456x16xf32, #tpu.memory_space<hbm>>
      tpu.enqueue_indirect_dma source(%dma_start3A_29 : memref<1107456x16xf32, #tpu.memory_space<hbm>>) target(%dma_start3A_24 : memref<128x16xf32, #tpu.memory_space<vmem>>) offsets(%dma_start3A_26 : memref<128xi32, #tpu.memory_space<vmem>>) semaphore(%arg15 : memref<!tpu.dma_semaphore, #tpu.memory_space<semaphore_mem>>)
      %dma_start3A_30 = arith.constant 0 : i32
      %dma_start3A_31 = arith.constant 0 : i32
      %dma_start3A_32 = tpu.memref_slice %arg13[%dma_start3A_30, %dma_start3A_31] : memref<1008x16xf32, #tpu.memory_space<vmem>> -> memref<128x16xf32, #tpu.memory_space<vmem>>
      %dma_start3A_33 = arith.constant 0 : i32
      %dma_start3A_34 = tpu.memref_slice %arg9[%dma_start3A_33] : memref<1008xi32, #tpu.memory_space<vmem>> -> memref<128xi32, #tpu.memory_space<vmem>>
      %dma_start3A_35 = arith.constant 0 : i32
      %dma_start3A_36 = arith.constant 0 : i32
      %dma_start3A_37 = tpu.memref_slice %arg2[%dma_start3A_35, %dma_start3A_36] : memref<1107456x16xf32, #tpu.memory_space<hbm>> -> memref<1107456x16xf32, #tpu.memory_space<hbm>>
      tpu.enqueue_indirect_dma source(%dma_start3A_37 : memref<1107456x16xf32, #tpu.memory_space<hbm>>) target(%dma_start3A_32 : memref<128x16xf32, #tpu.memory_space<vmem>>) offsets(%dma_start3A_34 : memref<128xi32, #tpu.memory_space<vmem>>) semaphore(%arg15 : memref<!tpu.dma_semaphore, #tpu.memory_space<semaphore_mem>>)
      %dma_start3A_38 = arith.constant 128 : i32
      %dma_start3A_39 = arith.constant 0 : i32
      %dma_start3A_40 = tpu.memref_slice %arg12[%dma_start3A_38, %dma_start3A_39] : memref<1008x16xf32, #tpu.memory_space<vmem>> -> memref<128x16xf32, #tpu.memory_space<vmem>>
      %dma_start3A_41 = arith.constant 128 : i32
      %dma_start3A_42 = tpu.memref_slice %arg8[%dma_start3A_41] : memref<1008xi32, #tpu.memory_space<vmem>> -> memref<128xi32, #tpu.memory_space<vmem>>
      %dma_start3A_43 = arith.constant 0 : i32
      %dma_start3A_44 = arith.constant 0 : i32
      %dma_start3A_45 = tpu.memref_slice %arg2[%dma_start3A_43, %dma_start3A_44] : memref<1107456x16xf32, #tpu.memory_space<hbm>> -> memref<1107456x16xf32, #tpu.memory_space<hbm>>
      tpu.enqueue_indirect_dma source(%dma_start3A_45 : memref<1107456x16xf32, #tpu.memory_space<hbm>>) target(%dma_start3A_40 : memref<128x16xf32, #tpu.memory_space<vmem>>) offsets(%dma_start3A_42 : memref<128xi32, #tpu.memory_space<vmem>>) semaphore(%arg15 : memref<!tpu.dma_semaphore, #tpu.memory_space<semaphore_mem>>)
      %dma_start3A_46 = arith.constant 128 : i32
      %dma_start3A_47 = arith.constant 0 : i32
      %dma_start3A_48 = tpu.memref_slice %arg13[%dma_start3A_46, %dma_start3A_47] : memref<1008x16xf32, #tpu.memory_space<vmem>> -> memref<128x16xf32, #tpu.memory_space<vmem>>
      %dma_start3A_49 = arith.constant 128 : i32
      %dma_start3A_50 = tpu.memref_slice %arg9[%dma_start3A_49] : memref<1008xi32, #tpu.memory_space<vmem>> -> memref<128xi32, #tpu.memory_space<vmem>>
      %dma_start3A_51 = arith.constant 0 : i32
      %dma_start3A_52 = arith.constant 0 : i32
      %dma_start3A_53 = tpu.memref_slice %arg2[%dma_start3A_51, %dma_start3A_52] : memref<1107456x16xf32, #tpu.memory_space<hbm>> -> memref<1107456x16xf32, #tpu.memory_space<hbm>>
      tpu.enqueue_indirect_dma source(%dma_start3A_53 : memref<1107456x16xf32, #tpu.memory_space<hbm>>) target(%dma_start3A_48 : memref<128x16xf32, #tpu.memory_space<vmem>>) offsets(%dma_start3A_50 : memref<128xi32, #tpu.memory_space<vmem>>) semaphore(%arg15 : memref<!tpu.dma_semaphore, #tpu.memory_space<semaphore_mem>>)
      %dma_start3A_54 = arith.constant 256 : i32
      %dma_start3A_55 = arith.constant 0 : i32
      %dma_start3A_56 = tpu.memref_slice %arg12[%dma_start3A_54, %dma_start3A_55] : memref<1008x16xf32, #tpu.memory_space<vmem>> -> memref<128x16xf32, #tpu.memory_space<vmem>>
      %dma_start3A_57 = arith.constant 256 : i32
      %dma_start3A_58 = tpu.memref_slice %arg8[%dma_start3A_57] : memref<1008xi32, #tpu.memory_space<vmem>> -> memref<128xi32, #tpu.memory_space<vmem>>
      %dma_start3A_59 = arith.constant 0 : i32
      %dma_start3A_60 = arith.constant 0 : i32
      %dma_start3A_61 = tpu.memref_slice %arg2[%dma_start3A_59, %dma_start3A_60] : memref<1107456x16xf32, #tpu.memory_space<hbm>> -> memref<1107456x16xf32, #tpu.memory_space<hbm>>
      tpu.enqueue_indirect_dma source(%dma_start3A_61 : memref<1107456x16xf32, #tpu.memory_space<hbm>>) target(%dma_start3A_56 : memref<128x16xf32, #tpu.memory_space<vmem>>) offsets(%dma_start3A_58 : memref<128xi32, #tpu.memory_space<vmem>>) semaphore(%arg15 : memref<!tpu.dma_semaphore, #tpu.memory_space<semaphore_mem>>)
      %dma_start3A_62 = arith.constant 256 : i32
      %dma_start3A_63 = arith.constant 0 : i32
      %dma_start3A_64 = tpu.memref_slice %arg13[%dma_start3A_62, %dma_start3A_63] : memref<1008x16xf32, #tpu.memory_space<vmem>> -> memref<128x16xf32, #tpu.memory_space<vmem>>
      %dma_start3A_65 = arith.constant 256 : i32
      %dma_start3A_66 = tpu.memref_slice %arg9[%dma_start3A_65] : memref<1008xi32, #tpu.memory_space<vmem>> -> memref<128xi32, #tpu.memory_space<vmem>>
      %dma_start3A_67 = arith.constant 0 : i32
      %dma_start3A_68 = arith.constant 0 : i32
      %dma_start3A_69 = tpu.memref_slice %arg2[%dma_start3A_67, %dma_start3A_68] : memref<1107456x16xf32, #tpu.memory_space<hbm>> -> memref<1107456x16xf32, #tpu.memory_space<hbm>>
      tpu.enqueue_indirect_dma source(%dma_start3A_69 : memref<1107456x16xf32, #tpu.memory_space<hbm>>) target(%dma_start3A_64 : memref<128x16xf32, #tpu.memory_space<vmem>>) offsets(%dma_start3A_66 : memref<128xi32, #tpu.memory_space<vmem>>) semaphore(%arg15 : memref<!tpu.dma_semaphore, #tpu.memory_space<semaphore_mem>>)
      %dma_start3A_70 = arith.constant 384 : i32
      %dma_start3A_71 = arith.constant 0 : i32
      %dma_start3A_72 = tpu.memref_slice %arg12[%dma_start3A_70, %dma_start3A_71] : memref<1008x16xf32, #tpu.memory_space<vmem>> -> memref<128x16xf32, #tpu.memory_space<vmem>>
      %dma_start3A_73 = arith.constant 384 : i32
      %dma_start3A_74 = tpu.memref_slice %arg8[%dma_start3A_73] : memref<1008xi32, #tpu.memory_space<vmem>> -> memref<128xi32, #tpu.memory_space<vmem>>
      %dma_start3A_75 = arith.constant 0 : i32
      %dma_start3A_76 = arith.constant 0 : i32
      %dma_start3A_77 = tpu.memref_slice %arg2[%dma_start3A_75, %dma_start3A_76] : memref<1107456x16xf32, #tpu.memory_space<hbm>> -> memref<1107456x16xf32, #tpu.memory_space<hbm>>
      tpu.enqueue_indirect_dma source(%dma_start3A_77 : memref<1107456x16xf32, #tpu.memory_space<hbm>>) target(%dma_start3A_72 : memref<128x16xf32, #tpu.memory_space<vmem>>) offsets(%dma_start3A_74 : memref<128xi32, #tpu.memory_space<vmem>>) semaphore(%arg15 : memref<!tpu.dma_semaphore, #tpu.memory_space<semaphore_mem>>)
      %dma_start3A_78 = arith.constant 384 : i32
      %dma_start3A_79 = arith.constant 0 : i32
      %dma_start3A_80 = tpu.memref_slice %arg13[%dma_start3A_78, %dma_start3A_79] : memref<1008x16xf32, #tpu.memory_space<vmem>> -> memref<128x16xf32, #tpu.memory_space<vmem>>
      %dma_start3A_81 = arith.constant 384 : i32
      %dma_start3A_82 = tpu.memref_slice %arg9[%dma_start3A_81] : memref<1008xi32, #tpu.memory_space<vmem>> -> memref<128xi32, #tpu.memory_space<vmem>>
      %dma_start3A_83 = arith.constant 0 : i32
      %dma_start3A_84 = arith.constant 0 : i32
      %dma_start3A_85 = tpu.memref_slice %arg2[%dma_start3A_83, %dma_start3A_84] : memref<1107456x16xf32, #tpu.memory_space<hbm>> -> memref<1107456x16xf32, #tpu.memory_space<hbm>>
      tpu.enqueue_indirect_dma source(%dma_start3A_85 : memref<1107456x16xf32, #tpu.memory_space<hbm>>) target(%dma_start3A_80 : memref<128x16xf32, #tpu.memory_space<vmem>>) offsets(%dma_start3A_82 : memref<128xi32, #tpu.memory_space<vmem>>) semaphore(%arg15 : memref<!tpu.dma_semaphore, #tpu.memory_space<semaphore_mem>>)
      %dma_start3A_86 = arith.constant 512 : i32
      %dma_start3A_87 = arith.constant 0 : i32
      %dma_start3A_88 = tpu.memref_slice %arg12[%dma_start3A_86, %dma_start3A_87] : memref<1008x16xf32, #tpu.memory_space<vmem>> -> memref<128x16xf32, #tpu.memory_space<vmem>>
      %dma_start3A_89 = arith.constant 512 : i32
      %dma_start3A_90 = tpu.memref_slice %arg8[%dma_start3A_89] : memref<1008xi32, #tpu.memory_space<vmem>> -> memref<128xi32, #tpu.memory_space<vmem>>
      %dma_start3A_91 = arith.constant 0 : i32
      %dma_start3A_92 = arith.constant 0 : i32
      %dma_start3A_93 = tpu.memref_slice %arg2[%dma_start3A_91, %dma_start3A_92] : memref<1107456x16xf32, #tpu.memory_space<hbm>> -> memref<1107456x16xf32, #tpu.memory_space<hbm>>
      tpu.enqueue_indirect_dma source(%dma_start3A_93 : memref<1107456x16xf32, #tpu.memory_space<hbm>>) target(%dma_start3A_88 : memref<128x16xf32, #tpu.memory_space<vmem>>) offsets(%dma_start3A_90 : memref<128xi32, #tpu.memory_space<vmem>>) semaphore(%arg15 : memref<!tpu.dma_semaphore, #tpu.memory_space<semaphore_mem>>)
      %dma_start3A_94 = arith.constant 512 : i32
      %dma_start3A_95 = arith.constant 0 : i32
      %dma_start3A_96 = tpu.memref_slice %arg13[%dma_start3A_94, %dma_start3A_95] : memref<1008x16xf32, #tpu.memory_space<vmem>> -> memref<128x16xf32, #tpu.memory_space<vmem>>
      %dma_start3A_97 = arith.constant 512 : i32
      %dma_start3A_98 = tpu.memref_slice %arg9[%dma_start3A_97] : memref<1008xi32, #tpu.memory_space<vmem>> -> memref<128xi32, #tpu.memory_space<vmem>>
      %dma_start3A_99 = arith.constant 0 : i32
      %dma_start3A_100 = arith.constant 0 : i32
      %dma_start3A_101 = tpu.memref_slice %arg2[%dma_start3A_99, %dma_start3A_100] : memref<1107456x16xf32, #tpu.memory_space<hbm>> -> memref<1107456x16xf32, #tpu.memory_space<hbm>>
      tpu.enqueue_indirect_dma source(%dma_start3A_101 : memref<1107456x16xf32, #tpu.memory_space<hbm>>) target(%dma_start3A_96 : memref<128x16xf32, #tpu.memory_space<vmem>>) offsets(%dma_start3A_98 : memref<128xi32, #tpu.memory_space<vmem>>) semaphore(%arg15 : memref<!tpu.dma_semaphore, #tpu.memory_space<semaphore_mem>>)
      %dma_start3A_102 = arith.constant 640 : i32
      %dma_start3A_103 = arith.constant 0 : i32
      %dma_start3A_104 = tpu.memref_slice %arg12[%dma_start3A_102, %dma_start3A_103] : memref<1008x16xf32, #tpu.memory_space<vmem>> -> memref<128x16xf32, #tpu.memory_space<vmem>>
      %dma_start3A_105 = arith.constant 640 : i32
      %dma_start3A_106 = tpu.memref_slice %arg8[%dma_start3A_105] : memref<1008xi32, #tpu.memory_space<vmem>> -> memref<128xi32, #tpu.memory_space<vmem>>
      %dma_start3A_107 = arith.constant 0 : i32
      %dma_start3A_108 = arith.constant 0 : i32
      %dma_start3A_109 = tpu.memref_slice %arg2[%dma_start3A_107, %dma_start3A_108] : memref<1107456x16xf32, #tpu.memory_space<hbm>> -> memref<1107456x16xf32, #tpu.memory_space<hbm>>
      tpu.enqueue_indirect_dma source(%dma_start3A_109 : memref<1107456x16xf32, #tpu.memory_space<hbm>>) target(%dma_start3A_104 : memref<128x16xf32, #tpu.memory_space<vmem>>) offsets(%dma_start3A_106 : memref<128xi32, #tpu.memory_space<vmem>>) semaphore(%arg15 : memref<!tpu.dma_semaphore, #tpu.memory_space<semaphore_mem>>)
      %dma_start3A_110 = arith.constant 640 : i32
      %dma_start3A_111 = arith.constant 0 : i32
      %dma_start3A_112 = tpu.memref_slice %arg13[%dma_start3A_110, %dma_start3A_111] : memref<1008x16xf32, #tpu.memory_space<vmem>> -> memref<128x16xf32, #tpu.memory_space<vmem>>
      %dma_start3A_113 = arith.constant 640 : i32
      %dma_start3A_114 = tpu.memref_slice %arg9[%dma_start3A_113] : memref<1008xi32, #tpu.memory_space<vmem>> -> memref<128xi32, #tpu.memory_space<vmem>>
      %dma_start3A_115 = arith.constant 0 : i32
      %dma_start3A_116 = arith.constant 0 : i32
      %dma_start3A_117 = tpu.memref_slice %arg2[%dma_start3A_115, %dma_start3A_116] : memref<1107456x16xf32, #tpu.memory_space<hbm>> -> memref<1107456x16xf32, #tpu.memory_space<hbm>>
      tpu.enqueue_indirect_dma source(%dma_start3A_117 : memref<1107456x16xf32, #tpu.memory_space<hbm>>) target(%dma_start3A_112 : memref<128x16xf32, #tpu.memory_space<vmem>>) offsets(%dma_start3A_114 : memref<128xi32, #tpu.memory_space<vmem>>) semaphore(%arg15 : memref<!tpu.dma_semaphore, #tpu.memory_space<semaphore_mem>>)
      %dma_start3A_118 = arith.constant 768 : i32
      %dma_start3A_119 = arith.constant 0 : i32
      %dma_start3A_120 = tpu.memref_slice %arg12[%dma_start3A_118, %dma_start3A_119] : memref<1008x16xf32, #tpu.memory_space<vmem>> -> memref<128x16xf32, #tpu.memory_space<vmem>>
      %dma_start3A_121 = arith.constant 768 : i32
      %dma_start3A_122 = tpu.memref_slice %arg8[%dma_start3A_121] : memref<1008xi32, #tpu.memory_space<vmem>> -> memref<128xi32, #tpu.memory_space<vmem>>
      %dma_start3A_123 = arith.constant 0 : i32
      %dma_start3A_124 = arith.constant 0 : i32
      %dma_start3A_125 = tpu.memref_slice %arg2[%dma_start3A_123, %dma_start3A_124] : memref<1107456x16xf32, #tpu.memory_space<hbm>> -> memref<1107456x16xf32, #tpu.memory_space<hbm>>
      tpu.enqueue_indirect_dma source(%dma_start3A_125 : memref<1107456x16xf32, #tpu.memory_space<hbm>>) target(%dma_start3A_120 : memref<128x16xf32, #tpu.memory_space<vmem>>) offsets(%dma_start3A_122 : memref<128xi32, #tpu.memory_space<vmem>>) semaphore(%arg15 : memref<!tpu.dma_semaphore, #tpu.memory_space<semaphore_mem>>)
      %dma_start3A_126 = arith.constant 768 : i32
      %dma_start3A_127 = arith.constant 0 : i32
      %dma_start3A_128 = tpu.memref_slice %arg13[%dma_start3A_126, %dma_start3A_127] : memref<1008x16xf32, #tpu.memory_space<vmem>> -> memref<128x16xf32, #tpu.memory_space<vmem>>
      %dma_start3A_129 = arith.constant 768 : i32
      %dma_start3A_130 = tpu.memref_slice %arg9[%dma_start3A_129] : memref<1008xi32, #tpu.memory_space<vmem>> -> memref<128xi32, #tpu.memory_space<vmem>>
      %dma_start3A_131 = arith.constant 0 : i32
      %dma_start3A_132 = arith.constant 0 : i32
      %dma_start3A_133 = tpu.memref_slice %arg2[%dma_start3A_131, %dma_start3A_132] : memref<1107456x16xf32, #tpu.memory_space<hbm>> -> memref<1107456x16xf32, #tpu.memory_space<hbm>>
      tpu.enqueue_indirect_dma source(%dma_start3A_133 : memref<1107456x16xf32, #tpu.memory_space<hbm>>) target(%dma_start3A_128 : memref<128x16xf32, #tpu.memory_space<vmem>>) offsets(%dma_start3A_130 : memref<128xi32, #tpu.memory_space<vmem>>) semaphore(%arg15 : memref<!tpu.dma_semaphore, #tpu.memory_space<semaphore_mem>>)
      %dma_start3A_134 = arith.constant 896 : i32
      %dma_start3A_135 = arith.constant 0 : i32
      %dma_start3A_136 = tpu.memref_slice %arg12[%dma_start3A_134, %dma_start3A_135] : memref<1008x16xf32, #tpu.memory_space<vmem>> -> memref<112x16xf32, #tpu.memory_space<vmem>>
      %dma_start3A_137 = arith.constant 896 : i32
      %dma_start3A_138 = tpu.memref_slice %arg8[%dma_start3A_137] : memref<1008xi32, #tpu.memory_space<vmem>> -> memref<112xi32, #tpu.memory_space<vmem>>
      %dma_start3A_139 = arith.constant 0 : i32
      %dma_start3A_140 = arith.constant 0 : i32
      %dma_start3A_141 = tpu.memref_slice %arg2[%dma_start3A_139, %dma_start3A_140] : memref<1107456x16xf32, #tpu.memory_space<hbm>> -> memref<1107456x16xf32, #tpu.memory_space<hbm>>
      tpu.enqueue_indirect_dma source(%dma_start3A_141 : memref<1107456x16xf32, #tpu.memory_space<hbm>>) target(%dma_start3A_136 : memref<112x16xf32, #tpu.memory_space<vmem>>) offsets(%dma_start3A_138 : memref<112xi32, #tpu.memory_space<vmem>>) semaphore(%arg15 : memref<!tpu.dma_semaphore, #tpu.memory_space<semaphore_mem>>)
      %dma_start3A_142 = arith.constant 896 : i32
      %dma_start3A_143 = arith.constant 0 : i32
      %dma_start3A_144 = tpu.memref_slice %arg13[%dma_start3A_142, %dma_start3A_143] : memref<1008x16xf32, #tpu.memory_space<vmem>> -> memref<112x16xf32, #tpu.memory_space<vmem>>
      %dma_start3A_145 = arith.constant 896 : i32
      %dma_start3A_146 = tpu.memref_slice %arg9[%dma_start3A_145] : memref<1008xi32, #tpu.memory_space<vmem>> -> memref<112xi32, #tpu.memory_space<vmem>>
      %dma_start3A_147 = arith.constant 0 : i32
      %dma_start3A_148 = arith.constant 0 : i32
      %dma_start3A_149 = tpu.memref_slice %arg2[%dma_start3A_147, %dma_start3A_148] : memref<1107456x16xf32, #tpu.memory_space<hbm>> -> memref<1107456x16xf32, #tpu.memory_space<hbm>>
      tpu.enqueue_indirect_dma source(%dma_start3A_149 : memref<1107456x16xf32, #tpu.memory_space<hbm>>) target(%dma_start3A_144 : memref<112x16xf32, #tpu.memory_space<vmem>>) offsets(%dma_start3A_146 : memref<112xi32, #tpu.memory_space<vmem>>) semaphore(%arg15 : memref<!tpu.dma_semaphore, #tpu.memory_space<semaphore_mem>>)
      %dma_wait3A = arith.constant 0 : i32
      %dma_wait3A_150 = arith.constant 0 : i32
      %dma_wait3A_151 = tpu.memref_slice %arg12[%dma_wait3A, %dma_wait3A_150] : memref<1008x16xf32, #tpu.memory_space<vmem>> -> memref<128x16xf32, #tpu.memory_space<vmem>>
      %dma_wait3A_152 = arith.constant 0 : i32
      %dma_wait3A_153 = tpu.memref_slice %arg8[%dma_wait3A_152] : memref<1008xi32, #tpu.memory_space<vmem>> -> memref<128xi32, #tpu.memory_space<vmem>>
      %dma_wait3A_154 = arith.constant 0 : i32
      %dma_wait3A_155 = arith.constant 0 : i32
      %dma_wait3A_156 = tpu.memref_slice %arg2[%dma_wait3A_154, %dma_wait3A_155] : memref<1107456x16xf32, #tpu.memory_space<hbm>> -> memref<1107456x16xf32, #tpu.memory_space<hbm>>
      tpu.wait_indirect_dma semaphore(%arg15 : memref<!tpu.dma_semaphore, #tpu.memory_space<semaphore_mem>>) src(%dma_wait3A_156 : memref<1107456x16xf32, #tpu.memory_space<hbm>>) dst(%dma_wait3A_151 : memref<128x16xf32, #tpu.memory_space<vmem>>)
      %dma_wait3A_157 = arith.constant 0 : i32
      %dma_wait3A_158 = arith.constant 0 : i32
      %dma_wait3A_159 = tpu.memref_slice %arg13[%dma_wait3A_157, %dma_wait3A_158] : memref<1008x16xf32, #tpu.memory_space<vmem>> -> memref<128x16xf32, #tpu.memory_space<vmem>>
      %dma_wait3A_160 = arith.constant 0 : i32
      %dma_wait3A_161 = tpu.memref_slice %arg9[%dma_wait3A_160] : memref<1008xi32, #tpu.memory_space<vmem>> -> memref<128xi32, #tpu.memory_space<vmem>>
      %dma_wait3A_162 = arith.constant 0 : i32
      %dma_wait3A_163 = arith.constant 0 : i32
      %dma_wait3A_164 = tpu.memref_slice %arg2[%dma_wait3A_162, %dma_wait3A_163] : memref<1107456x16xf32, #tpu.memory_space<hbm>> -> memref<1107456x16xf32, #tpu.memory_space<hbm>>
      tpu.wait_indirect_dma semaphore(%arg15 : memref<!tpu.dma_semaphore, #tpu.memory_space<semaphore_mem>>) src(%dma_wait3A_164 : memref<1107456x16xf32, #tpu.memory_space<hbm>>) dst(%dma_wait3A_159 : memref<128x16xf32, #tpu.memory_space<vmem>>)
      %dma_wait3A_165 = arith.constant 128 : i32
      %dma_wait3A_166 = arith.constant 0 : i32
      %dma_wait3A_167 = tpu.memref_slice %arg12[%dma_wait3A_165, %dma_wait3A_166] : memref<1008x16xf32, #tpu.memory_space<vmem>> -> memref<128x16xf32, #tpu.memory_space<vmem>>
      %dma_wait3A_168 = arith.constant 128 : i32
      %dma_wait3A_169 = tpu.memref_slice %arg8[%dma_wait3A_168] : memref<1008xi32, #tpu.memory_space<vmem>> -> memref<128xi32, #tpu.memory_space<vmem>>
      %dma_wait3A_170 = arith.constant 0 : i32
      %dma_wait3A_171 = arith.constant 0 : i32
      %dma_wait3A_172 = tpu.memref_slice %arg2[%dma_wait3A_170, %dma_wait3A_171] : memref<1107456x16xf32, #tpu.memory_space<hbm>> -> memref<1107456x16xf32, #tpu.memory_space<hbm>>
      tpu.wait_indirect_dma semaphore(%arg15 : memref<!tpu.dma_semaphore, #tpu.memory_space<semaphore_mem>>) src(%dma_wait3A_172 : memref<1107456x16xf32, #tpu.memory_space<hbm>>) dst(%dma_wait3A_167 : memref<128x16xf32, #tpu.memory_space<vmem>>)
      %dma_wait3A_173 = arith.constant 128 : i32
      %dma_wait3A_174 = arith.constant 0 : i32
      %dma_wait3A_175 = tpu.memref_slice %arg13[%dma_wait3A_173, %dma_wait3A_174] : memref<1008x16xf32, #tpu.memory_space<vmem>> -> memref<128x16xf32, #tpu.memory_space<vmem>>
      %dma_wait3A_176 = arith.constant 128 : i32
      %dma_wait3A_177 = tpu.memref_slice %arg9[%dma_wait3A_176] : memref<1008xi32, #tpu.memory_space<vmem>> -> memref<128xi32, #tpu.memory_space<vmem>>
      %dma_wait3A_178 = arith.constant 0 : i32
      %dma_wait3A_179 = arith.constant 0 : i32
      %dma_wait3A_180 = tpu.memref_slice %arg2[%dma_wait3A_178, %dma_wait3A_179] : memref<1107456x16xf32, #tpu.memory_space<hbm>> -> memref<1107456x16xf32, #tpu.memory_space<hbm>>
      tpu.wait_indirect_dma semaphore(%arg15 : memref<!tpu.dma_semaphore, #tpu.memory_space<semaphore_mem>>) src(%dma_wait3A_180 : memref<1107456x16xf32, #tpu.memory_space<hbm>>) dst(%dma_wait3A_175 : memref<128x16xf32, #tpu.memory_space<vmem>>)
      %dma_wait3A_181 = arith.constant 256 : i32
      %dma_wait3A_182 = arith.constant 0 : i32
      %dma_wait3A_183 = tpu.memref_slice %arg12[%dma_wait3A_181, %dma_wait3A_182] : memref<1008x16xf32, #tpu.memory_space<vmem>> -> memref<128x16xf32, #tpu.memory_space<vmem>>
      %dma_wait3A_184 = arith.constant 256 : i32
      %dma_wait3A_185 = tpu.memref_slice %arg8[%dma_wait3A_184] : memref<1008xi32, #tpu.memory_space<vmem>> -> memref<128xi32, #tpu.memory_space<vmem>>
      %dma_wait3A_186 = arith.constant 0 : i32
      %dma_wait3A_187 = arith.constant 0 : i32
      %dma_wait3A_188 = tpu.memref_slice %arg2[%dma_wait3A_186, %dma_wait3A_187] : memref<1107456x16xf32, #tpu.memory_space<hbm>> -> memref<1107456x16xf32, #tpu.memory_space<hbm>>
      tpu.wait_indirect_dma semaphore(%arg15 : memref<!tpu.dma_semaphore, #tpu.memory_space<semaphore_mem>>) src(%dma_wait3A_188 : memref<1107456x16xf32, #tpu.memory_space<hbm>>) dst(%dma_wait3A_183 : memref<128x16xf32, #tpu.memory_space<vmem>>)
      %dma_wait3A_189 = arith.constant 256 : i32
      %dma_wait3A_190 = arith.constant 0 : i32
      %dma_wait3A_191 = tpu.memref_slice %arg13[%dma_wait3A_189, %dma_wait3A_190] : memref<1008x16xf32, #tpu.memory_space<vmem>> -> memref<128x16xf32, #tpu.memory_space<vmem>>
      %dma_wait3A_192 = arith.constant 256 : i32
      %dma_wait3A_193 = tpu.memref_slice %arg9[%dma_wait3A_192] : memref<1008xi32, #tpu.memory_space<vmem>> -> memref<128xi32, #tpu.memory_space<vmem>>
      %dma_wait3A_194 = arith.constant 0 : i32
      %dma_wait3A_195 = arith.constant 0 : i32
      %dma_wait3A_196 = tpu.memref_slice %arg2[%dma_wait3A_194, %dma_wait3A_195] : memref<1107456x16xf32, #tpu.memory_space<hbm>> -> memref<1107456x16xf32, #tpu.memory_space<hbm>>
      tpu.wait_indirect_dma semaphore(%arg15 : memref<!tpu.dma_semaphore, #tpu.memory_space<semaphore_mem>>) src(%dma_wait3A_196 : memref<1107456x16xf32, #tpu.memory_space<hbm>>) dst(%dma_wait3A_191 : memref<128x16xf32, #tpu.memory_space<vmem>>)
      %dma_wait3A_197 = arith.constant 384 : i32
      %dma_wait3A_198 = arith.constant 0 : i32
      %dma_wait3A_199 = tpu.memref_slice %arg12[%dma_wait3A_197, %dma_wait3A_198] : memref<1008x16xf32, #tpu.memory_space<vmem>> -> memref<128x16xf32, #tpu.memory_space<vmem>>
      %dma_wait3A_200 = arith.constant 384 : i32
      %dma_wait3A_201 = tpu.memref_slice %arg8[%dma_wait3A_200] : memref<1008xi32, #tpu.memory_space<vmem>> -> memref<128xi32, #tpu.memory_space<vmem>>
      %dma_wait3A_202 = arith.constant 0 : i32
      %dma_wait3A_203 = arith.constant 0 : i32
      %dma_wait3A_204 = tpu.memref_slice %arg2[%dma_wait3A_202, %dma_wait3A_203] : memref<1107456x16xf32, #tpu.memory_space<hbm>> -> memref<1107456x16xf32, #tpu.memory_space<hbm>>
      tpu.wait_indirect_dma semaphore(%arg15 : memref<!tpu.dma_semaphore, #tpu.memory_space<semaphore_mem>>) src(%dma_wait3A_204 : memref<1107456x16xf32, #tpu.memory_space<hbm>>) dst(%dma_wait3A_199 : memref<128x16xf32, #tpu.memory_space<vmem>>)
      %dma_wait3A_205 = arith.constant 384 : i32
      %dma_wait3A_206 = arith.constant 0 : i32
      %dma_wait3A_207 = tpu.memref_slice %arg13[%dma_wait3A_205, %dma_wait3A_206] : memref<1008x16xf32, #tpu.memory_space<vmem>> -> memref<128x16xf32, #tpu.memory_space<vmem>>
      %dma_wait3A_208 = arith.constant 384 : i32
      %dma_wait3A_209 = tpu.memref_slice %arg9[%dma_wait3A_208] : memref<1008xi32, #tpu.memory_space<vmem>> -> memref<128xi32, #tpu.memory_space<vmem>>
      %dma_wait3A_210 = arith.constant 0 : i32
      %dma_wait3A_211 = arith.constant 0 : i32
      %dma_wait3A_212 = tpu.memref_slice %arg2[%dma_wait3A_210, %dma_wait3A_211] : memref<1107456x16xf32, #tpu.memory_space<hbm>> -> memref<1107456x16xf32, #tpu.memory_space<hbm>>
      tpu.wait_indirect_dma semaphore(%arg15 : memref<!tpu.dma_semaphore, #tpu.memory_space<semaphore_mem>>) src(%dma_wait3A_212 : memref<1107456x16xf32, #tpu.memory_space<hbm>>) dst(%dma_wait3A_207 : memref<128x16xf32, #tpu.memory_space<vmem>>)
      %dma_wait3A_213 = arith.constant 512 : i32
      %dma_wait3A_214 = arith.constant 0 : i32
      %dma_wait3A_215 = tpu.memref_slice %arg12[%dma_wait3A_213, %dma_wait3A_214] : memref<1008x16xf32, #tpu.memory_space<vmem>> -> memref<128x16xf32, #tpu.memory_space<vmem>>
      %dma_wait3A_216 = arith.constant 512 : i32
      %dma_wait3A_217 = tpu.memref_slice %arg8[%dma_wait3A_216] : memref<1008xi32, #tpu.memory_space<vmem>> -> memref<128xi32, #tpu.memory_space<vmem>>
      %dma_wait3A_218 = arith.constant 0 : i32
      %dma_wait3A_219 = arith.constant 0 : i32
      %dma_wait3A_220 = tpu.memref_slice %arg2[%dma_wait3A_218, %dma_wait3A_219] : memref<1107456x16xf32, #tpu.memory_space<hbm>> -> memref<1107456x16xf32, #tpu.memory_space<hbm>>
      tpu.wait_indirect_dma semaphore(%arg15 : memref<!tpu.dma_semaphore, #tpu.memory_space<semaphore_mem>>) src(%dma_wait3A_220 : memref<1107456x16xf32, #tpu.memory_space<hbm>>) dst(%dma_wait3A_215 : memref<128x16xf32, #tpu.memory_space<vmem>>)
      %dma_wait3A_221 = arith.constant 512 : i32
      %dma_wait3A_222 = arith.constant 0 : i32
      %dma_wait3A_223 = tpu.memref_slice %arg13[%dma_wait3A_221, %dma_wait3A_222] : memref<1008x16xf32, #tpu.memory_space<vmem>> -> memref<128x16xf32, #tpu.memory_space<vmem>>
      %dma_wait3A_224 = arith.constant 512 : i32
      %dma_wait3A_225 = tpu.memref_slice %arg9[%dma_wait3A_224] : memref<1008xi32, #tpu.memory_space<vmem>> -> memref<128xi32, #tpu.memory_space<vmem>>
      %dma_wait3A_226 = arith.constant 0 : i32
      %dma_wait3A_227 = arith.constant 0 : i32
      %dma_wait3A_228 = tpu.memref_slice %arg2[%dma_wait3A_226, %dma_wait3A_227] : memref<1107456x16xf32, #tpu.memory_space<hbm>> -> memref<1107456x16xf32, #tpu.memory_space<hbm>>
      tpu.wait_indirect_dma semaphore(%arg15 : memref<!tpu.dma_semaphore, #tpu.memory_space<semaphore_mem>>) src(%dma_wait3A_228 : memref<1107456x16xf32, #tpu.memory_space<hbm>>) dst(%dma_wait3A_223 : memref<128x16xf32, #tpu.memory_space<vmem>>)
      %dma_wait3A_229 = arith.constant 640 : i32
      %dma_wait3A_230 = arith.constant 0 : i32
      %dma_wait3A_231 = tpu.memref_slice %arg12[%dma_wait3A_229, %dma_wait3A_230] : memref<1008x16xf32, #tpu.memory_space<vmem>> -> memref<128x16xf32, #tpu.memory_space<vmem>>
      %dma_wait3A_232 = arith.constant 640 : i32
      %dma_wait3A_233 = tpu.memref_slice %arg8[%dma_wait3A_232] : memref<1008xi32, #tpu.memory_space<vmem>> -> memref<128xi32, #tpu.memory_space<vmem>>
      %dma_wait3A_234 = arith.constant 0 : i32
      %dma_wait3A_235 = arith.constant 0 : i32
      %dma_wait3A_236 = tpu.memref_slice %arg2[%dma_wait3A_234, %dma_wait3A_235] : memref<1107456x16xf32, #tpu.memory_space<hbm>> -> memref<1107456x16xf32, #tpu.memory_space<hbm>>
      tpu.wait_indirect_dma semaphore(%arg15 : memref<!tpu.dma_semaphore, #tpu.memory_space<semaphore_mem>>) src(%dma_wait3A_236 : memref<1107456x16xf32, #tpu.memory_space<hbm>>) dst(%dma_wait3A_231 : memref<128x16xf32, #tpu.memory_space<vmem>>)
      %dma_wait3A_237 = arith.constant 640 : i32
      %dma_wait3A_238 = arith.constant 0 : i32
      %dma_wait3A_239 = tpu.memref_slice %arg13[%dma_wait3A_237, %dma_wait3A_238] : memref<1008x16xf32, #tpu.memory_space<vmem>> -> memref<128x16xf32, #tpu.memory_space<vmem>>
      %dma_wait3A_240 = arith.constant 640 : i32
      %dma_wait3A_241 = tpu.memref_slice %arg9[%dma_wait3A_240] : memref<1008xi32, #tpu.memory_space<vmem>> -> memref<128xi32, #tpu.memory_space<vmem>>
      %dma_wait3A_242 = arith.constant 0 : i32
      %dma_wait3A_243 = arith.constant 0 : i32
      %dma_wait3A_244 = tpu.memref_slice %arg2[%dma_wait3A_242, %dma_wait3A_243] : memref<1107456x16xf32, #tpu.memory_space<hbm>> -> memref<1107456x16xf32, #tpu.memory_space<hbm>>
      tpu.wait_indirect_dma semaphore(%arg15 : memref<!tpu.dma_semaphore, #tpu.memory_space<semaphore_mem>>) src(%dma_wait3A_244 : memref<1107456x16xf32, #tpu.memory_space<hbm>>) dst(%dma_wait3A_239 : memref<128x16xf32, #tpu.memory_space<vmem>>)
      %dma_wait3A_245 = arith.constant 768 : i32
      %dma_wait3A_246 = arith.constant 0 : i32
      %dma_wait3A_247 = tpu.memref_slice %arg12[%dma_wait3A_245, %dma_wait3A_246] : memref<1008x16xf32, #tpu.memory_space<vmem>> -> memref<128x16xf32, #tpu.memory_space<vmem>>
      %dma_wait3A_248 = arith.constant 768 : i32
      %dma_wait3A_249 = tpu.memref_slice %arg8[%dma_wait3A_248] : memref<1008xi32, #tpu.memory_space<vmem>> -> memref<128xi32, #tpu.memory_space<vmem>>
      %dma_wait3A_250 = arith.constant 0 : i32
      %dma_wait3A_251 = arith.constant 0 : i32
      %dma_wait3A_252 = tpu.memref_slice %arg2[%dma_wait3A_250, %dma_wait3A_251] : memref<1107456x16xf32, #tpu.memory_space<hbm>> -> memref<1107456x16xf32, #tpu.memory_space<hbm>>
      tpu.wait_indirect_dma semaphore(%arg15 : memref<!tpu.dma_semaphore, #tpu.memory_space<semaphore_mem>>) src(%dma_wait3A_252 : memref<1107456x16xf32, #tpu.memory_space<hbm>>) dst(%dma_wait3A_247 : memref<128x16xf32, #tpu.memory_space<vmem>>)
      %dma_wait3A_253 = arith.constant 768 : i32
      %dma_wait3A_254 = arith.constant 0 : i32
      %dma_wait3A_255 = tpu.memref_slice %arg13[%dma_wait3A_253, %dma_wait3A_254] : memref<1008x16xf32, #tpu.memory_space<vmem>> -> memref<128x16xf32, #tpu.memory_space<vmem>>
      %dma_wait3A_256 = arith.constant 768 : i32
      %dma_wait3A_257 = tpu.memref_slice %arg9[%dma_wait3A_256] : memref<1008xi32, #tpu.memory_space<vmem>> -> memref<128xi32, #tpu.memory_space<vmem>>
      %dma_wait3A_258 = arith.constant 0 : i32
      %dma_wait3A_259 = arith.constant 0 : i32
      %dma_wait3A_260 = tpu.memref_slice %arg2[%dma_wait3A_258, %dma_wait3A_259] : memref<1107456x16xf32, #tpu.memory_space<hbm>> -> memref<1107456x16xf32, #tpu.memory_space<hbm>>
      tpu.wait_indirect_dma semaphore(%arg15 : memref<!tpu.dma_semaphore, #tpu.memory_space<semaphore_mem>>) src(%dma_wait3A_260 : memref<1107456x16xf32, #tpu.memory_space<hbm>>) dst(%dma_wait3A_255 : memref<128x16xf32, #tpu.memory_space<vmem>>)
      %dma_wait3A_261 = arith.constant 896 : i32
      %dma_wait3A_262 = arith.constant 0 : i32
      %dma_wait3A_263 = tpu.memref_slice %arg12[%dma_wait3A_261, %dma_wait3A_262] : memref<1008x16xf32, #tpu.memory_space<vmem>> -> memref<112x16xf32, #tpu.memory_space<vmem>>
      %dma_wait3A_264 = arith.constant 896 : i32
      %dma_wait3A_265 = tpu.memref_slice %arg8[%dma_wait3A_264] : memref<1008xi32, #tpu.memory_space<vmem>> -> memref<112xi32, #tpu.memory_space<vmem>>
      %dma_wait3A_266 = arith.constant 0 : i32
      %dma_wait3A_267 = arith.constant 0 : i32
      %dma_wait3A_268 = tpu.memref_slice %arg2[%dma_wait3A_266, %dma_wait3A_267] : memref<1107456x16xf32, #tpu.memory_space<hbm>> -> memref<1107456x16xf32, #tpu.memory_space<hbm>>
      tpu.wait_indirect_dma semaphore(%arg15 : memref<!tpu.dma_semaphore, #tpu.memory_space<semaphore_mem>>) src(%dma_wait3A_268 : memref<1107456x16xf32, #tpu.memory_space<hbm>>) dst(%dma_wait3A_263 : memref<112x16xf32, #tpu.memory_space<vmem>>)
      %dma_wait3A_269 = arith.constant 896 : i32
      %dma_wait3A_270 = arith.constant 0 : i32
      %dma_wait3A_271 = tpu.memref_slice %arg13[%dma_wait3A_269, %dma_wait3A_270] : memref<1008x16xf32, #tpu.memory_space<vmem>> -> memref<112x16xf32, #tpu.memory_space<vmem>>
      %dma_wait3A_272 = arith.constant 896 : i32
      %dma_wait3A_273 = tpu.memref_slice %arg9[%dma_wait3A_272] : memref<1008xi32, #tpu.memory_space<vmem>> -> memref<112xi32, #tpu.memory_space<vmem>>
      %dma_wait3A_274 = arith.constant 0 : i32
      %dma_wait3A_275 = arith.constant 0 : i32
      %dma_wait3A_276 = tpu.memref_slice %arg2[%dma_wait3A_274, %dma_wait3A_275] : memref<1107456x16xf32, #tpu.memory_space<hbm>> -> memref<1107456x16xf32, #tpu.memory_space<hbm>>
      tpu.wait_indirect_dma semaphore(%arg15 : memref<!tpu.dma_semaphore, #tpu.memory_space<semaphore_mem>>) src(%dma_wait3A_276 : memref<1107456x16xf32, #tpu.memory_space<hbm>>) dst(%dma_wait3A_271 : memref<112x16xf32, #tpu.memory_space<vmem>>)
      %scan3A_277 = arith.constant 0 : i32
      %scan3A_278 = arith.constant 0 : i32
      %scan3A_279 = arith.constant 63 : i32
      %scan3A_280 = arith.addi %scan3A_278, %scan3A_279 : i32
      %scan3A_281 = arith.constant 1 : i32
      %scan3A_282 = scf.for %scan3A_287 = %scan3A_278 to %scan3A_280 step %scan3A_281 iter_args(%scan3A_288 = %scan3A_277) -> (i32)  : i32 {
        %mul3A_289 = arith.constant 16 : i32
        %mul3A_290 = arith.muli %scan3A_287, %mul3A_289 : i32
        %get3A = arith.index_cast %mul3A_290 : i32 to index
        %get3A_291 = tpu.vector_load %arg10[%get3A] {strides = array<i32>} : memref<1008xf32, #tpu.memory_space<vmem>>, vector<16xf32>,
        %get3A_292 = vector.shape_cast %get3A_291 : vector<16xf32> to vector<16xf32>
        %mul3A_293 = arith.constant 16 : i32
        %mul3A_294 = arith.muli %scan3A_287, %mul3A_293 : i32
        %get3A_295 = arith.index_cast %mul3A_294 : i32 to index
        %get3A_296 = tpu.vector_load %arg11[%get3A_295] {strides = array<i32>} : memref<1008xf32, #tpu.memory_space<vmem>>, vector<16xf32>,
        %get3A_297 = vector.shape_cast %get3A_296 : vector<16xf32> to vector<16xf32>
        %mul3A_298 = arith.constant 16 : i32
        %mul3A_299 = arith.muli %scan3A_287, %mul3A_298 : i32
        %add3A_300 = arith.constant 0 : i32
        %add3A_301 = arith.addi %mul3A_299, %add3A_300 : i32
        %get3A_302 = arith.index_cast %add3A_301 : i32 to index
        %get3A_303 = arith.constant 0 : index
        %get3A_304 = tpu.vector_load %arg12[%get3A_302, %get3A_303] {strides = array<i32>} : memref<1008x16xf32, #tpu.memory_space<vmem>>, vector<1x16xf32>,
        %get3A_305 = vector.shape_cast %get3A_304 : vector<1x16xf32> to vector<16xf32>
        %get3A_306 = arith.index_cast %add3A_301 : i32 to index
        %get3A_307 = arith.constant 0 : index
        %get3A_308 = tpu.vector_load %arg13[%get3A_306, %get3A_307] {strides = array<i32>} : memref<1008x16xf32, #tpu.memory_space<vmem>>, vector<1x16xf32>,
        %get3A_309 = vector.shape_cast %get3A_308 : vector<1x16xf32> to vector<16xf32>
        %slice3A = vector.extract_strided_slice %get3A_292 {offsets = [0], sizes = [1], strides = [1]} : vector<16xf32> to vector<1xf32>
        %broadcast_in_dim3A = vector.shape_cast %slice3A : vector<1xf32> to vector<1xf32>
        %broadcast_in_dim3A_310 = vector.broadcast %broadcast_in_dim3A : vector<1xf32> to vector<16xf32>
        %slice3A_311 = vector.extract_strided_slice %get3A_297 {offsets = [0], sizes = [1], strides = [1]} : vector<16xf32> to vector<1xf32>
        %broadcast_in_dim3A_312 = vector.shape_cast %slice3A_311 : vector<1xf32> to vector<1xf32>
        %broadcast_in_dim3A_313 = vector.broadcast %broadcast_in_dim3A_312 : vector<1xf32> to vector<16xf32>
        %sub3A = arith.subf %get3A_309, %get3A_305 : vector<16xf32>
        %mul3A_314 = arith.mulf %broadcast_in_dim3A_310, %sub3A : vector<16xf32>
        %add3A_315 = arith.addf %get3A_305, %mul3A_314 : vector<16xf32>
        %rev3A = arith.constant 15 : i32
        %rev3A_316 = vector.broadcast %rev3A : i32 to vector<16xi32>
        %rev3A_317 = tpu.iota {dimensions = array<i32: 0>} : vector<16xi32>
        %rev3A_318 = arith.subi %rev3A_316, %rev3A_317 : vector<16xi32>
        %rev3A_319 = tpu.dynamic_gather %add3A_315[%rev3A_318] in [0] : vector<16xf32>, vector<16xi32> -> vector<16xf32>
        %sub3A_320 = arith.subf %rev3A_319, %add3A_315 : vector<16xf32>
        %mul3A_321 = arith.mulf %broadcast_in_dim3A_313, %sub3A_320 : vector<16xf32>
        %add3A_322 = arith.addf %add3A_315, %mul3A_321 : vector<16xf32>
        %mul3A_323 = arith.constant 8 : i32
        %mul3A_324 = arith.muli %add3A_301, %mul3A_323 : i32
        %swap3A = arith.index_cast %mul3A_324 : i32 to index
        %swap3A_325 = tpu.vector_load %arg14[%swap3A] {strides = array<i32>} : memref<8080xf32, #tpu.memory_space<vmem>>, vector<16xf32>,
        %swap3A_326 = vector.shape_cast %swap3A_325 : vector<16xf32> to vector<16xf32>
        %swap3A_327 = vector.shape_cast %add3A_322 : vector<16xf32> to vector<16xf32>
        tpu.vector_store %arg14[%swap3A], %swap3A_327 {strides = array<i32>} : memref<8080xf32, #tpu.memory_space<vmem>>, vector<16xf32>,
        %mul3A_328 = arith.constant 16 : i32
        %mul3A_329 = arith.muli %scan3A_287, %mul3A_328 : i32
        %add3A_330 = arith.constant 1 : i32
        %add3A_331 = arith.addi %mul3A_329, %add3A_330 : i32
        %get3A_332 = arith.index_cast %add3A_331 : i32 to index
        %get3A_333 = arith.constant 0 : index
        %get3A_334 = tpu.vector_load %arg12[%get3A_332, %get3A_333] {strides = array<i32>} : memref<1008x16xf32, #tpu.memory_space<vmem>>, vector<1x16xf32>,
        %get3A_335 = vector.shape_cast %get3A_334 : vector<1x16xf32> to vector<16xf32>
        %get3A_336 = arith.index_cast %add3A_331 : i32 to index
        %get3A_337 = arith.constant 0 : index
        %get3A_338 = tpu.vector_load %arg13[%get3A_336, %get3A_337] {strides = array<i32>} : memref<1008x16xf32, #tpu.memory_space<vmem>>, vector<1x16xf32>,
        %get3A_339 = vector.shape_cast %get3A_338 : vector<1x16xf32> to vector<16xf32>
        %slice3A_340 = vector.extract_strided_slice %get3A_292 {offsets = [1], sizes = [1], strides = [1]} : vector<16xf32> to vector<1xf32>
        %broadcast_in_dim3A_341 = vector.shape_cast %slice3A_340 : vector<1xf32> to vector<1xf32>
        %broadcast_in_dim3A_342 = vector.broadcast %broadcast_in_dim3A_341 : vector<1xf32> to vector<16xf32>
        %slice3A_343 = vector.extract_strided_slice %get3A_297 {offsets = [1], sizes = [1], strides = [1]} : vector<16xf32> to vector<1xf32>
        %broadcast_in_dim3A_344 = vector.shape_cast %slice3A_343 : vector<1xf32> to vector<1xf32>
        %broadcast_in_dim3A_345 = vector.broadcast %broadcast_in_dim3A_344 : vector<1xf32> to vector<16xf32>
        %sub3A_346 = arith.subf %get3A_339, %get3A_335 : vector<16xf32>
        %mul3A_347 = arith.mulf %broadcast_in_dim3A_342, %sub3A_346 : vector<16xf32>
        %add3A_348 = arith.addf %get3A_335, %mul3A_347 : vector<16xf32>
        %rev3A_349 = arith.constant 15 : i32
        %rev3A_350 = vector.broadcast %rev3A_349 : i32 to vector<16xi32>
        %rev3A_351 = tpu.iota {dimensions = array<i32: 0>} : vector<16xi32>
        %rev3A_352 = arith.subi %rev3A_350, %rev3A_351 : vector<16xi32>
        %rev3A_353 = tpu.dynamic_gather %add3A_348[%rev3A_352] in [0] : vector<16xf32>, vector<16xi32> -> vector<16xf32>
        %sub3A_354 = arith.subf %rev3A_353, %add3A_348 : vector<16xf32>
        %mul3A_355 = arith.mulf %broadcast_in_dim3A_345, %sub3A_354 : vector<16xf32>
        %add3A_356 = arith.addf %add3A_348, %mul3A_355 : vector<16xf32>
        %mul3A_357 = arith.constant 8 : i32
        %mul3A_358 = arith.muli %add3A_331, %mul3A_357 : i32
        %swap3A_359 = arith.index_cast %mul3A_358 : i32 to index
        %swap3A_360 = tpu.vector_load %arg14[%swap3A_359] {strides = array<i32>} : memref<8080xf32, #tpu.memory_space<vmem>>, vector<16xf32>,
        %swap3A_361 = vector.shape_cast %swap3A_360 : vector<16xf32> to vector<16xf32>
        %swap3A_362 = vector.shape_cast %add3A_356 : vector<16xf32> to vector<16xf32>
        tpu.vector_store %arg14[%swap3A_359], %swap3A_362 {strides = array<i32>} : memref<8080xf32, #tpu.memory_space<vmem>>, vector<16xf32>,
        %mul3A_363 = arith.constant 16 : i32
        %mul3A_364 = arith.muli %scan3A_287, %mul3A_363 : i32
        %add3A_365 = arith.constant 2 : i32
        %add3A_366 = arith.addi %mul3A_364, %add3A_365 : i32
        %get3A_367 = arith.index_cast %add3A_366 : i32 to index
        %get3A_368 = arith.constant 0 : index
        %get3A_369 = tpu.vector_load %arg12[%get3A_367, %get3A_368] {strides = array<i32>} : memref<1008x16xf32, #tpu.memory_space<vmem>>, vector<1x16xf32>,
        %get3A_370 = vector.shape_cast %get3A_369 : vector<1x16xf32> to vector<16xf32>
        %get3A_371 = arith.index_cast %add3A_366 : i32 to index
        %get3A_372 = arith.constant 0 : index
        %get3A_373 = tpu.vector_load %arg13[%get3A_371, %get3A_372] {strides = array<i32>} : memref<1008x16xf32, #tpu.memory_space<vmem>>, vector<1x16xf32>,
        %get3A_374 = vector.shape_cast %get3A_373 : vector<1x16xf32> to vector<16xf32>
        %slice3A_375 = vector.extract_strided_slice %get3A_292 {offsets = [2], sizes = [1], strides = [1]} : vector<16xf32> to vector<1xf32>
        %broadcast_in_dim3A_376 = vector.shape_cast %slice3A_375 : vector<1xf32> to vector<1xf32>
        %broadcast_in_dim3A_377 = vector.broadcast %broadcast_in_dim3A_376 : vector<1xf32> to vector<16xf32>
        %slice3A_378 = vector.extract_strided_slice %get3A_297 {offsets = [2], sizes = [1], strides = [1]} : vector<16xf32> to vector<1xf32>
        %broadcast_in_dim3A_379 = vector.shape_cast %slice3A_378 : vector<1xf32> to vector<1xf32>
        %broadcast_in_dim3A_380 = vector.broadcast %broadcast_in_dim3A_379 : vector<1xf32> to vector<16xf32>
        %sub3A_381 = arith.subf %get3A_374, %get3A_370 : vector<16xf32>
        %mul3A_382 = arith.mulf %broadcast_in_dim3A_377, %sub3A_381 : vector<16xf32>
        %add3A_383 = arith.addf %get3A_370, %mul3A_382 : vector<16xf32>
        %rev3A_384 = arith.constant 15 : i32
        %rev3A_385 = vector.broadcast %rev3A_384 : i32 to vector<16xi32>
        %rev3A_386 = tpu.iota {dimensions = array<i32: 0>} : vector<16xi32>
        %rev3A_387 = arith.subi %rev3A_385, %rev3A_386 : vector<16xi32>
        %rev3A_388 = tpu.dynamic_gather %add3A_383[%rev3A_387] in [0] : vector<16xf32>, vector<16xi32> -> vector<16xf32>
        %sub3A_389 = arith.subf %rev3A_388, %add3A_383 : vector<16xf32>
        %mul3A_390 = arith.mulf %broadcast_in_dim3A_380, %sub3A_389 : vector<16xf32>
        %add3A_391 = arith.addf %add3A_383, %mul3A_390 : vector<16xf32>
        %mul3A_392 = arith.constant 8 : i32
        %mul3A_393 = arith.muli %add3A_366, %mul3A_392 : i32
        %swap3A_394 = arith.index_cast %mul3A_393 : i32 to index
        %swap3A_395 = tpu.vector_load %arg14[%swap3A_394] {strides = array<i32>} : memref<8080xf32, #tpu.memory_space<vmem>>, vector<16xf32>,
        %swap3A_396 = vector.shape_cast %swap3A_395 : vector<16xf32> to vector<16xf32>
        %swap3A_397 = vector.shape_cast %add3A_391 : vector<16xf32> to vector<16xf32>
        tpu.vector_store %arg14[%swap3A_394], %swap3A_397 {strides = array<i32>} : memref<8080xf32, #tpu.memory_space<vmem>>, vector<16xf32>,
        %mul3A_398 = arith.constant 16 : i32
        %mul3A_399 = arith.muli %scan3A_287, %mul3A_398 : i32
        %add3A_400 = arith.constant 3 : i32
        %add3A_401 = arith.addi %mul3A_399, %add3A_400 : i32
        %get3A_402 = arith.index_cast %add3A_401 : i32 to index
        %get3A_403 = arith.constant 0 : index
        %get3A_404 = tpu.vector_load %arg12[%get3A_402, %get3A_403] {strides = array<i32>} : memref<1008x16xf32, #tpu.memory_space<vmem>>, vector<1x16xf32>,
        %get3A_405 = vector.shape_cast %get3A_404 : vector<1x16xf32> to vector<16xf32>
        %get3A_406 = arith.index_cast %add3A_401 : i32 to index
        %get3A_407 = arith.constant 0 : index
        %get3A_408 = tpu.vector_load %arg13[%get3A_406, %get3A_407] {strides = array<i32>} : memref<1008x16xf32, #tpu.memory_space<vmem>>, vector<1x16xf32>,
        %get3A_409 = vector.shape_cast %get3A_408 : vector<1x16xf32> to vector<16xf32>
        %slice3A_410 = vector.extract_strided_slice %get3A_292 {offsets = [3], sizes = [1], strides = [1]} : vector<16xf32> to vector<1xf32>
        %broadcast_in_dim3A_411 = vector.shape_cast %slice3A_410 : vector<1xf32> to vector<1xf32>
        %broadcast_in_dim3A_412 = vector.broadcast %broadcast_in_dim3A_411 : vector<1xf32> to vector<16xf32>
        %slice3A_413 = vector.extract_strided_slice %get3A_297 {offsets = [3], sizes = [1], strides = [1]} : vector<16xf32> to vector<1xf32>
        %broadcast_in_dim3A_414 = vector.shape_cast %slice3A_413 : vector<1xf32> to vector<1xf32>
        %broadcast_in_dim3A_415 = vector.broadcast %broadcast_in_dim3A_414 : vector<1xf32> to vector<16xf32>
        %sub3A_416 = arith.subf %get3A_409, %get3A_405 : vector<16xf32>
        %mul3A_417 = arith.mulf %broadcast_in_dim3A_412, %sub3A_416 : vector<16xf32>
        %add3A_418 = arith.addf %get3A_405, %mul3A_417 : vector<16xf32>
        %rev3A_419 = arith.constant 15 : i32
        %rev3A_420 = vector.broadcast %rev3A_419 : i32 to vector<16xi32>
        %rev3A_421 = tpu.iota {dimensions = array<i32: 0>} : vector<16xi32>
        %rev3A_422 = arith.subi %rev3A_420, %rev3A_421 : vector<16xi32>
        %rev3A_423 = tpu.dynamic_gather %add3A_418[%rev3A_422] in [0] : vector<16xf32>, vector<16xi32> -> vector<16xf32>
        %sub3A_424 = arith.subf %rev3A_423, %add3A_418 : vector<16xf32>
        %mul3A_425 = arith.mulf %broadcast_in_dim3A_415, %sub3A_424 : vector<16xf32>
        %add3A_426 = arith.addf %add3A_418, %mul3A_425 : vector<16xf32>
        %mul3A_427 = arith.constant 8 : i32
        %mul3A_428 = arith.muli %add3A_401, %mul3A_427 : i32
        %swap3A_429 = arith.index_cast %mul3A_428 : i32 to index
        %swap3A_430 = tpu.vector_load %arg14[%swap3A_429] {strides = array<i32>} : memref<8080xf32, #tpu.memory_space<vmem>>, vector<16xf32>,
        %swap3A_431 = vector.shape_cast %swap3A_430 : vector<16xf32> to vector<16xf32>
        %swap3A_432 = vector.shape_cast %add3A_426 : vector<16xf32> to vector<16xf32>
        tpu.vector_store %arg14[%swap3A_429], %swap3A_432 {strides = array<i32>} : memref<8080xf32, #tpu.memory_space<vmem>>, vector<16xf32>,
        %mul3A_433 = arith.constant 16 : i32
        %mul3A_434 = arith.muli %scan3A_287, %mul3A_433 : i32
        %add3A_435 = arith.constant 4 : i32
        %add3A_436 = arith.addi %mul3A_434, %add3A_435 : i32
        %get3A_437 = arith.index_cast %add3A_436 : i32 to index
        %get3A_438 = arith.constant 0 : index
        %get3A_439 = tpu.vector_load %arg12[%get3A_437, %get3A_438] {strides = array<i32>} : memref<1008x16xf32, #tpu.memory_space<vmem>>, vector<1x16xf32>,
        %get3A_440 = vector.shape_cast %get3A_439 : vector<1x16xf32> to vector<16xf32>
        %get3A_441 = arith.index_cast %add3A_436 : i32 to index
        %get3A_442 = arith.constant 0 : index
        %get3A_443 = tpu.vector_load %arg13[%get3A_441, %get3A_442] {strides = array<i32>} : memref<1008x16xf32, #tpu.memory_space<vmem>>, vector<1x16xf32>,
        %get3A_444 = vector.shape_cast %get3A_443 : vector<1x16xf32> to vector<16xf32>
        %slice3A_445 = vector.extract_strided_slice %get3A_292 {offsets = [4], sizes = [1], strides = [1]} : vector<16xf32> to vector<1xf32>
        %broadcast_in_dim3A_446 = vector.shape_cast %slice3A_445 : vector<1xf32> to vector<1xf32>
        %broadcast_in_dim3A_447 = vector.broadcast %broadcast_in_dim3A_446 : vector<1xf32> to vector<16xf32>
        %slice3A_448 = vector.extract_strided_slice %get3A_297 {offsets = [4], sizes = [1], strides = [1]} : vector<16xf32> to vector<1xf32>
        %broadcast_in_dim3A_449 = vector.shape_cast %slice3A_448 : vector<1xf32> to vector<1xf32>
        %broadcast_in_dim3A_450 = vector.broadcast %broadcast_in_dim3A_449 : vector<1xf32> to vector<16xf32>
        %sub3A_451 = arith.subf %get3A_444, %get3A_440 : vector<16xf32>
        %mul3A_452 = arith.mulf %broadcast_in_dim3A_447, %sub3A_451 : vector<16xf32>
        %add3A_453 = arith.addf %get3A_440, %mul3A_452 : vector<16xf32>
        %rev3A_454 = arith.constant 15 : i32
        %rev3A_455 = vector.broadcast %rev3A_454 : i32 to vector<16xi32>
        %rev3A_456 = tpu.iota {dimensions = array<i32: 0>} : vector<16xi32>
        %rev3A_457 = arith.subi %rev3A_455, %rev3A_456 : vector<16xi32>
        %rev3A_458 = tpu.dynamic_gather %add3A_453[%rev3A_457] in [0] : vector<16xf32>, vector<16xi32> -> vector<16xf32>
        %sub3A_459 = arith.subf %rev3A_458, %add3A_453 : vector<16xf32>
        %mul3A_460 = arith.mulf %broadcast_in_dim3A_450, %sub3A_459 : vector<16xf32>
        %add3A_461 = arith.addf %add3A_453, %mul3A_460 : vector<16xf32>
        %mul3A_462 = arith.constant 8 : i32
        %mul3A_463 = arith.muli %add3A_436, %mul3A_462 : i32
        %swap3A_464 = arith.index_cast %mul3A_463 : i32 to index
        %swap3A_465 = tpu.vector_load %arg14[%swap3A_464] {strides = array<i32>} : memref<8080xf32, #tpu.memory_space<vmem>>, vector<16xf32>,
        %swap3A_466 = vector.shape_cast %swap3A_465 : vector<16xf32> to vector<16xf32>
        %swap3A_467 = vector.shape_cast %add3A_461 : vector<16xf32> to vector<16xf32>
        tpu.vector_store %arg14[%swap3A_464], %swap3A_467 {strides = array<i32>} : memref<8080xf32, #tpu.memory_space<vmem>>, vector<16xf32>,
        %mul3A_468 = arith.constant 16 : i32
        %mul3A_469 = arith.muli %scan3A_287, %mul3A_468 : i32
        %add3A_470 = arith.constant 5 : i32
        %add3A_471 = arith.addi %mul3A_469, %add3A_470 : i32
        %get3A_472 = arith.index_cast %add3A_471 : i32 to index
        %get3A_473 = arith.constant 0 : index
        %get3A_474 = tpu.vector_load %arg12[%get3A_472, %get3A_473] {strides = array<i32>} : memref<1008x16xf32, #tpu.memory_space<vmem>>, vector<1x16xf32>,
        %get3A_475 = vector.shape_cast %get3A_474 : vector<1x16xf32> to vector<16xf32>
        %get3A_476 = arith.index_cast %add3A_471 : i32 to index
        %get3A_477 = arith.constant 0 : index
        %get3A_478 = tpu.vector_load %arg13[%get3A_476, %get3A_477] {strides = array<i32>} : memref<1008x16xf32, #tpu.memory_space<vmem>>, vector<1x16xf32>,
        %get3A_479 = vector.shape_cast %get3A_478 : vector<1x16xf32> to vector<16xf32>
        %slice3A_480 = vector.extract_strided_slice %get3A_292 {offsets = [5], sizes = [1], strides = [1]} : vector<16xf32> to vector<1xf32>
        %broadcast_in_dim3A_481 = vector.shape_cast %slice3A_480 : vector<1xf32> to vector<1xf32>
        %broadcast_in_dim3A_482 = vector.broadcast %broadcast_in_dim3A_481 : vector<1xf32> to vector<16xf32>
        %slice3A_483 = vector.extract_strided_slice %get3A_297 {offsets = [5], sizes = [1], strides = [1]} : vector<16xf32> to vector<1xf32>
        %broadcast_in_dim3A_484 = vector.shape_cast %slice3A_483 : vector<1xf32> to vector<1xf32>
        %broadcast_in_dim3A_485 = vector.broadcast %broadcast_in_dim3A_484 : vector<1xf32> to vector<16xf32>
        %sub3A_486 = arith.subf %get3A_479, %get3A_475 : vector<16xf32>
        %mul3A_487 = arith.mulf %broadcast_in_dim3A_482, %sub3A_486 : vector<16xf32>
        %add3A_488 = arith.addf %get3A_475, %mul3A_487 : vector<16xf32>
        %rev3A_489 = arith.constant 15 : i32
        %rev3A_490 = vector.broadcast %rev3A_489 : i32 to vector<16xi32>
        %rev3A_491 = tpu.iota {dimensions = array<i32: 0>} : vector<16xi32>
        %rev3A_492 = arith.subi %rev3A_490, %rev3A_491 : vector<16xi32>
        %rev3A_493 = tpu.dynamic_gather %add3A_488[%rev3A_492] in [0] : vector<16xf32>, vector<16xi32> -> vector<16xf32>
        %sub3A_494 = arith.subf %rev3A_493, %add3A_488 : vector<16xf32>
        %mul3A_495 = arith.mulf %broadcast_in_dim3A_485, %sub3A_494 : vector<16xf32>
        %add3A_496 = arith.addf %add3A_488, %mul3A_495 : vector<16xf32>
        %mul3A_497 = arith.constant 8 : i32
        %mul3A_498 = arith.muli %add3A_471, %mul3A_497 : i32
        %swap3A_499 = arith.index_cast %mul3A_498 : i32 to index
        %swap3A_500 = tpu.vector_load %arg14[%swap3A_499] {strides = array<i32>} : memref<8080xf32, #tpu.memory_space<vmem>>, vector<16xf32>,
        %swap3A_501 = vector.shape_cast %swap3A_500 : vector<16xf32> to vector<16xf32>
        %swap3A_502 = vector.shape_cast %add3A_496 : vector<16xf32> to vector<16xf32>
        tpu.vector_store %arg14[%swap3A_499], %swap3A_502 {strides = array<i32>} : memref<8080xf32, #tpu.memory_space<vmem>>, vector<16xf32>,
        %mul3A_503 = arith.constant 16 : i32
        %mul3A_504 = arith.muli %scan3A_287, %mul3A_503 : i32
        %add3A_505 = arith.constant 6 : i32
        %add3A_506 = arith.addi %mul3A_504, %add3A_505 : i32
        %get3A_507 = arith.index_cast %add3A_506 : i32 to index
        %get3A_508 = arith.constant 0 : index
        %get3A_509 = tpu.vector_load %arg12[%get3A_507, %get3A_508] {strides = array<i32>} : memref<1008x16xf32, #tpu.memory_space<vmem>>, vector<1x16xf32>,
        %get3A_510 = vector.shape_cast %get3A_509 : vector<1x16xf32> to vector<16xf32>
        %get3A_511 = arith.index_cast %add3A_506 : i32 to index
        %get3A_512 = arith.constant 0 : index
        %get3A_513 = tpu.vector_load %arg13[%get3A_511, %get3A_512] {strides = array<i32>} : memref<1008x16xf32, #tpu.memory_space<vmem>>, vector<1x16xf32>,
        %get3A_514 = vector.shape_cast %get3A_513 : vector<1x16xf32> to vector<16xf32>
        %slice3A_515 = vector.extract_strided_slice %get3A_292 {offsets = [6], sizes = [1], strides = [1]} : vector<16xf32> to vector<1xf32>
        %broadcast_in_dim3A_516 = vector.shape_cast %slice3A_515 : vector<1xf32> to vector<1xf32>
        %broadcast_in_dim3A_517 = vector.broadcast %broadcast_in_dim3A_516 : vector<1xf32> to vector<16xf32>
        %slice3A_518 = vector.extract_strided_slice %get3A_297 {offsets = [6], sizes = [1], strides = [1]} : vector<16xf32> to vector<1xf32>
        %broadcast_in_dim3A_519 = vector.shape_cast %slice3A_518 : vector<1xf32> to vector<1xf32>
        %broadcast_in_dim3A_520 = vector.broadcast %broadcast_in_dim3A_519 : vector<1xf32> to vector<16xf32>
        %sub3A_521 = arith.subf %get3A_514, %get3A_510 : vector<16xf32>
        %mul3A_522 = arith.mulf %broadcast_in_dim3A_517, %sub3A_521 : vector<16xf32>
        %add3A_523 = arith.addf %get3A_510, %mul3A_522 : vector<16xf32>
        %rev3A_524 = arith.constant 15 : i32
        %rev3A_525 = vector.broadcast %rev3A_524 : i32 to vector<16xi32>
        %rev3A_526 = tpu.iota {dimensions = array<i32: 0>} : vector<16xi32>
        %rev3A_527 = arith.subi %rev3A_525, %rev3A_526 : vector<16xi32>
        %rev3A_528 = tpu.dynamic_gather %add3A_523[%rev3A_527] in [0] : vector<16xf32>, vector<16xi32> -> vector<16xf32>
        %sub3A_529 = arith.subf %rev3A_528, %add3A_523 : vector<16xf32>
        %mul3A_530 = arith.mulf %broadcast_in_dim3A_520, %sub3A_529 : vector<16xf32>
        %add3A_531 = arith.addf %add3A_523, %mul3A_530 : vector<16xf32>
        %mul3A_532 = arith.constant 8 : i32
        %mul3A_533 = arith.muli %add3A_506, %mul3A_532 : i32
        %swap3A_534 = arith.index_cast %mul3A_533 : i32 to index
        %swap3A_535 = tpu.vector_load %arg14[%swap3A_534] {strides = array<i32>} : memref<8080xf32, #tpu.memory_space<vmem>>, vector<16xf32>,
        %swap3A_536 = vector.shape_cast %swap3A_535 : vector<16xf32> to vector<16xf32>
        %swap3A_537 = vector.shape_cast %add3A_531 : vector<16xf32> to vector<16xf32>
        tpu.vector_store %arg14[%swap3A_534], %swap3A_537 {strides = array<i32>} : memref<8080xf32, #tpu.memory_space<vmem>>, vector<16xf32>,
        %mul3A_538 = arith.constant 16 : i32
        %mul3A_539 = arith.muli %scan3A_287, %mul3A_538 : i32
        %add3A_540 = arith.constant 7 : i32
        %add3A_541 = arith.addi %mul3A_539, %add3A_540 : i32
        %get3A_542 = arith.index_cast %add3A_541 : i32 to index
        %get3A_543 = arith.constant 0 : index
        %get3A_544 = tpu.vector_load %arg12[%get3A_542, %get3A_543] {strides = array<i32>} : memref<1008x16xf32, #tpu.memory_space<vmem>>, vector<1x16xf32>,
        %get3A_545 = vector.shape_cast %get3A_544 : vector<1x16xf32> to vector<16xf32>
        %get3A_546 = arith.index_cast %add3A_541 : i32 to index
        %get3A_547 = arith.constant 0 : index
        %get3A_548 = tpu.vector_load %arg13[%get3A_546, %get3A_547] {strides = array<i32>} : memref<1008x16xf32, #tpu.memory_space<vmem>>, vector<1x16xf32>,
        %get3A_549 = vector.shape_cast %get3A_548 : vector<1x16xf32> to vector<16xf32>
        %slice3A_550 = vector.extract_strided_slice %get3A_292 {offsets = [7], sizes = [1], strides = [1]} : vector<16xf32> to vector<1xf32>
        %broadcast_in_dim3A_551 = vector.shape_cast %slice3A_550 : vector<1xf32> to vector<1xf32>
        %broadcast_in_dim3A_552 = vector.broadcast %broadcast_in_dim3A_551 : vector<1xf32> to vector<16xf32>
        %slice3A_553 = vector.extract_strided_slice %get3A_297 {offsets = [7], sizes = [1], strides = [1]} : vector<16xf32> to vector<1xf32>
        %broadcast_in_dim3A_554 = vector.shape_cast %slice3A_553 : vector<1xf32> to vector<1xf32>
        %broadcast_in_dim3A_555 = vector.broadcast %broadcast_in_dim3A_554 : vector<1xf32> to vector<16xf32>
        %sub3A_556 = arith.subf %get3A_549, %get3A_545 : vector<16xf32>
        %mul3A_557 = arith.mulf %broadcast_in_dim3A_552, %sub3A_556 : vector<16xf32>
        %add3A_558 = arith.addf %get3A_545, %mul3A_557 : vector<16xf32>
        %rev3A_559 = arith.constant 15 : i32
        %rev3A_560 = vector.broadcast %rev3A_559 : i32 to vector<16xi32>
        %rev3A_561 = tpu.iota {dimensions = array<i32: 0>} : vector<16xi32>
        %rev3A_562 = arith.subi %rev3A_560, %rev3A_561 : vector<16xi32>
        %rev3A_563 = tpu.dynamic_gather %add3A_558[%rev3A_562] in [0] : vector<16xf32>, vector<16xi32> -> vector<16xf32>
        %sub3A_564 = arith.subf %rev3A_563, %add3A_558 : vector<16xf32>
        %mul3A_565 = arith.mulf %broadcast_in_dim3A_555, %sub3A_564 : vector<16xf32>
        %add3A_566 = arith.addf %add3A_558, %mul3A_565 : vector<16xf32>
        %mul3A_567 = arith.constant 8 : i32
        %mul3A_568 = arith.muli %add3A_541, %mul3A_567 : i32
        %swap3A_569 = arith.index_cast %mul3A_568 : i32 to index
        %swap3A_570 = tpu.vector_load %arg14[%swap3A_569] {strides = array<i32>} : memref<8080xf32, #tpu.memory_space<vmem>>, vector<16xf32>,
        %swap3A_571 = vector.shape_cast %swap3A_570 : vector<16xf32> to vector<16xf32>
        %swap3A_572 = vector.shape_cast %add3A_566 : vector<16xf32> to vector<16xf32>
        tpu.vector_store %arg14[%swap3A_569], %swap3A_572 {strides = array<i32>} : memref<8080xf32, #tpu.memory_space<vmem>>, vector<16xf32>,
        %mul3A_573 = arith.constant 16 : i32
        %mul3A_574 = arith.muli %scan3A_287, %mul3A_573 : i32
        %add3A_575 = arith.constant 8 : i32
        %add3A_576 = arith.addi %mul3A_574, %add3A_575 : i32
        %get3A_577 = arith.index_cast %add3A_576 : i32 to index
        %get3A_578 = arith.constant 0 : index
        %get3A_579 = tpu.vector_load %arg12[%get3A_577, %get3A_578] {strides = array<i32>} : memref<1008x16xf32, #tpu.memory_space<vmem>>, vector<1x16xf32>,
        %get3A_580 = vector.shape_cast %get3A_579 : vector<1x16xf32> to vector<16xf32>
        %get3A_581 = arith.index_cast %add3A_576 : i32 to index
        %get3A_582 = arith.constant 0 : index
        %get3A_583 = tpu.vector_load %arg13[%get3A_581, %get3A_582] {strides = array<i32>} : memref<1008x16xf32, #tpu.memory_space<vmem>>, vector<1x16xf32>,
        %get3A_584 = vector.shape_cast %get3A_583 : vector<1x16xf32> to vector<16xf32>
        %slice3A_585 = vector.extract_strided_slice %get3A_292 {offsets = [8], sizes = [1], strides = [1]} : vector<16xf32> to vector<1xf32>
        %broadcast_in_dim3A_586 = vector.shape_cast %slice3A_585 : vector<1xf32> to vector<1xf32>
        %broadcast_in_dim3A_587 = vector.broadcast %broadcast_in_dim3A_586 : vector<1xf32> to vector<16xf32>
        %slice3A_588 = vector.extract_strided_slice %get3A_297 {offsets = [8], sizes = [1], strides = [1]} : vector<16xf32> to vector<1xf32>
        %broadcast_in_dim3A_589 = vector.shape_cast %slice3A_588 : vector<1xf32> to vector<1xf32>
        %broadcast_in_dim3A_590 = vector.broadcast %broadcast_in_dim3A_589 : vector<1xf32> to vector<16xf32>
        %sub3A_591 = arith.subf %get3A_584, %get3A_580 : vector<16xf32>
        %mul3A_592 = arith.mulf %broadcast_in_dim3A_587, %sub3A_591 : vector<16xf32>
        %add3A_593 = arith.addf %get3A_580, %mul3A_592 : vector<16xf32>
        %rev3A_594 = arith.constant 15 : i32
        %rev3A_595 = vector.broadcast %rev3A_594 : i32 to vector<16xi32>
        %rev3A_596 = tpu.iota {dimensions = array<i32: 0>} : vector<16xi32>
        %rev3A_597 = arith.subi %rev3A_595, %rev3A_596 : vector<16xi32>
        %rev3A_598 = tpu.dynamic_gather %add3A_593[%rev3A_597] in [0] : vector<16xf32>, vector<16xi32> -> vector<16xf32>
        %sub3A_599 = arith.subf %rev3A_598, %add3A_593 : vector<16xf32>
        %mul3A_600 = arith.mulf %broadcast_in_dim3A_590, %sub3A_599 : vector<16xf32>
        %add3A_601 = arith.addf %add3A_593, %mul3A_600 : vector<16xf32>
        %mul3A_602 = arith.constant 8 : i32
        %mul3A_603 = arith.muli %add3A_576, %mul3A_602 : i32
        %swap3A_604 = arith.index_cast %mul3A_603 : i32 to index
        %swap3A_605 = tpu.vector_load %arg14[%swap3A_604] {strides = array<i32>} : memref<8080xf32, #tpu.memory_space<vmem>>, vector<16xf32>,
        %swap3A_606 = vector.shape_cast %swap3A_605 : vector<16xf32> to vector<16xf32>
        %swap3A_607 = vector.shape_cast %add3A_601 : vector<16xf32> to vector<16xf32>
        tpu.vector_store %arg14[%swap3A_604], %swap3A_607 {strides = array<i32>} : memref<8080xf32, #tpu.memory_space<vmem>>, vector<16xf32>,
        %mul3A_608 = arith.constant 16 : i32
        %mul3A_609 = arith.muli %scan3A_287, %mul3A_608 : i32
        %add3A_610 = arith.constant 9 : i32
        %add3A_611 = arith.addi %mul3A_609, %add3A_610 : i32
        %get3A_612 = arith.index_cast %add3A_611 : i32 to index
        %get3A_613 = arith.constant 0 : index
        %get3A_614 = tpu.vector_load %arg12[%get3A_612, %get3A_613] {strides = array<i32>} : memref<1008x16xf32, #tpu.memory_space<vmem>>, vector<1x16xf32>,
        %get3A_615 = vector.shape_cast %get3A_614 : vector<1x16xf32> to vector<16xf32>
        %get3A_616 = arith.index_cast %add3A_611 : i32 to index
        %get3A_617 = arith.constant 0 : index
        %get3A_618 = tpu.vector_load %arg13[%get3A_616, %get3A_617] {strides = array<i32>} : memref<1008x16xf32, #tpu.memory_space<vmem>>, vector<1x16xf32>,
        %get3A_619 = vector.shape_cast %get3A_618 : vector<1x16xf32> to vector<16xf32>
        %slice3A_620 = vector.extract_strided_slice %get3A_292 {offsets = [9], sizes = [1], strides = [1]} : vector<16xf32> to vector<1xf32>
        %broadcast_in_dim3A_621 = vector.shape_cast %slice3A_620 : vector<1xf32> to vector<1xf32>
        %broadcast_in_dim3A_622 = vector.broadcast %broadcast_in_dim3A_621 : vector<1xf32> to vector<16xf32>
        %slice3A_623 = vector.extract_strided_slice %get3A_297 {offsets = [9], sizes = [1], strides = [1]} : vector<16xf32> to vector<1xf32>
        %broadcast_in_dim3A_624 = vector.shape_cast %slice3A_623 : vector<1xf32> to vector<1xf32>
        %broadcast_in_dim3A_625 = vector.broadcast %broadcast_in_dim3A_624 : vector<1xf32> to vector<16xf32>
        %sub3A_626 = arith.subf %get3A_619, %get3A_615 : vector<16xf32>
        %mul3A_627 = arith.mulf %broadcast_in_dim3A_622, %sub3A_626 : vector<16xf32>
        %add3A_628 = arith.addf %get3A_615, %mul3A_627 : vector<16xf32>
        %rev3A_629 = arith.constant 15 : i32
        %rev3A_630 = vector.broadcast %rev3A_629 : i32 to vector<16xi32>
        %rev3A_631 = tpu.iota {dimensions = array<i32: 0>} : vector<16xi32>
        %rev3A_632 = arith.subi %rev3A_630, %rev3A_631 : vector<16xi32>
        %rev3A_633 = tpu.dynamic_gather %add3A_628[%rev3A_632] in [0] : vector<16xf32>, vector<16xi32> -> vector<16xf32>
        %sub3A_634 = arith.subf %rev3A_633, %add3A_628 : vector<16xf32>
        %mul3A_635 = arith.mulf %broadcast_in_dim3A_625, %sub3A_634 : vector<16xf32>
        %add3A_636 = arith.addf %add3A_628, %mul3A_635 : vector<16xf32>
        %mul3A_637 = arith.constant 8 : i32
        %mul3A_638 = arith.muli %add3A_611, %mul3A_637 : i32
        %swap3A_639 = arith.index_cast %mul3A_638 : i32 to index
        %swap3A_640 = tpu.vector_load %arg14[%swap3A_639] {strides = array<i32>} : memref<8080xf32, #tpu.memory_space<vmem>>, vector<16xf32>,
        %swap3A_641 = vector.shape_cast %swap3A_640 : vector<16xf32> to vector<16xf32>
        %swap3A_642 = vector.shape_cast %add3A_636 : vector<16xf32> to vector<16xf32>
        tpu.vector_store %arg14[%swap3A_639], %swap3A_642 {strides = array<i32>} : memref<8080xf32, #tpu.memory_space<vmem>>, vector<16xf32>,
        %mul3A_643 = arith.constant 16 : i32
        %mul3A_644 = arith.muli %scan3A_287, %mul3A_643 : i32
        %add3A_645 = arith.constant 10 : i32
        %add3A_646 = arith.addi %mul3A_644, %add3A_645 : i32
        %get3A_647 = arith.index_cast %add3A_646 : i32 to index
        %get3A_648 = arith.constant 0 : index
        %get3A_649 = tpu.vector_load %arg12[%get3A_647, %get3A_648] {strides = array<i32>} : memref<1008x16xf32, #tpu.memory_space<vmem>>, vector<1x16xf32>,
        %get3A_650 = vector.shape_cast %get3A_649 : vector<1x16xf32> to vector<16xf32>
        %get3A_651 = arith.index_cast %add3A_646 : i32 to index
        %get3A_652 = arith.constant 0 : index
        %get3A_653 = tpu.vector_load %arg13[%get3A_651, %get3A_652] {strides = array<i32>} : memref<1008x16xf32, #tpu.memory_space<vmem>>, vector<1x16xf32>,
        %get3A_654 = vector.shape_cast %get3A_653 : vector<1x16xf32> to vector<16xf32>
        %slice3A_655 = vector.extract_strided_slice %get3A_292 {offsets = [10], sizes = [1], strides = [1]} : vector<16xf32> to vector<1xf32>
        %broadcast_in_dim3A_656 = vector.shape_cast %slice3A_655 : vector<1xf32> to vector<1xf32>
        %broadcast_in_dim3A_657 = vector.broadcast %broadcast_in_dim3A_656 : vector<1xf32> to vector<16xf32>
        %slice3A_658 = vector.extract_strided_slice %get3A_297 {offsets = [10], sizes = [1], strides = [1]} : vector<16xf32> to vector<1xf32>
        %broadcast_in_dim3A_659 = vector.shape_cast %slice3A_658 : vector<1xf32> to vector<1xf32>
        %broadcast_in_dim3A_660 = vector.broadcast %broadcast_in_dim3A_659 : vector<1xf32> to vector<16xf32>
        %sub3A_661 = arith.subf %get3A_654, %get3A_650 : vector<16xf32>
        %mul3A_662 = arith.mulf %broadcast_in_dim3A_657, %sub3A_661 : vector<16xf32>
        %add3A_663 = arith.addf %get3A_650, %mul3A_662 : vector<16xf32>
        %rev3A_664 = arith.constant 15 : i32
        %rev3A_665 = vector.broadcast %rev3A_664 : i32 to vector<16xi32>
        %rev3A_666 = tpu.iota {dimensions = array<i32: 0>} : vector<16xi32>
        %rev3A_667 = arith.subi %rev3A_665, %rev3A_666 : vector<16xi32>
        %rev3A_668 = tpu.dynamic_gather %add3A_663[%rev3A_667] in [0] : vector<16xf32>, vector<16xi32> -> vector<16xf32>
        %sub3A_669 = arith.subf %rev3A_668, %add3A_663 : vector<16xf32>
        %mul3A_670 = arith.mulf %broadcast_in_dim3A_660, %sub3A_669 : vector<16xf32>
        %add3A_671 = arith.addf %add3A_663, %mul3A_670 : vector<16xf32>
        %mul3A_672 = arith.constant 8 : i32
        %mul3A_673 = arith.muli %add3A_646, %mul3A_672 : i32
        %swap3A_674 = arith.index_cast %mul3A_673 : i32 to index
        %swap3A_675 = tpu.vector_load %arg14[%swap3A_674] {strides = array<i32>} : memref<8080xf32, #tpu.memory_space<vmem>>, vector<16xf32>,
        %swap3A_676 = vector.shape_cast %swap3A_675 : vector<16xf32> to vector<16xf32>
        %swap3A_677 = vector.shape_cast %add3A_671 : vector<16xf32> to vector<16xf32>
        tpu.vector_store %arg14[%swap3A_674], %swap3A_677 {strides = array<i32>} : memref<8080xf32, #tpu.memory_space<vmem>>, vector<16xf32>,
        %mul3A_678 = arith.constant 16 : i32
        %mul3A_679 = arith.muli %scan3A_287, %mul3A_678 : i32
        %add3A_680 = arith.constant 11 : i32
        %add3A_681 = arith.addi %mul3A_679, %add3A_680 : i32
        %get3A_682 = arith.index_cast %add3A_681 : i32 to index
        %get3A_683 = arith.constant 0 : index
        %get3A_684 = tpu.vector_load %arg12[%get3A_682, %get3A_683] {strides = array<i32>} : memref<1008x16xf32, #tpu.memory_space<vmem>>, vector<1x16xf32>,
        %get3A_685 = vector.shape_cast %get3A_684 : vector<1x16xf32> to vector<16xf32>
        %get3A_686 = arith.index_cast %add3A_681 : i32 to index
        %get3A_687 = arith.constant 0 : index
        %get3A_688 = tpu.vector_load %arg13[%get3A_686, %get3A_687] {strides = array<i32>} : memref<1008x16xf32, #tpu.memory_space<vmem>>, vector<1x16xf32>,
        %get3A_689 = vector.shape_cast %get3A_688 : vector<1x16xf32> to vector<16xf32>
        %slice3A_690 = vector.extract_strided_slice %get3A_292 {offsets = [11], sizes = [1], strides = [1]} : vector<16xf32> to vector<1xf32>
        %broadcast_in_dim3A_691 = vector.shape_cast %slice3A_690 : vector<1xf32> to vector<1xf32>
        %broadcast_in_dim3A_692 = vector.broadcast %broadcast_in_dim3A_691 : vector<1xf32> to vector<16xf32>
        %slice3A_693 = vector.extract_strided_slice %get3A_297 {offsets = [11], sizes = [1], strides = [1]} : vector<16xf32> to vector<1xf32>
        %broadcast_in_dim3A_694 = vector.shape_cast %slice3A_693 : vector<1xf32> to vector<1xf32>
        %broadcast_in_dim3A_695 = vector.broadcast %broadcast_in_dim3A_694 : vector<1xf32> to vector<16xf32>
        %sub3A_696 = arith.subf %get3A_689, %get3A_685 : vector<16xf32>
        %mul3A_697 = arith.mulf %broadcast_in_dim3A_692, %sub3A_696 : vector<16xf32>
        %add3A_698 = arith.addf %get3A_685, %mul3A_697 : vector<16xf32>
        %rev3A_699 = arith.constant 15 : i32
        %rev3A_700 = vector.broadcast %rev3A_699 : i32 to vector<16xi32>
        %rev3A_701 = tpu.iota {dimensions = array<i32: 0>} : vector<16xi32>
        %rev3A_702 = arith.subi %rev3A_700, %rev3A_701 : vector<16xi32>
        %rev3A_703 = tpu.dynamic_gather %add3A_698[%rev3A_702] in [0] : vector<16xf32>, vector<16xi32> -> vector<16xf32>
        %sub3A_704 = arith.subf %rev3A_703, %add3A_698 : vector<16xf32>
        %mul3A_705 = arith.mulf %broadcast_in_dim3A_695, %sub3A_704 : vector<16xf32>
        %add3A_706 = arith.addf %add3A_698, %mul3A_705 : vector<16xf32>
        %mul3A_707 = arith.constant 8 : i32
        %mul3A_708 = arith.muli %add3A_681, %mul3A_707 : i32
        %swap3A_709 = arith.index_cast %mul3A_708 : i32 to index
        %swap3A_710 = tpu.vector_load %arg14[%swap3A_709] {strides = array<i32>} : memref<8080xf32, #tpu.memory_space<vmem>>, vector<16xf32>,
        %swap3A_711 = vector.shape_cast %swap3A_710 : vector<16xf32> to vector<16xf32>
        %swap3A_712 = vector.shape_cast %add3A_706 : vector<16xf32> to vector<16xf32>
        tpu.vector_store %arg14[%swap3A_709], %swap3A_712 {strides = array<i32>} : memref<8080xf32, #tpu.memory_space<vmem>>, vector<16xf32>,
        %mul3A_713 = arith.constant 16 : i32
        %mul3A_714 = arith.muli %scan3A_287, %mul3A_713 : i32
        %add3A_715 = arith.constant 12 : i32
        %add3A_716 = arith.addi %mul3A_714, %add3A_715 : i32
        %get3A_717 = arith.index_cast %add3A_716 : i32 to index
        %get3A_718 = arith.constant 0 : index
        %get3A_719 = tpu.vector_load %arg12[%get3A_717, %get3A_718] {strides = array<i32>} : memref<1008x16xf32, #tpu.memory_space<vmem>>, vector<1x16xf32>,
        %get3A_720 = vector.shape_cast %get3A_719 : vector<1x16xf32> to vector<16xf32>
        %get3A_721 = arith.index_cast %add3A_716 : i32 to index
        %get3A_722 = arith.constant 0 : index
        %get3A_723 = tpu.vector_load %arg13[%get3A_721, %get3A_722] {strides = array<i32>} : memref<1008x16xf32, #tpu.memory_space<vmem>>, vector<1x16xf32>,
        %get3A_724 = vector.shape_cast %get3A_723 : vector<1x16xf32> to vector<16xf32>
        %slice3A_725 = vector.extract_strided_slice %get3A_292 {offsets = [12], sizes = [1], strides = [1]} : vector<16xf32> to vector<1xf32>
        %broadcast_in_dim3A_726 = vector.shape_cast %slice3A_725 : vector<1xf32> to vector<1xf32>
        %broadcast_in_dim3A_727 = vector.broadcast %broadcast_in_dim3A_726 : vector<1xf32> to vector<16xf32>
        %slice3A_728 = vector.extract_strided_slice %get3A_297 {offsets = [12], sizes = [1], strides = [1]} : vector<16xf32> to vector<1xf32>
        %broadcast_in_dim3A_729 = vector.shape_cast %slice3A_728 : vector<1xf32> to vector<1xf32>
        %broadcast_in_dim3A_730 = vector.broadcast %broadcast_in_dim3A_729 : vector<1xf32> to vector<16xf32>
        %sub3A_731 = arith.subf %get3A_724, %get3A_720 : vector<16xf32>
        %mul3A_732 = arith.mulf %broadcast_in_dim3A_727, %sub3A_731 : vector<16xf32>
        %add3A_733 = arith.addf %get3A_720, %mul3A_732 : vector<16xf32>
        %rev3A_734 = arith.constant 15 : i32
        %rev3A_735 = vector.broadcast %rev3A_734 : i32 to vector<16xi32>
        %rev3A_736 = tpu.iota {dimensions = array<i32: 0>} : vector<16xi32>
        %rev3A_737 = arith.subi %rev3A_735, %rev3A_736 : vector<16xi32>
        %rev3A_738 = tpu.dynamic_gather %add3A_733[%rev3A_737] in [0] : vector<16xf32>, vector<16xi32> -> vector<16xf32>
        %sub3A_739 = arith.subf %rev3A_738, %add3A_733 : vector<16xf32>
        %mul3A_740 = arith.mulf %broadcast_in_dim3A_730, %sub3A_739 : vector<16xf32>
        %add3A_741 = arith.addf %add3A_733, %mul3A_740 : vector<16xf32>
        %mul3A_742 = arith.constant 8 : i32
        %mul3A_743 = arith.muli %add3A_716, %mul3A_742 : i32
        %swap3A_744 = arith.index_cast %mul3A_743 : i32 to index
        %swap3A_745 = tpu.vector_load %arg14[%swap3A_744] {strides = array<i32>} : memref<8080xf32, #tpu.memory_space<vmem>>, vector<16xf32>,
        %swap3A_746 = vector.shape_cast %swap3A_745 : vector<16xf32> to vector<16xf32>
        %swap3A_747 = vector.shape_cast %add3A_741 : vector<16xf32> to vector<16xf32>
        tpu.vector_store %arg14[%swap3A_744], %swap3A_747 {strides = array<i32>} : memref<8080xf32, #tpu.memory_space<vmem>>, vector<16xf32>,
        %mul3A_748 = arith.constant 16 : i32
        %mul3A_749 = arith.muli %scan3A_287, %mul3A_748 : i32
        %add3A_750 = arith.constant 13 : i32
        %add3A_751 = arith.addi %mul3A_749, %add3A_750 : i32
        %get3A_752 = arith.index_cast %add3A_751 : i32 to index
        %get3A_753 = arith.constant 0 : index
        %get3A_754 = tpu.vector_load %arg12[%get3A_752, %get3A_753] {strides = array<i32>} : memref<1008x16xf32, #tpu.memory_space<vmem>>, vector<1x16xf32>,
        %get3A_755 = vector.shape_cast %get3A_754 : vector<1x16xf32> to vector<16xf32>
        %get3A_756 = arith.index_cast %add3A_751 : i32 to index
        %get3A_757 = arith.constant 0 : index
        %get3A_758 = tpu.vector_load %arg13[%get3A_756, %get3A_757] {strides = array<i32>} : memref<1008x16xf32, #tpu.memory_space<vmem>>, vector<1x16xf32>,
        %get3A_759 = vector.shape_cast %get3A_758 : vector<1x16xf32> to vector<16xf32>
        %slice3A_760 = vector.extract_strided_slice %get3A_292 {offsets = [13], sizes = [1], strides = [1]} : vector<16xf32> to vector<1xf32>
        %broadcast_in_dim3A_761 = vector.shape_cast %slice3A_760 : vector<1xf32> to vector<1xf32>
        %broadcast_in_dim3A_762 = vector.broadcast %broadcast_in_dim3A_761 : vector<1xf32> to vector<16xf32>
        %slice3A_763 = vector.extract_strided_slice %get3A_297 {offsets = [13], sizes = [1], strides = [1]} : vector<16xf32> to vector<1xf32>
        %broadcast_in_dim3A_764 = vector.shape_cast %slice3A_763 : vector<1xf32> to vector<1xf32>
        %broadcast_in_dim3A_765 = vector.broadcast %broadcast_in_dim3A_764 : vector<1xf32> to vector<16xf32>
        %sub3A_766 = arith.subf %get3A_759, %get3A_755 : vector<16xf32>
        %mul3A_767 = arith.mulf %broadcast_in_dim3A_762, %sub3A_766 : vector<16xf32>
        %add3A_768 = arith.addf %get3A_755, %mul3A_767 : vector<16xf32>
        %rev3A_769 = arith.constant 15 : i32
        %rev3A_770 = vector.broadcast %rev3A_769 : i32 to vector<16xi32>
        %rev3A_771 = tpu.iota {dimensions = array<i32: 0>} : vector<16xi32>
        %rev3A_772 = arith.subi %rev3A_770, %rev3A_771 : vector<16xi32>
        %rev3A_773 = tpu.dynamic_gather %add3A_768[%rev3A_772] in [0] : vector<16xf32>, vector<16xi32> -> vector<16xf32>
        %sub3A_774 = arith.subf %rev3A_773, %add3A_768 : vector<16xf32>
        %mul3A_775 = arith.mulf %broadcast_in_dim3A_765, %sub3A_774 : vector<16xf32>
        %add3A_776 = arith.addf %add3A_768, %mul3A_775 : vector<16xf32>
        %mul3A_777 = arith.constant 8 : i32
        %mul3A_778 = arith.muli %add3A_751, %mul3A_777 : i32
        %swap3A_779 = arith.index_cast %mul3A_778 : i32 to index
        %swap3A_780 = tpu.vector_load %arg14[%swap3A_779] {strides = array<i32>} : memref<8080xf32, #tpu.memory_space<vmem>>, vector<16xf32>,
        %swap3A_781 = vector.shape_cast %swap3A_780 : vector<16xf32> to vector<16xf32>
        %swap3A_782 = vector.shape_cast %add3A_776 : vector<16xf32> to vector<16xf32>
        tpu.vector_store %arg14[%swap3A_779], %swap3A_782 {strides = array<i32>} : memref<8080xf32, #tpu.memory_space<vmem>>, vector<16xf32>,
        %mul3A_783 = arith.constant 16 : i32
        %mul3A_784 = arith.muli %scan3A_287, %mul3A_783 : i32
        %add3A_785 = arith.constant 14 : i32
        %add3A_786 = arith.addi %mul3A_784, %add3A_785 : i32
        %get3A_787 = arith.index_cast %add3A_786 : i32 to index
        %get3A_788 = arith.constant 0 : index
        %get3A_789 = tpu.vector_load %arg12[%get3A_787, %get3A_788] {strides = array<i32>} : memref<1008x16xf32, #tpu.memory_space<vmem>>, vector<1x16xf32>,
        %get3A_790 = vector.shape_cast %get3A_789 : vector<1x16xf32> to vector<16xf32>
        %get3A_791 = arith.index_cast %add3A_786 : i32 to index
        %get3A_792 = arith.constant 0 : index
        %get3A_793 = tpu.vector_load %arg13[%get3A_791, %get3A_792] {strides = array<i32>} : memref<1008x16xf32, #tpu.memory_space<vmem>>, vector<1x16xf32>,
        %get3A_794 = vector.shape_cast %get3A_793 : vector<1x16xf32> to vector<16xf32>
        %slice3A_795 = vector.extract_strided_slice %get3A_292 {offsets = [14], sizes = [1], strides = [1]} : vector<16xf32> to vector<1xf32>
        %broadcast_in_dim3A_796 = vector.shape_cast %slice3A_795 : vector<1xf32> to vector<1xf32>
        %broadcast_in_dim3A_797 = vector.broadcast %broadcast_in_dim3A_796 : vector<1xf32> to vector<16xf32>
        %slice3A_798 = vector.extract_strided_slice %get3A_297 {offsets = [14], sizes = [1], strides = [1]} : vector<16xf32> to vector<1xf32>
        %broadcast_in_dim3A_799 = vector.shape_cast %slice3A_798 : vector<1xf32> to vector<1xf32>
        %broadcast_in_dim3A_800 = vector.broadcast %broadcast_in_dim3A_799 : vector<1xf32> to vector<16xf32>
        %sub3A_801 = arith.subf %get3A_794, %get3A_790 : vector<16xf32>
        %mul3A_802 = arith.mulf %broadcast_in_dim3A_797, %sub3A_801 : vector<16xf32>
        %add3A_803 = arith.addf %get3A_790, %mul3A_802 : vector<16xf32>
        %rev3A_804 = arith.constant 15 : i32
        %rev3A_805 = vector.broadcast %rev3A_804 : i32 to vector<16xi32>
        %rev3A_806 = tpu.iota {dimensions = array<i32: 0>} : vector<16xi32>
        %rev3A_807 = arith.subi %rev3A_805, %rev3A_806 : vector<16xi32>
        %rev3A_808 = tpu.dynamic_gather %add3A_803[%rev3A_807] in [0] : vector<16xf32>, vector<16xi32> -> vector<16xf32>
        %sub3A_809 = arith.subf %rev3A_808, %add3A_803 : vector<16xf32>
        %mul3A_810 = arith.mulf %broadcast_in_dim3A_800, %sub3A_809 : vector<16xf32>
        %add3A_811 = arith.addf %add3A_803, %mul3A_810 : vector<16xf32>
        %mul3A_812 = arith.constant 8 : i32
        %mul3A_813 = arith.muli %add3A_786, %mul3A_812 : i32
        %swap3A_814 = arith.index_cast %mul3A_813 : i32 to index
        %swap3A_815 = tpu.vector_load %arg14[%swap3A_814] {strides = array<i32>} : memref<8080xf32, #tpu.memory_space<vmem>>, vector<16xf32>,
        %swap3A_816 = vector.shape_cast %swap3A_815 : vector<16xf32> to vector<16xf32>
        %swap3A_817 = vector.shape_cast %add3A_811 : vector<16xf32> to vector<16xf32>
        tpu.vector_store %arg14[%swap3A_814], %swap3A_817 {strides = array<i32>} : memref<8080xf32, #tpu.memory_space<vmem>>, vector<16xf32>,
        %mul3A_818 = arith.constant 16 : i32
        %mul3A_819 = arith.muli %scan3A_287, %mul3A_818 : i32
        %add3A_820 = arith.constant 15 : i32
        %add3A_821 = arith.addi %mul3A_819, %add3A_820 : i32
        %get3A_822 = arith.index_cast %add3A_821 : i32 to index
        %get3A_823 = arith.constant 0 : index
        %get3A_824 = tpu.vector_load %arg12[%get3A_822, %get3A_823] {strides = array<i32>} : memref<1008x16xf32, #tpu.memory_space<vmem>>, vector<1x16xf32>,
        %get3A_825 = vector.shape_cast %get3A_824 : vector<1x16xf32> to vector<16xf32>
        %get3A_826 = arith.index_cast %add3A_821 : i32 to index
        %get3A_827 = arith.constant 0 : index
        %get3A_828 = tpu.vector_load %arg13[%get3A_826, %get3A_827] {strides = array<i32>} : memref<1008x16xf32, #tpu.memory_space<vmem>>, vector<1x16xf32>,
        %get3A_829 = vector.shape_cast %get3A_828 : vector<1x16xf32> to vector<16xf32>
        %slice3A_830 = vector.extract_strided_slice %get3A_292 {offsets = [15], sizes = [1], strides = [1]} : vector<16xf32> to vector<1xf32>
        %broadcast_in_dim3A_831 = vector.shape_cast %slice3A_830 : vector<1xf32> to vector<1xf32>
        %broadcast_in_dim3A_832 = vector.broadcast %broadcast_in_dim3A_831 : vector<1xf32> to vector<16xf32>
        %slice3A_833 = vector.extract_strided_slice %get3A_297 {offsets = [15], sizes = [1], strides = [1]} : vector<16xf32> to vector<1xf32>
        %broadcast_in_dim3A_834 = vector.shape_cast %slice3A_833 : vector<1xf32> to vector<1xf32>
        %broadcast_in_dim3A_835 = vector.broadcast %broadcast_in_dim3A_834 : vector<1xf32> to vector<16xf32>
        %sub3A_836 = arith.subf %get3A_829, %get3A_825 : vector<16xf32>
        %mul3A_837 = arith.mulf %broadcast_in_dim3A_832, %sub3A_836 : vector<16xf32>
        %add3A_838 = arith.addf %get3A_825, %mul3A_837 : vector<16xf32>
        %rev3A_839 = arith.constant 15 : i32
        %rev3A_840 = vector.broadcast %rev3A_839 : i32 to vector<16xi32>
        %rev3A_841 = tpu.iota {dimensions = array<i32: 0>} : vector<16xi32>
        %rev3A_842 = arith.subi %rev3A_840, %rev3A_841 : vector<16xi32>
        %rev3A_843 = tpu.dynamic_gather %add3A_838[%rev3A_842] in [0] : vector<16xf32>, vector<16xi32> -> vector<16xf32>
        %sub3A_844 = arith.subf %rev3A_843, %add3A_838 : vector<16xf32>
        %mul3A_845 = arith.mulf %broadcast_in_dim3A_835, %sub3A_844 : vector<16xf32>
        %add3A_846 = arith.addf %add3A_838, %mul3A_845 : vector<16xf32>
        %mul3A_847 = arith.constant 8 : i32
        %mul3A_848 = arith.muli %add3A_821, %mul3A_847 : i32
        %swap3A_849 = arith.index_cast %mul3A_848 : i32 to index
        %swap3A_850 = tpu.vector_load %arg14[%swap3A_849] {strides = array<i32>} : memref<8080xf32, #tpu.memory_space<vmem>>, vector<16xf32>,
        %swap3A_851 = vector.shape_cast %swap3A_850 : vector<16xf32> to vector<16xf32>
        %swap3A_852 = vector.shape_cast %add3A_846 : vector<16xf32> to vector<16xf32>
        tpu.vector_store %arg14[%swap3A_849], %swap3A_852 {strides = array<i32>} : memref<8080xf32, #tpu.memory_space<vmem>>, vector<16xf32>,
        %scan3A_853 = arith.constant 0 : i32
        scf.yield %scan3A_853 : i32
      }
      %scan3A_283 = arith.constant 63 : i32
      %mul3A_284 = arith.constant 8 : i32
      %mul3A_285 = arith.muli %add3A_15, %mul3A_284 : i32
      "tpu.region"() ({
        %run_scoped3A = tpu.sem_alloc : memref<!tpu.dma_semaphore, #tpu.memory_space<semaphore_mem>>
        %dma_start3A_287 = arith.constant 0 : i32
        %dma_start3A_288 = tpu.memref_slice %arg14[%dma_start3A_287] : memref<8080xf32, #tpu.memory_space<vmem>> -> memref<8064xf32, #tpu.memory_space<vmem>>
        %dma_start3A_289 = tpu.memref_slice %arg5[%mul3A_285] : memref<8000000xf32, #tpu.memory_space<hbm>> -> memref<8064xf32, #tpu.memory_space<hbm>>
        %dma_start3A_290 = tpu.memref_slice %arg5[%mul3A_285] : memref<8000000xf32, #tpu.memory_space<hbm>> -> memref<8064xf32, #tpu.memory_space<hbm>>
        %dma_start3A_291 = arith.constant 0 : i32
        %dma_start3A_292 = tpu.memref_slice %arg14[%dma_start3A_291] : memref<8080xf32, #tpu.memory_space<vmem>> -> memref<8064xf32, #tpu.memory_space<vmem>>
        tpu.enqueue_dma source(%dma_start3A_292 : memref<8064xf32, #tpu.memory_space<vmem>>) target(%dma_start3A_290 : memref<8064xf32, #tpu.memory_space<hbm>>) target_semaphore(%run_scoped3A : memref<!tpu.dma_semaphore, #tpu.memory_space<semaphore_mem>>)
        %dma_wait3A_293 = arith.constant 0 : i32
        %dma_wait3A_294 = tpu.memref_slice %arg14[%dma_wait3A_293] : memref<8080xf32, #tpu.memory_space<vmem>> -> memref<8064xf32, #tpu.memory_space<vmem>>
        %dma_wait3A_295 = tpu.memref_slice %arg5[%mul3A_285] : memref<8000000xf32, #tpu.memory_space<hbm>> -> memref<8064xf32, #tpu.memory_space<hbm>>
        %dma_wait3A_296 = tpu.memref_slice %arg5[%mul3A_285] : memref<8000000xf32, #tpu.memory_space<hbm>> -> memref<8064xf32, #tpu.memory_space<hbm>>
        %dma_wait3A_297 = arith.constant 0 : i32
        %dma_wait3A_298 = tpu.memref_slice %arg14[%dma_wait3A_297] : memref<8080xf32, #tpu.memory_space<vmem>> -> memref<8064xf32, #tpu.memory_space<vmem>>
        tpu.wait_dma2 semaphore(%run_scoped3A : memref<!tpu.dma_semaphore, #tpu.memory_space<semaphore_mem>>) src(%dma_wait3A_298 : memref<8064xf32, #tpu.memory_space<vmem>>) dst(%dma_wait3A_296 : memref<8064xf32, #tpu.memory_space<hbm>>)
        tpu.yield
      }) : () -> ()
      %scan3A_286 = arith.constant 0 : i32
      scf.yield %scan3A_286 : i32
    }
    %scan3A_8 = arith.constant 31 : i32
    %eq3A = arith.constant 31 : i32
    %eq3A_9 = arith.cmpi eq, %add3A, %eq3A : i32
    %convert_element_type3A = arith.extui %eq3A_9 : i1 to i32
    %cond3A = arith.constant 0 : i32
    %cond3A_10 = arith.cmpi ne, %convert_element_type3A, %cond3A : i32
    scf.if %cond3A_10 {
      "tpu.region"() ({
        %run_scoped3A = tpu.sem_alloc : memref<!tpu.dma_semaphore, #tpu.memory_space<semaphore_mem>>
        %dma_start3A_55 = arith.constant 0 : i32
        %dma_start3A_56 = tpu.memref_slice %arg6[%dma_start3A_55] : memref<1008xf32, #tpu.memory_space<vmem>> -> memref<64xf32, #tpu.memory_space<vmem>>
        %dma_start3A_57 = arith.constant 999936 : i32
        %dma_start3A_58 = tpu.memref_slice %arg3[%dma_start3A_57] : memref<1000000xf32, #tpu.memory_space<hbm>> -> memref<64xf32, #tpu.memory_space<hbm>>
        %dma_start3A_59 = arith.constant 0 : i32
        %dma_start3A_60 = tpu.memref_slice %arg6[%dma_start3A_59] : memref<1008xf32, #tpu.memory_space<vmem>> -> memref<64xf32, #tpu.memory_space<vmem>>
        %dma_start3A_61 = arith.constant 999936 : i32
        %dma_start3A_62 = tpu.memref_slice %arg3[%dma_start3A_61] : memref<1000000xf32, #tpu.memory_space<hbm>> -> memref<64xf32, #tpu.memory_space<hbm>>
        tpu.enqueue_dma source(%dma_start3A_62 : memref<64xf32, #tpu.memory_space<hbm>>) target(%dma_start3A_60 : memref<64xf32, #tpu.memory_space<vmem>>) target_semaphore(%run_scoped3A : memref<!tpu.dma_semaphore, #tpu.memory_space<semaphore_mem>>)
        %dma_wait3A_63 = arith.constant 0 : i32
        %dma_wait3A_64 = tpu.memref_slice %arg6[%dma_wait3A_63] : memref<1008xf32, #tpu.memory_space<vmem>> -> memref<64xf32, #tpu.memory_space<vmem>>
        %dma_wait3A_65 = arith.constant 999936 : i32
        %dma_wait3A_66 = tpu.memref_slice %arg3[%dma_wait3A_65] : memref<1000000xf32, #tpu.memory_space<hbm>> -> memref<64xf32, #tpu.memory_space<hbm>>
        %dma_wait3A_67 = arith.constant 0 : i32
        %dma_wait3A_68 = tpu.memref_slice %arg6[%dma_wait3A_67] : memref<1008xf32, #tpu.memory_space<vmem>> -> memref<64xf32, #tpu.memory_space<vmem>>
        %dma_wait3A_69 = arith.constant 999936 : i32
        %dma_wait3A_70 = tpu.memref_slice %arg3[%dma_wait3A_69] : memref<1000000xf32, #tpu.memory_space<hbm>> -> memref<64xf32, #tpu.memory_space<hbm>>
        tpu.wait_dma2 semaphore(%run_scoped3A : memref<!tpu.dma_semaphore, #tpu.memory_space<semaphore_mem>>) src(%dma_wait3A_70 : memref<64xf32, #tpu.memory_space<hbm>>) dst(%dma_wait3A_68 : memref<64xf32, #tpu.memory_space<vmem>>)
        tpu.yield
      }) : () -> ()
      "tpu.region"() ({
        %run_scoped3A = tpu.sem_alloc : memref<!tpu.dma_semaphore, #tpu.memory_space<semaphore_mem>>
        %dma_start3A_55 = arith.constant 0 : i32
        %dma_start3A_56 = tpu.memref_slice %arg7[%dma_start3A_55] : memref<1008xf32, #tpu.memory_space<vmem>> -> memref<64xf32, #tpu.memory_space<vmem>>
        %dma_start3A_57 = arith.constant 999936 : i32
        %dma_start3A_58 = tpu.memref_slice %arg4[%dma_start3A_57] : memref<1000000xf32, #tpu.memory_space<hbm>> -> memref<64xf32, #tpu.memory_space<hbm>>
        %dma_start3A_59 = arith.constant 0 : i32
        %dma_start3A_60 = tpu.memref_slice %arg7[%dma_start3A_59] : memref<1008xf32, #tpu.memory_space<vmem>> -> memref<64xf32, #tpu.memory_space<vmem>>
        %dma_start3A_61 = arith.constant 999936 : i32
        %dma_start3A_62 = tpu.memref_slice %arg4[%dma_start3A_61] : memref<1000000xf32, #tpu.memory_space<hbm>> -> memref<64xf32, #tpu.memory_space<hbm>>
        tpu.enqueue_dma source(%dma_start3A_62 : memref<64xf32, #tpu.memory_space<hbm>>) target(%dma_start3A_60 : memref<64xf32, #tpu.memory_space<vmem>>) target_semaphore(%run_scoped3A : memref<!tpu.dma_semaphore, #tpu.memory_space<semaphore_mem>>)
        %dma_wait3A_63 = arith.constant 0 : i32
        %dma_wait3A_64 = tpu.memref_slice %arg7[%dma_wait3A_63] : memref<1008xf32, #tpu.memory_space<vmem>> -> memref<64xf32, #tpu.memory_space<vmem>>
        %dma_wait3A_65 = arith.constant 999936 : i32
        %dma_wait3A_66 = tpu.memref_slice %arg4[%dma_wait3A_65] : memref<1000000xf32, #tpu.memory_space<hbm>> -> memref<64xf32, #tpu.memory_space<hbm>>
        %dma_wait3A_67 = arith.constant 0 : i32
        %dma_wait3A_68 = tpu.memref_slice %arg7[%dma_wait3A_67] : memref<1008xf32, #tpu.memory_space<vmem>> -> memref<64xf32, #tpu.memory_space<vmem>>
        %dma_wait3A_69 = arith.constant 999936 : i32
        %dma_wait3A_70 = tpu.memref_slice %arg4[%dma_wait3A_69] : memref<1000000xf32, #tpu.memory_space<hbm>> -> memref<64xf32, #tpu.memory_space<hbm>>
        tpu.wait_dma2 semaphore(%run_scoped3A : memref<!tpu.dma_semaphore, #tpu.memory_space<semaphore_mem>>) src(%dma_wait3A_70 : memref<64xf32, #tpu.memory_space<hbm>>) dst(%dma_wait3A_68 : memref<64xf32, #tpu.memory_space<vmem>>)
        tpu.yield
      }) : () -> ()
      %scan3A_11 = arith.constant 0 : i32
      %scan3A_12 = arith.constant 0 : i32
      %scan3A_13 = arith.constant 4 : i32
      %scan3A_14 = arith.addi %scan3A_12, %scan3A_13 : i32
      %scan3A_15 = arith.constant 1 : i32
      %scan3A_16 = scf.for %scan3A_55 = %scan3A_12 to %scan3A_14 step %scan3A_15 iter_args(%scan3A_56 = %scan3A_11) -> (i32)  : i32 {
        %mul3A_57 = arith.constant 16 : i32
        %mul3A_58 = arith.muli %scan3A_55, %mul3A_57 : i32
        %get3A = arith.index_cast %mul3A_58 : i32 to index
        %get3A_59 = tpu.vector_load %arg6[%get3A] {strides = array<i32>} : memref<1008xf32, #tpu.memory_space<vmem>>, vector<16xf32>,
        %get3A_60 = vector.shape_cast %get3A_59 : vector<16xf32> to vector<16xf32>
        %mul3A_61 = arith.constant 16 : i32
        %mul3A_62 = arith.muli %scan3A_55, %mul3A_61 : i32
        %get3A_63 = arith.index_cast %mul3A_62 : i32 to index
        %get3A_64 = tpu.vector_load %arg7[%get3A_63] {strides = array<i32>} : memref<1008xf32, #tpu.memory_space<vmem>>, vector<16xf32>,
        %get3A_65 = vector.shape_cast %get3A_64 : vector<16xf32> to vector<16xf32>
        %sub3A = arith.constant 9.000000e+01 : f32
        %sub3A_66 = vector.broadcast %sub3A : f32 to vector<16xf32>
        %sub3A_67 = arith.subf %sub3A_66, %get3A_60 : vector<16xf32>
        %mul3A_68 = arith.constant 4.000000e+00 : f32
        %mul3A_69 = vector.broadcast %mul3A_68 : f32 to vector<16xf32>
        %mul3A_70 = arith.mulf %sub3A_67, %mul3A_69 : vector<16xf32>
        %mul3A_71 = arith.constant 4.000000e+00 : f32
        %mul3A_72 = vector.broadcast %mul3A_71 : f32 to vector<16xf32>
        %mul3A_73 = arith.mulf %get3A_65, %mul3A_72 : vector<16xf32>
        %convert_element_type3A_74 = arith.fptosi %mul3A_70 : vector<16xf32> to vector<16xi32>
        %jit3A = arith.constant 0 : i32
        %jit3A_75 = arith.constant 720 : i32
        %max3A = vector.broadcast %jit3A : i32 to vector<16xi32>
        %max3A_76 = arith.maxsi %max3A, %convert_element_type3A_74 : vector<16xi32>
        %min3A = vector.broadcast %jit3A_75 : i32 to vector<16xi32>
        %min3A_77 = arith.minsi %min3A, %max3A_76 : vector<16xi32>
        %convert_element_type3A_78 = arith.fptosi %mul3A_73 : vector<16xf32> to vector<16xi32>
        %jit3A_79 = arith.constant 0 : i32
        %jit3A_80 = arith.constant 1439 : i32
        %max3A_81 = vector.broadcast %jit3A_79 : i32 to vector<16xi32>
        %max3A_82 = arith.maxsi %max3A_81, %convert_element_type3A_78 : vector<16xi32>
        %min3A_83 = vector.broadcast %jit3A_80 : i32 to vector<16xi32>
        %min3A_84 = arith.minsi %min3A_83, %max3A_82 : vector<16xi32>
        %convert_element_type3A_85 = arith.sitofp %min3A_77 : vector<16xi32> to vector<16xf32>
        %sub3A_86 = arith.subf %mul3A_70, %convert_element_type3A_85 : vector<16xf32>
        %mul3A_87 = arith.constant 16 : i32
        %mul3A_88 = arith.muli %scan3A_55, %mul3A_87 : i32
        %swap3A = arith.index_cast %mul3A_88 : i32 to index
        %swap3A_89 = tpu.vector_load %arg10[%swap3A] {strides = array<i32>} : memref<1008xf32, #tpu.memory_space<vmem>>, vector<16xf32>,
        %swap3A_90 = vector.shape_cast %swap3A_89 : vector<16xf32> to vector<16xf32>
        %swap3A_91 = vector.shape_cast %sub3A_86 : vector<16xf32> to vector<16xf32>
        tpu.vector_store %arg10[%swap3A], %swap3A_91 {strides = array<i32>} : memref<1008xf32, #tpu.memory_space<vmem>>, vector<16xf32>,
        %convert_element_type3A_92 = arith.sitofp %min3A_84 : vector<16xi32> to vector<16xf32>
        %sub3A_93 = arith.subf %mul3A_73, %convert_element_type3A_92 : vector<16xf32>
        %mul3A_94 = arith.constant 16 : i32
        %mul3A_95 = arith.muli %scan3A_55, %mul3A_94 : i32
        %swap3A_96 = arith.index_cast %mul3A_95 : i32 to index
        %swap3A_97 = tpu.vector_load %arg11[%swap3A_96] {strides = array<i32>} : memref<1008xf32, #tpu.memory_space<vmem>>, vector<16xf32>,
        %swap3A_98 = vector.shape_cast %swap3A_97 : vector<16xf32> to vector<16xf32>
        %swap3A_99 = vector.shape_cast %sub3A_93 : vector<16xf32> to vector<16xf32>
        tpu.vector_store %arg11[%swap3A_96], %swap3A_99 {strides = array<i32>} : memref<1008xf32, #tpu.memory_space<vmem>>, vector<16xf32>,
        %add3A_100 = arith.constant 1 : i32
        %add3A_101 = vector.broadcast %add3A_100 : i32 to vector<16xi32>
        %add3A_102 = arith.addi %min3A_77, %add3A_101 : vector<16xi32>
        %min3A_103 = arith.constant 720 : i32
        %min3A_104 = vector.broadcast %min3A_103 : i32 to vector<16xi32>
        %min3A_105 = arith.minsi %add3A_102, %min3A_104 : vector<16xi32>
        %shift_right_arithmetic3A = arith.constant 7 : i32
        %shift_right_arithmetic3A_106 = vector.broadcast %shift_right_arithmetic3A : i32 to vector<16xi32>
        %shift_right_arithmetic3A_107 = arith.shrsi %min3A_84, %shift_right_arithmetic3A_106 : vector<16xi32>
        %mul3A_108 = arith.constant 92288 : i32
        %mul3A_109 = vector.broadcast %mul3A_108 : i32 to vector<16xi32>
        %mul3A_110 = arith.muli %shift_right_arithmetic3A_107, %mul3A_109 : vector<16xi32>
        %and3A = arith.constant 127 : i32
        %and3A_111 = vector.broadcast %and3A : i32 to vector<16xi32>
        %and3A_112 = arith.andi %min3A_84, %and3A_111 : vector<16xi32>
        %add3A_113 = arith.addi %mul3A_110, %and3A_112 : vector<16xi32>
        %mul3A_114 = arith.constant 128 : i32
        %mul3A_115 = vector.broadcast %mul3A_114 : i32 to vector<16xi32>
        %mul3A_116 = arith.muli %min3A_77, %mul3A_115 : vector<16xi32>
        %add3A_117 = arith.addi %add3A_113, %mul3A_116 : vector<16xi32>
        %mul3A_118 = arith.constant 16 : i32
        %mul3A_119 = arith.muli %scan3A_55, %mul3A_118 : i32
        %swap3A_120 = arith.index_cast %mul3A_119 : i32 to index
        %swap3A_121 = tpu.vector_load %arg8[%swap3A_120] {strides = array<i32>} : memref<1008xi32, #tpu.memory_space<vmem>>, vector<16xi32>,
        %swap3A_122 = vector.shape_cast %swap3A_121 : vector<16xi32> to vector<16xi32>
        %swap3A_123 = vector.shape_cast %add3A_117 : vector<16xi32> to vector<16xi32>
        tpu.vector_store %arg8[%swap3A_120], %swap3A_123 {strides = array<i32>} : memref<1008xi32, #tpu.memory_space<vmem>>, vector<16xi32>,
        %mul3A_124 = arith.constant 128 : i32
        %mul3A_125 = vector.broadcast %mul3A_124 : i32 to vector<16xi32>
        %mul3A_126 = arith.muli %min3A_105, %mul3A_125 : vector<16xi32>
        %add3A_127 = arith.addi %add3A_113, %mul3A_126 : vector<16xi32>
        %mul3A_128 = arith.constant 16 : i32
        %mul3A_129 = arith.muli %scan3A_55, %mul3A_128 : i32
        %swap3A_130 = arith.index_cast %mul3A_129 : i32 to index
        %swap3A_131 = tpu.vector_load %arg9[%swap3A_130] {strides = array<i32>} : memref<1008xi32, #tpu.memory_space<vmem>>, vector<16xi32>,
        %swap3A_132 = vector.shape_cast %swap3A_131 : vector<16xi32> to vector<16xi32>
        %swap3A_133 = vector.shape_cast %add3A_127 : vector<16xi32> to vector<16xi32>
        tpu.vector_store %arg9[%swap3A_130], %swap3A_133 {strides = array<i32>} : memref<1008xi32, #tpu.memory_space<vmem>>, vector<16xi32>,
        %scan3A_134 = arith.constant 0 : i32
        scf.yield %scan3A_134 : i32
      }
      %scan3A_17 = arith.constant 4 : i32
      %dma_start3A = arith.constant 0 : i32
      %dma_start3A_18 = arith.constant 0 : i32
      %dma_start3A_19 = tpu.memref_slice %arg12[%dma_start3A, %dma_start3A_18] : memref<1008x16xf32, #tpu.memory_space<vmem>> -> memref<64x16xf32, #tpu.memory_space<vmem>>
      %dma_start3A_20 = arith.constant 0 : i32
      %dma_start3A_21 = tpu.memref_slice %arg8[%dma_start3A_20] : memref<1008xi32, #tpu.memory_space<vmem>> -> memref<64xi32, #tpu.memory_space<vmem>>
      %dma_start3A_22 = arith.constant 0 : i32
      %dma_start3A_23 = arith.constant 0 : i32
      %dma_start3A_24 = tpu.memref_slice %arg2[%dma_start3A_22, %dma_start3A_23] : memref<1107456x16xf32, #tpu.memory_space<hbm>> -> memref<1107456x16xf32, #tpu.memory_space<hbm>>
      tpu.enqueue_indirect_dma source(%dma_start3A_24 : memref<1107456x16xf32, #tpu.memory_space<hbm>>) target(%dma_start3A_19 : memref<64x16xf32, #tpu.memory_space<vmem>>) offsets(%dma_start3A_21 : memref<64xi32, #tpu.memory_space<vmem>>) semaphore(%arg15 : memref<!tpu.dma_semaphore, #tpu.memory_space<semaphore_mem>>)
      %dma_start3A_25 = arith.constant 0 : i32
      %dma_start3A_26 = arith.constant 0 : i32
      %dma_start3A_27 = tpu.memref_slice %arg13[%dma_start3A_25, %dma_start3A_26] : memref<1008x16xf32, #tpu.memory_space<vmem>> -> memref<64x16xf32, #tpu.memory_space<vmem>>
      %dma_start3A_28 = arith.constant 0 : i32
      %dma_start3A_29 = tpu.memref_slice %arg9[%dma_start3A_28] : memref<1008xi32, #tpu.memory_space<vmem>> -> memref<64xi32, #tpu.memory_space<vmem>>
      %dma_start3A_30 = arith.constant 0 : i32
      %dma_start3A_31 = arith.constant 0 : i32
      %dma_start3A_32 = tpu.memref_slice %arg2[%dma_start3A_30, %dma_start3A_31] : memref<1107456x16xf32, #tpu.memory_space<hbm>> -> memref<1107456x16xf32, #tpu.memory_space<hbm>>
      tpu.enqueue_indirect_dma source(%dma_start3A_32 : memref<1107456x16xf32, #tpu.memory_space<hbm>>) target(%dma_start3A_27 : memref<64x16xf32, #tpu.memory_space<vmem>>) offsets(%dma_start3A_29 : memref<64xi32, #tpu.memory_space<vmem>>) semaphore(%arg15 : memref<!tpu.dma_semaphore, #tpu.memory_space<semaphore_mem>>)
      %dma_wait3A = arith.constant 0 : i32
      %dma_wait3A_33 = arith.constant 0 : i32
      %dma_wait3A_34 = tpu.memref_slice %arg12[%dma_wait3A, %dma_wait3A_33] : memref<1008x16xf32, #tpu.memory_space<vmem>> -> memref<64x16xf32, #tpu.memory_space<vmem>>
      %dma_wait3A_35 = arith.constant 0 : i32
      %dma_wait3A_36 = tpu.memref_slice %arg8[%dma_wait3A_35] : memref<1008xi32, #tpu.memory_space<vmem>> -> memref<64xi32, #tpu.memory_space<vmem>>
      %dma_wait3A_37 = arith.constant 0 : i32
      %dma_wait3A_38 = arith.constant 0 : i32
      %dma_wait3A_39 = tpu.memref_slice %arg2[%dma_wait3A_37, %dma_wait3A_38] : memref<1107456x16xf32, #tpu.memory_space<hbm>> -> memref<1107456x16xf32, #tpu.memory_space<hbm>>
      tpu.wait_indirect_dma semaphore(%arg15 : memref<!tpu.dma_semaphore, #tpu.memory_space<semaphore_mem>>) src(%dma_wait3A_39 : memref<1107456x16xf32, #tpu.memory_space<hbm>>) dst(%dma_wait3A_34 : memref<64x16xf32, #tpu.memory_space<vmem>>)
      %dma_wait3A_40 = arith.constant 0 : i32
      %dma_wait3A_41 = arith.constant 0 : i32
      %dma_wait3A_42 = tpu.memref_slice %arg13[%dma_wait3A_40, %dma_wait3A_41] : memref<1008x16xf32, #tpu.memory_space<vmem>> -> memref<64x16xf32, #tpu.memory_space<vmem>>
      %dma_wait3A_43 = arith.constant 0 : i32
      %dma_wait3A_44 = tpu.memref_slice %arg9[%dma_wait3A_43] : memref<1008xi32, #tpu.memory_space<vmem>> -> memref<64xi32, #tpu.memory_space<vmem>>
      %dma_wait3A_45 = arith.constant 0 : i32
      %dma_wait3A_46 = arith.constant 0 : i32
      %dma_wait3A_47 = tpu.memref_slice %arg2[%dma_wait3A_45, %dma_wait3A_46] : memref<1107456x16xf32, #tpu.memory_space<hbm>> -> memref<1107456x16xf32, #tpu.memory_space<hbm>>
      tpu.wait_indirect_dma semaphore(%arg15 : memref<!tpu.dma_semaphore, #tpu.memory_space<semaphore_mem>>) src(%dma_wait3A_47 : memref<1107456x16xf32, #tpu.memory_space<hbm>>) dst(%dma_wait3A_42 : memref<64x16xf32, #tpu.memory_space<vmem>>)
      %scan3A_48 = arith.constant 0 : i32
      %scan3A_49 = arith.constant 0 : i32
      %scan3A_50 = arith.constant 4 : i32
      %scan3A_51 = arith.addi %scan3A_49, %scan3A_50 : i32
      %scan3A_52 = arith.constant 1 : i32
      %scan3A_53 = scf.for %scan3A_55 = %scan3A_49 to %scan3A_51 step %scan3A_52 iter_args(%scan3A_56 = %scan3A_48) -> (i32)  : i32 {
        %mul3A_57 = arith.constant 16 : i32
        %mul3A_58 = arith.muli %scan3A_55, %mul3A_57 : i32
        %get3A = arith.index_cast %mul3A_58 : i32 to index
        %get3A_59 = tpu.vector_load %arg10[%get3A] {strides = array<i32>} : memref<1008xf32, #tpu.memory_space<vmem>>, vector<16xf32>,
        %get3A_60 = vector.shape_cast %get3A_59 : vector<16xf32> to vector<16xf32>
        %mul3A_61 = arith.constant 16 : i32
        %mul3A_62 = arith.muli %scan3A_55, %mul3A_61 : i32
        %get3A_63 = arith.index_cast %mul3A_62 : i32 to index
        %get3A_64 = tpu.vector_load %arg11[%get3A_63] {strides = array<i32>} : memref<1008xf32, #tpu.memory_space<vmem>>, vector<16xf32>,
        %get3A_65 = vector.shape_cast %get3A_64 : vector<16xf32> to vector<16xf32>
        %mul3A_66 = arith.constant 16 : i32
        %mul3A_67 = arith.muli %scan3A_55, %mul3A_66 : i32
        %add3A_68 = arith.constant 0 : i32
        %add3A_69 = arith.addi %mul3A_67, %add3A_68 : i32
        %get3A_70 = arith.index_cast %add3A_69 : i32 to index
        %get3A_71 = arith.constant 0 : index
        %get3A_72 = tpu.vector_load %arg12[%get3A_70, %get3A_71] {strides = array<i32>} : memref<1008x16xf32, #tpu.memory_space<vmem>>, vector<1x16xf32>,
        %get3A_73 = vector.shape_cast %get3A_72 : vector<1x16xf32> to vector<16xf32>
        %get3A_74 = arith.index_cast %add3A_69 : i32 to index
        %get3A_75 = arith.constant 0 : index
        %get3A_76 = tpu.vector_load %arg13[%get3A_74, %get3A_75] {strides = array<i32>} : memref<1008x16xf32, #tpu.memory_space<vmem>>, vector<1x16xf32>,
        %get3A_77 = vector.shape_cast %get3A_76 : vector<1x16xf32> to vector<16xf32>
        %slice3A = vector.extract_strided_slice %get3A_60 {offsets = [0], sizes = [1], strides = [1]} : vector<16xf32> to vector<1xf32>
        %broadcast_in_dim3A = vector.shape_cast %slice3A : vector<1xf32> to vector<1xf32>
        %broadcast_in_dim3A_78 = vector.broadcast %broadcast_in_dim3A : vector<1xf32> to vector<16xf32>
        %slice3A_79 = vector.extract_strided_slice %get3A_65 {offsets = [0], sizes = [1], strides = [1]} : vector<16xf32> to vector<1xf32>
        %broadcast_in_dim3A_80 = vector.shape_cast %slice3A_79 : vector<1xf32> to vector<1xf32>
        %broadcast_in_dim3A_81 = vector.broadcast %broadcast_in_dim3A_80 : vector<1xf32> to vector<16xf32>
        %sub3A = arith.subf %get3A_77, %get3A_73 : vector<16xf32>
        %mul3A_82 = arith.mulf %broadcast_in_dim3A_78, %sub3A : vector<16xf32>
        %add3A_83 = arith.addf %get3A_73, %mul3A_82 : vector<16xf32>
        %rev3A = arith.constant 15 : i32
        %rev3A_84 = vector.broadcast %rev3A : i32 to vector<16xi32>
        %rev3A_85 = tpu.iota {dimensions = array<i32: 0>} : vector<16xi32>
        %rev3A_86 = arith.subi %rev3A_84, %rev3A_85 : vector<16xi32>
        %rev3A_87 = tpu.dynamic_gather %add3A_83[%rev3A_86] in [0] : vector<16xf32>, vector<16xi32> -> vector<16xf32>
        %sub3A_88 = arith.subf %rev3A_87, %add3A_83 : vector<16xf32>
        %mul3A_89 = arith.mulf %broadcast_in_dim3A_81, %sub3A_88 : vector<16xf32>
        %add3A_90 = arith.addf %add3A_83, %mul3A_89 : vector<16xf32>
        %mul3A_91 = arith.constant 8 : i32
        %mul3A_92 = arith.muli %add3A_69, %mul3A_91 : i32
        %swap3A = arith.index_cast %mul3A_92 : i32 to index
        %swap3A_93 = tpu.vector_load %arg14[%swap3A] {strides = array<i32>} : memref<8080xf32, #tpu.memory_space<vmem>>, vector<16xf32>,
        %swap3A_94 = vector.shape_cast %swap3A_93 : vector<16xf32> to vector<16xf32>
        %swap3A_95 = vector.shape_cast %add3A_90 : vector<16xf32> to vector<16xf32>
        tpu.vector_store %arg14[%swap3A], %swap3A_95 {strides = array<i32>} : memref<8080xf32, #tpu.memory_space<vmem>>, vector<16xf32>,
        %mul3A_96 = arith.constant 16 : i32
        %mul3A_97 = arith.muli %scan3A_55, %mul3A_96 : i32
        %add3A_98 = arith.constant 1 : i32
        %add3A_99 = arith.addi %mul3A_97, %add3A_98 : i32
        %get3A_100 = arith.index_cast %add3A_99 : i32 to index
        %get3A_101 = arith.constant 0 : index
        %get3A_102 = tpu.vector_load %arg12[%get3A_100, %get3A_101] {strides = array<i32>} : memref<1008x16xf32, #tpu.memory_space<vmem>>, vector<1x16xf32>,
        %get3A_103 = vector.shape_cast %get3A_102 : vector<1x16xf32> to vector<16xf32>
        %get3A_104 = arith.index_cast %add3A_99 : i32 to index
        %get3A_105 = arith.constant 0 : index
        %get3A_106 = tpu.vector_load %arg13[%get3A_104, %get3A_105] {strides = array<i32>} : memref<1008x16xf32, #tpu.memory_space<vmem>>, vector<1x16xf32>,
        %get3A_107 = vector.shape_cast %get3A_106 : vector<1x16xf32> to vector<16xf32>
        %slice3A_108 = vector.extract_strided_slice %get3A_60 {offsets = [1], sizes = [1], strides = [1]} : vector<16xf32> to vector<1xf32>
        %broadcast_in_dim3A_109 = vector.shape_cast %slice3A_108 : vector<1xf32> to vector<1xf32>
        %broadcast_in_dim3A_110 = vector.broadcast %broadcast_in_dim3A_109 : vector<1xf32> to vector<16xf32>
        %slice3A_111 = vector.extract_strided_slice %get3A_65 {offsets = [1], sizes = [1], strides = [1]} : vector<16xf32> to vector<1xf32>
        %broadcast_in_dim3A_112 = vector.shape_cast %slice3A_111 : vector<1xf32> to vector<1xf32>
        %broadcast_in_dim3A_113 = vector.broadcast %broadcast_in_dim3A_112 : vector<1xf32> to vector<16xf32>
        %sub3A_114 = arith.subf %get3A_107, %get3A_103 : vector<16xf32>
        %mul3A_115 = arith.mulf %broadcast_in_dim3A_110, %sub3A_114 : vector<16xf32>
        %add3A_116 = arith.addf %get3A_103, %mul3A_115 : vector<16xf32>
        %rev3A_117 = arith.constant 15 : i32
        %rev3A_118 = vector.broadcast %rev3A_117 : i32 to vector<16xi32>
        %rev3A_119 = tpu.iota {dimensions = array<i32: 0>} : vector<16xi32>
        %rev3A_120 = arith.subi %rev3A_118, %rev3A_119 : vector<16xi32>
        %rev3A_121 = tpu.dynamic_gather %add3A_116[%rev3A_120] in [0] : vector<16xf32>, vector<16xi32> -> vector<16xf32>
        %sub3A_122 = arith.subf %rev3A_121, %add3A_116 : vector<16xf32>
        %mul3A_123 = arith.mulf %broadcast_in_dim3A_113, %sub3A_122 : vector<16xf32>
        %add3A_124 = arith.addf %add3A_116, %mul3A_123 : vector<16xf32>
        %mul3A_125 = arith.constant 8 : i32
        %mul3A_126 = arith.muli %add3A_99, %mul3A_125 : i32
        %swap3A_127 = arith.index_cast %mul3A_126 : i32 to index
        %swap3A_128 = tpu.vector_load %arg14[%swap3A_127] {strides = array<i32>} : memref<8080xf32, #tpu.memory_space<vmem>>, vector<16xf32>,
        %swap3A_129 = vector.shape_cast %swap3A_128 : vector<16xf32> to vector<16xf32>
        %swap3A_130 = vector.shape_cast %add3A_124 : vector<16xf32> to vector<16xf32>
        tpu.vector_store %arg14[%swap3A_127], %swap3A_130 {strides = array<i32>} : memref<8080xf32, #tpu.memory_space<vmem>>, vector<16xf32>,
        %mul3A_131 = arith.constant 16 : i32
        %mul3A_132 = arith.muli %scan3A_55, %mul3A_131 : i32
        %add3A_133 = arith.constant 2 : i32
        %add3A_134 = arith.addi %mul3A_132, %add3A_133 : i32
        %get3A_135 = arith.index_cast %add3A_134 : i32 to index
        %get3A_136 = arith.constant 0 : index
        %get3A_137 = tpu.vector_load %arg12[%get3A_135, %get3A_136] {strides = array<i32>} : memref<1008x16xf32, #tpu.memory_space<vmem>>, vector<1x16xf32>,
        %get3A_138 = vector.shape_cast %get3A_137 : vector<1x16xf32> to vector<16xf32>
        %get3A_139 = arith.index_cast %add3A_134 : i32 to index
        %get3A_140 = arith.constant 0 : index
        %get3A_141 = tpu.vector_load %arg13[%get3A_139, %get3A_140] {strides = array<i32>} : memref<1008x16xf32, #tpu.memory_space<vmem>>, vector<1x16xf32>,
        %get3A_142 = vector.shape_cast %get3A_141 : vector<1x16xf32> to vector<16xf32>
        %slice3A_143 = vector.extract_strided_slice %get3A_60 {offsets = [2], sizes = [1], strides = [1]} : vector<16xf32> to vector<1xf32>
        %broadcast_in_dim3A_144 = vector.shape_cast %slice3A_143 : vector<1xf32> to vector<1xf32>
        %broadcast_in_dim3A_145 = vector.broadcast %broadcast_in_dim3A_144 : vector<1xf32> to vector<16xf32>
        %slice3A_146 = vector.extract_strided_slice %get3A_65 {offsets = [2], sizes = [1], strides = [1]} : vector<16xf32> to vector<1xf32>
        %broadcast_in_dim3A_147 = vector.shape_cast %slice3A_146 : vector<1xf32> to vector<1xf32>
        %broadcast_in_dim3A_148 = vector.broadcast %broadcast_in_dim3A_147 : vector<1xf32> to vector<16xf32>
        %sub3A_149 = arith.subf %get3A_142, %get3A_138 : vector<16xf32>
        %mul3A_150 = arith.mulf %broadcast_in_dim3A_145, %sub3A_149 : vector<16xf32>
        %add3A_151 = arith.addf %get3A_138, %mul3A_150 : vector<16xf32>
        %rev3A_152 = arith.constant 15 : i32
        %rev3A_153 = vector.broadcast %rev3A_152 : i32 to vector<16xi32>
        %rev3A_154 = tpu.iota {dimensions = array<i32: 0>} : vector<16xi32>
        %rev3A_155 = arith.subi %rev3A_153, %rev3A_154 : vector<16xi32>
        %rev3A_156 = tpu.dynamic_gather %add3A_151[%rev3A_155] in [0] : vector<16xf32>, vector<16xi32> -> vector<16xf32>
        %sub3A_157 = arith.subf %rev3A_156, %add3A_151 : vector<16xf32>
        %mul3A_158 = arith.mulf %broadcast_in_dim3A_148, %sub3A_157 : vector<16xf32>
        %add3A_159 = arith.addf %add3A_151, %mul3A_158 : vector<16xf32>
        %mul3A_160 = arith.constant 8 : i32
        %mul3A_161 = arith.muli %add3A_134, %mul3A_160 : i32
        %swap3A_162 = arith.index_cast %mul3A_161 : i32 to index
        %swap3A_163 = tpu.vector_load %arg14[%swap3A_162] {strides = array<i32>} : memref<8080xf32, #tpu.memory_space<vmem>>, vector<16xf32>,
        %swap3A_164 = vector.shape_cast %swap3A_163 : vector<16xf32> to vector<16xf32>
        %swap3A_165 = vector.shape_cast %add3A_159 : vector<16xf32> to vector<16xf32>
        tpu.vector_store %arg14[%swap3A_162], %swap3A_165 {strides = array<i32>} : memref<8080xf32, #tpu.memory_space<vmem>>, vector<16xf32>,
        %mul3A_166 = arith.constant 16 : i32
        %mul3A_167 = arith.muli %scan3A_55, %mul3A_166 : i32
        %add3A_168 = arith.constant 3 : i32
        %add3A_169 = arith.addi %mul3A_167, %add3A_168 : i32
        %get3A_170 = arith.index_cast %add3A_169 : i32 to index
        %get3A_171 = arith.constant 0 : index
        %get3A_172 = tpu.vector_load %arg12[%get3A_170, %get3A_171] {strides = array<i32>} : memref<1008x16xf32, #tpu.memory_space<vmem>>, vector<1x16xf32>,
        %get3A_173 = vector.shape_cast %get3A_172 : vector<1x16xf32> to vector<16xf32>
        %get3A_174 = arith.index_cast %add3A_169 : i32 to index
        %get3A_175 = arith.constant 0 : index
        %get3A_176 = tpu.vector_load %arg13[%get3A_174, %get3A_175] {strides = array<i32>} : memref<1008x16xf32, #tpu.memory_space<vmem>>, vector<1x16xf32>,
        %get3A_177 = vector.shape_cast %get3A_176 : vector<1x16xf32> to vector<16xf32>
        %slice3A_178 = vector.extract_strided_slice %get3A_60 {offsets = [3], sizes = [1], strides = [1]} : vector<16xf32> to vector<1xf32>
        %broadcast_in_dim3A_179 = vector.shape_cast %slice3A_178 : vector<1xf32> to vector<1xf32>
        %broadcast_in_dim3A_180 = vector.broadcast %broadcast_in_dim3A_179 : vector<1xf32> to vector<16xf32>
        %slice3A_181 = vector.extract_strided_slice %get3A_65 {offsets = [3], sizes = [1], strides = [1]} : vector<16xf32> to vector<1xf32>
        %broadcast_in_dim3A_182 = vector.shape_cast %slice3A_181 : vector<1xf32> to vector<1xf32>
        %broadcast_in_dim3A_183 = vector.broadcast %broadcast_in_dim3A_182 : vector<1xf32> to vector<16xf32>
        %sub3A_184 = arith.subf %get3A_177, %get3A_173 : vector<16xf32>
        %mul3A_185 = arith.mulf %broadcast_in_dim3A_180, %sub3A_184 : vector<16xf32>
        %add3A_186 = arith.addf %get3A_173, %mul3A_185 : vector<16xf32>
        %rev3A_187 = arith.constant 15 : i32
        %rev3A_188 = vector.broadcast %rev3A_187 : i32 to vector<16xi32>
        %rev3A_189 = tpu.iota {dimensions = array<i32: 0>} : vector<16xi32>
        %rev3A_190 = arith.subi %rev3A_188, %rev3A_189 : vector<16xi32>
        %rev3A_191 = tpu.dynamic_gather %add3A_186[%rev3A_190] in [0] : vector<16xf32>, vector<16xi32> -> vector<16xf32>
        %sub3A_192 = arith.subf %rev3A_191, %add3A_186 : vector<16xf32>
        %mul3A_193 = arith.mulf %broadcast_in_dim3A_183, %sub3A_192 : vector<16xf32>
        %add3A_194 = arith.addf %add3A_186, %mul3A_193 : vector<16xf32>
        %mul3A_195 = arith.constant 8 : i32
        %mul3A_196 = arith.muli %add3A_169, %mul3A_195 : i32
        %swap3A_197 = arith.index_cast %mul3A_196 : i32 to index
        %swap3A_198 = tpu.vector_load %arg14[%swap3A_197] {strides = array<i32>} : memref<8080xf32, #tpu.memory_space<vmem>>, vector<16xf32>,
        %swap3A_199 = vector.shape_cast %swap3A_198 : vector<16xf32> to vector<16xf32>
        %swap3A_200 = vector.shape_cast %add3A_194 : vector<16xf32> to vector<16xf32>
        tpu.vector_store %arg14[%swap3A_197], %swap3A_200 {strides = array<i32>} : memref<8080xf32, #tpu.memory_space<vmem>>, vector<16xf32>,
        %mul3A_201 = arith.constant 16 : i32
        %mul3A_202 = arith.muli %scan3A_55, %mul3A_201 : i32
        %add3A_203 = arith.constant 4 : i32
        %add3A_204 = arith.addi %mul3A_202, %add3A_203 : i32
        %get3A_205 = arith.index_cast %add3A_204 : i32 to index
        %get3A_206 = arith.constant 0 : index
        %get3A_207 = tpu.vector_load %arg12[%get3A_205, %get3A_206] {strides = array<i32>} : memref<1008x16xf32, #tpu.memory_space<vmem>>, vector<1x16xf32>,
        %get3A_208 = vector.shape_cast %get3A_207 : vector<1x16xf32> to vector<16xf32>
        %get3A_209 = arith.index_cast %add3A_204 : i32 to index
        %get3A_210 = arith.constant 0 : index
        %get3A_211 = tpu.vector_load %arg13[%get3A_209, %get3A_210] {strides = array<i32>} : memref<1008x16xf32, #tpu.memory_space<vmem>>, vector<1x16xf32>,
        %get3A_212 = vector.shape_cast %get3A_211 : vector<1x16xf32> to vector<16xf32>
        %slice3A_213 = vector.extract_strided_slice %get3A_60 {offsets = [4], sizes = [1], strides = [1]} : vector<16xf32> to vector<1xf32>
        %broadcast_in_dim3A_214 = vector.shape_cast %slice3A_213 : vector<1xf32> to vector<1xf32>
        %broadcast_in_dim3A_215 = vector.broadcast %broadcast_in_dim3A_214 : vector<1xf32> to vector<16xf32>
        %slice3A_216 = vector.extract_strided_slice %get3A_65 {offsets = [4], sizes = [1], strides = [1]} : vector<16xf32> to vector<1xf32>
        %broadcast_in_dim3A_217 = vector.shape_cast %slice3A_216 : vector<1xf32> to vector<1xf32>
        %broadcast_in_dim3A_218 = vector.broadcast %broadcast_in_dim3A_217 : vector<1xf32> to vector<16xf32>
        %sub3A_219 = arith.subf %get3A_212, %get3A_208 : vector<16xf32>
        %mul3A_220 = arith.mulf %broadcast_in_dim3A_215, %sub3A_219 : vector<16xf32>
        %add3A_221 = arith.addf %get3A_208, %mul3A_220 : vector<16xf32>
        %rev3A_222 = arith.constant 15 : i32
        %rev3A_223 = vector.broadcast %rev3A_222 : i32 to vector<16xi32>
        %rev3A_224 = tpu.iota {dimensions = array<i32: 0>} : vector<16xi32>
        %rev3A_225 = arith.subi %rev3A_223, %rev3A_224 : vector<16xi32>
        %rev3A_226 = tpu.dynamic_gather %add3A_221[%rev3A_225] in [0] : vector<16xf32>, vector<16xi32> -> vector<16xf32>
        %sub3A_227 = arith.subf %rev3A_226, %add3A_221 : vector<16xf32>
        %mul3A_228 = arith.mulf %broadcast_in_dim3A_218, %sub3A_227 : vector<16xf32>
        %add3A_229 = arith.addf %add3A_221, %mul3A_228 : vector<16xf32>
        %mul3A_230 = arith.constant 8 : i32
        %mul3A_231 = arith.muli %add3A_204, %mul3A_230 : i32
        %swap3A_232 = arith.index_cast %mul3A_231 : i32 to index
        %swap3A_233 = tpu.vector_load %arg14[%swap3A_232] {strides = array<i32>} : memref<8080xf32, #tpu.memory_space<vmem>>, vector<16xf32>,
        %swap3A_234 = vector.shape_cast %swap3A_233 : vector<16xf32> to vector<16xf32>
        %swap3A_235 = vector.shape_cast %add3A_229 : vector<16xf32> to vector<16xf32>
        tpu.vector_store %arg14[%swap3A_232], %swap3A_235 {strides = array<i32>} : memref<8080xf32, #tpu.memory_space<vmem>>, vector<16xf32>,
        %mul3A_236 = arith.constant 16 : i32
        %mul3A_237 = arith.muli %scan3A_55, %mul3A_236 : i32
        %add3A_238 = arith.constant 5 : i32
        %add3A_239 = arith.addi %mul3A_237, %add3A_238 : i32
        %get3A_240 = arith.index_cast %add3A_239 : i32 to index
        %get3A_241 = arith.constant 0 : index
        %get3A_242 = tpu.vector_load %arg12[%get3A_240, %get3A_241] {strides = array<i32>} : memref<1008x16xf32, #tpu.memory_space<vmem>>, vector<1x16xf32>,
        %get3A_243 = vector.shape_cast %get3A_242 : vector<1x16xf32> to vector<16xf32>
        %get3A_244 = arith.index_cast %add3A_239 : i32 to index
        %get3A_245 = arith.constant 0 : index
        %get3A_246 = tpu.vector_load %arg13[%get3A_244, %get3A_245] {strides = array<i32>} : memref<1008x16xf32, #tpu.memory_space<vmem>>, vector<1x16xf32>,
        %get3A_247 = vector.shape_cast %get3A_246 : vector<1x16xf32> to vector<16xf32>
        %slice3A_248 = vector.extract_strided_slice %get3A_60 {offsets = [5], sizes = [1], strides = [1]} : vector<16xf32> to vector<1xf32>
        %broadcast_in_dim3A_249 = vector.shape_cast %slice3A_248 : vector<1xf32> to vector<1xf32>
        %broadcast_in_dim3A_250 = vector.broadcast %broadcast_in_dim3A_249 : vector<1xf32> to vector<16xf32>
        %slice3A_251 = vector.extract_strided_slice %get3A_65 {offsets = [5], sizes = [1], strides = [1]} : vector<16xf32> to vector<1xf32>
        %broadcast_in_dim3A_252 = vector.shape_cast %slice3A_251 : vector<1xf32> to vector<1xf32>
        %broadcast_in_dim3A_253 = vector.broadcast %broadcast_in_dim3A_252 : vector<1xf32> to vector<16xf32>
        %sub3A_254 = arith.subf %get3A_247, %get3A_243 : vector<16xf32>
        %mul3A_255 = arith.mulf %broadcast_in_dim3A_250, %sub3A_254 : vector<16xf32>
        %add3A_256 = arith.addf %get3A_243, %mul3A_255 : vector<16xf32>
        %rev3A_257 = arith.constant 15 : i32
        %rev3A_258 = vector.broadcast %rev3A_257 : i32 to vector<16xi32>
        %rev3A_259 = tpu.iota {dimensions = array<i32: 0>} : vector<16xi32>
        %rev3A_260 = arith.subi %rev3A_258, %rev3A_259 : vector<16xi32>
        %rev3A_261 = tpu.dynamic_gather %add3A_256[%rev3A_260] in [0] : vector<16xf32>, vector<16xi32> -> vector<16xf32>
        %sub3A_262 = arith.subf %rev3A_261, %add3A_256 : vector<16xf32>
        %mul3A_263 = arith.mulf %broadcast_in_dim3A_253, %sub3A_262 : vector<16xf32>
        %add3A_264 = arith.addf %add3A_256, %mul3A_263 : vector<16xf32>
        %mul3A_265 = arith.constant 8 : i32
        %mul3A_266 = arith.muli %add3A_239, %mul3A_265 : i32
        %swap3A_267 = arith.index_cast %mul3A_266 : i32 to index
        %swap3A_268 = tpu.vector_load %arg14[%swap3A_267] {strides = array<i32>} : memref<8080xf32, #tpu.memory_space<vmem>>, vector<16xf32>,
        %swap3A_269 = vector.shape_cast %swap3A_268 : vector<16xf32> to vector<16xf32>
        %swap3A_270 = vector.shape_cast %add3A_264 : vector<16xf32> to vector<16xf32>
        tpu.vector_store %arg14[%swap3A_267], %swap3A_270 {strides = array<i32>} : memref<8080xf32, #tpu.memory_space<vmem>>, vector<16xf32>,
        %mul3A_271 = arith.constant 16 : i32
        %mul3A_272 = arith.muli %scan3A_55, %mul3A_271 : i32
        %add3A_273 = arith.constant 6 : i32
        %add3A_274 = arith.addi %mul3A_272, %add3A_273 : i32
        %get3A_275 = arith.index_cast %add3A_274 : i32 to index
        %get3A_276 = arith.constant 0 : index
        %get3A_277 = tpu.vector_load %arg12[%get3A_275, %get3A_276] {strides = array<i32>} : memref<1008x16xf32, #tpu.memory_space<vmem>>, vector<1x16xf32>,
        %get3A_278 = vector.shape_cast %get3A_277 : vector<1x16xf32> to vector<16xf32>
        %get3A_279 = arith.index_cast %add3A_274 : i32 to index
        %get3A_280 = arith.constant 0 : index
        %get3A_281 = tpu.vector_load %arg13[%get3A_279, %get3A_280] {strides = array<i32>} : memref<1008x16xf32, #tpu.memory_space<vmem>>, vector<1x16xf32>,
        %get3A_282 = vector.shape_cast %get3A_281 : vector<1x16xf32> to vector<16xf32>
        %slice3A_283 = vector.extract_strided_slice %get3A_60 {offsets = [6], sizes = [1], strides = [1]} : vector<16xf32> to vector<1xf32>
        %broadcast_in_dim3A_284 = vector.shape_cast %slice3A_283 : vector<1xf32> to vector<1xf32>
        %broadcast_in_dim3A_285 = vector.broadcast %broadcast_in_dim3A_284 : vector<1xf32> to vector<16xf32>
        %slice3A_286 = vector.extract_strided_slice %get3A_65 {offsets = [6], sizes = [1], strides = [1]} : vector<16xf32> to vector<1xf32>
        %broadcast_in_dim3A_287 = vector.shape_cast %slice3A_286 : vector<1xf32> to vector<1xf32>
        %broadcast_in_dim3A_288 = vector.broadcast %broadcast_in_dim3A_287 : vector<1xf32> to vector<16xf32>
        %sub3A_289 = arith.subf %get3A_282, %get3A_278 : vector<16xf32>
        %mul3A_290 = arith.mulf %broadcast_in_dim3A_285, %sub3A_289 : vector<16xf32>
        %add3A_291 = arith.addf %get3A_278, %mul3A_290 : vector<16xf32>
        %rev3A_292 = arith.constant 15 : i32
        %rev3A_293 = vector.broadcast %rev3A_292 : i32 to vector<16xi32>
        %rev3A_294 = tpu.iota {dimensions = array<i32: 0>} : vector<16xi32>
        %rev3A_295 = arith.subi %rev3A_293, %rev3A_294 : vector<16xi32>
        %rev3A_296 = tpu.dynamic_gather %add3A_291[%rev3A_295] in [0] : vector<16xf32>, vector<16xi32> -> vector<16xf32>
        %sub3A_297 = arith.subf %rev3A_296, %add3A_291 : vector<16xf32>
        %mul3A_298 = arith.mulf %broadcast_in_dim3A_288, %sub3A_297 : vector<16xf32>
        %add3A_299 = arith.addf %add3A_291, %mul3A_298 : vector<16xf32>
        %mul3A_300 = arith.constant 8 : i32
        %mul3A_301 = arith.muli %add3A_274, %mul3A_300 : i32
        %swap3A_302 = arith.index_cast %mul3A_301 : i32 to index
        %swap3A_303 = tpu.vector_load %arg14[%swap3A_302] {strides = array<i32>} : memref<8080xf32, #tpu.memory_space<vmem>>, vector<16xf32>,
        %swap3A_304 = vector.shape_cast %swap3A_303 : vector<16xf32> to vector<16xf32>
        %swap3A_305 = vector.shape_cast %add3A_299 : vector<16xf32> to vector<16xf32>
        tpu.vector_store %arg14[%swap3A_302], %swap3A_305 {strides = array<i32>} : memref<8080xf32, #tpu.memory_space<vmem>>, vector<16xf32>,
        %mul3A_306 = arith.constant 16 : i32
        %mul3A_307 = arith.muli %scan3A_55, %mul3A_306 : i32
        %add3A_308 = arith.constant 7 : i32
        %add3A_309 = arith.addi %mul3A_307, %add3A_308 : i32
        %get3A_310 = arith.index_cast %add3A_309 : i32 to index
        %get3A_311 = arith.constant 0 : index
        %get3A_312 = tpu.vector_load %arg12[%get3A_310, %get3A_311] {strides = array<i32>} : memref<1008x16xf32, #tpu.memory_space<vmem>>, vector<1x16xf32>,
        %get3A_313 = vector.shape_cast %get3A_312 : vector<1x16xf32> to vector<16xf32>
        %get3A_314 = arith.index_cast %add3A_309 : i32 to index
        %get3A_315 = arith.constant 0 : index
        %get3A_316 = tpu.vector_load %arg13[%get3A_314, %get3A_315] {strides = array<i32>} : memref<1008x16xf32, #tpu.memory_space<vmem>>, vector<1x16xf32>,
        %get3A_317 = vector.shape_cast %get3A_316 : vector<1x16xf32> to vector<16xf32>
        %slice3A_318 = vector.extract_strided_slice %get3A_60 {offsets = [7], sizes = [1], strides = [1]} : vector<16xf32> to vector<1xf32>
        %broadcast_in_dim3A_319 = vector.shape_cast %slice3A_318 : vector<1xf32> to vector<1xf32>
        %broadcast_in_dim3A_320 = vector.broadcast %broadcast_in_dim3A_319 : vector<1xf32> to vector<16xf32>
        %slice3A_321 = vector.extract_strided_slice %get3A_65 {offsets = [7], sizes = [1], strides = [1]} : vector<16xf32> to vector<1xf32>
        %broadcast_in_dim3A_322 = vector.shape_cast %slice3A_321 : vector<1xf32> to vector<1xf32>
        %broadcast_in_dim3A_323 = vector.broadcast %broadcast_in_dim3A_322 : vector<1xf32> to vector<16xf32>
        %sub3A_324 = arith.subf %get3A_317, %get3A_313 : vector<16xf32>
        %mul3A_325 = arith.mulf %broadcast_in_dim3A_320, %sub3A_324 : vector<16xf32>
        %add3A_326 = arith.addf %get3A_313, %mul3A_325 : vector<16xf32>
        %rev3A_327 = arith.constant 15 : i32
        %rev3A_328 = vector.broadcast %rev3A_327 : i32 to vector<16xi32>
        %rev3A_329 = tpu.iota {dimensions = array<i32: 0>} : vector<16xi32>
        %rev3A_330 = arith.subi %rev3A_328, %rev3A_329 : vector<16xi32>
        %rev3A_331 = tpu.dynamic_gather %add3A_326[%rev3A_330] in [0] : vector<16xf32>, vector<16xi32> -> vector<16xf32>
        %sub3A_332 = arith.subf %rev3A_331, %add3A_326 : vector<16xf32>
        %mul3A_333 = arith.mulf %broadcast_in_dim3A_323, %sub3A_332 : vector<16xf32>
        %add3A_334 = arith.addf %add3A_326, %mul3A_333 : vector<16xf32>
        %mul3A_335 = arith.constant 8 : i32
        %mul3A_336 = arith.muli %add3A_309, %mul3A_335 : i32
        %swap3A_337 = arith.index_cast %mul3A_336 : i32 to index
        %swap3A_338 = tpu.vector_load %arg14[%swap3A_337] {strides = array<i32>} : memref<8080xf32, #tpu.memory_space<vmem>>, vector<16xf32>,
        %swap3A_339 = vector.shape_cast %swap3A_338 : vector<16xf32> to vector<16xf32>
        %swap3A_340 = vector.shape_cast %add3A_334 : vector<16xf32> to vector<16xf32>
        tpu.vector_store %arg14[%swap3A_337], %swap3A_340 {strides = array<i32>} : memref<8080xf32, #tpu.memory_space<vmem>>, vector<16xf32>,
        %mul3A_341 = arith.constant 16 : i32
        %mul3A_342 = arith.muli %scan3A_55, %mul3A_341 : i32
        %add3A_343 = arith.constant 8 : i32
        %add3A_344 = arith.addi %mul3A_342, %add3A_343 : i32
        %get3A_345 = arith.index_cast %add3A_344 : i32 to index
        %get3A_346 = arith.constant 0 : index
        %get3A_347 = tpu.vector_load %arg12[%get3A_345, %get3A_346] {strides = array<i32>} : memref<1008x16xf32, #tpu.memory_space<vmem>>, vector<1x16xf32>,
        %get3A_348 = vector.shape_cast %get3A_347 : vector<1x16xf32> to vector<16xf32>
        %get3A_349 = arith.index_cast %add3A_344 : i32 to index
        %get3A_350 = arith.constant 0 : index
        %get3A_351 = tpu.vector_load %arg13[%get3A_349, %get3A_350] {strides = array<i32>} : memref<1008x16xf32, #tpu.memory_space<vmem>>, vector<1x16xf32>,
        %get3A_352 = vector.shape_cast %get3A_351 : vector<1x16xf32> to vector<16xf32>
        %slice3A_353 = vector.extract_strided_slice %get3A_60 {offsets = [8], sizes = [1], strides = [1]} : vector<16xf32> to vector<1xf32>
        %broadcast_in_dim3A_354 = vector.shape_cast %slice3A_353 : vector<1xf32> to vector<1xf32>
        %broadcast_in_dim3A_355 = vector.broadcast %broadcast_in_dim3A_354 : vector<1xf32> to vector<16xf32>
        %slice3A_356 = vector.extract_strided_slice %get3A_65 {offsets = [8], sizes = [1], strides = [1]} : vector<16xf32> to vector<1xf32>
        %broadcast_in_dim3A_357 = vector.shape_cast %slice3A_356 : vector<1xf32> to vector<1xf32>
        %broadcast_in_dim3A_358 = vector.broadcast %broadcast_in_dim3A_357 : vector<1xf32> to vector<16xf32>
        %sub3A_359 = arith.subf %get3A_352, %get3A_348 : vector<16xf32>
        %mul3A_360 = arith.mulf %broadcast_in_dim3A_355, %sub3A_359 : vector<16xf32>
        %add3A_361 = arith.addf %get3A_348, %mul3A_360 : vector<16xf32>
        %rev3A_362 = arith.constant 15 : i32
        %rev3A_363 = vector.broadcast %rev3A_362 : i32 to vector<16xi32>
        %rev3A_364 = tpu.iota {dimensions = array<i32: 0>} : vector<16xi32>
        %rev3A_365 = arith.subi %rev3A_363, %rev3A_364 : vector<16xi32>
        %rev3A_366 = tpu.dynamic_gather %add3A_361[%rev3A_365] in [0] : vector<16xf32>, vector<16xi32> -> vector<16xf32>
        %sub3A_367 = arith.subf %rev3A_366, %add3A_361 : vector<16xf32>
        %mul3A_368 = arith.mulf %broadcast_in_dim3A_358, %sub3A_367 : vector<16xf32>
        %add3A_369 = arith.addf %add3A_361, %mul3A_368 : vector<16xf32>
        %mul3A_370 = arith.constant 8 : i32
        %mul3A_371 = arith.muli %add3A_344, %mul3A_370 : i32
        %swap3A_372 = arith.index_cast %mul3A_371 : i32 to index
        %swap3A_373 = tpu.vector_load %arg14[%swap3A_372] {strides = array<i32>} : memref<8080xf32, #tpu.memory_space<vmem>>, vector<16xf32>,
        %swap3A_374 = vector.shape_cast %swap3A_373 : vector<16xf32> to vector<16xf32>
        %swap3A_375 = vector.shape_cast %add3A_369 : vector<16xf32> to vector<16xf32>
        tpu.vector_store %arg14[%swap3A_372], %swap3A_375 {strides = array<i32>} : memref<8080xf32, #tpu.memory_space<vmem>>, vector<16xf32>,
        %mul3A_376 = arith.constant 16 : i32
        %mul3A_377 = arith.muli %scan3A_55, %mul3A_376 : i32
        %add3A_378 = arith.constant 9 : i32
        %add3A_379 = arith.addi %mul3A_377, %add3A_378 : i32
        %get3A_380 = arith.index_cast %add3A_379 : i32 to index
        %get3A_381 = arith.constant 0 : index
        %get3A_382 = tpu.vector_load %arg12[%get3A_380, %get3A_381] {strides = array<i32>} : memref<1008x16xf32, #tpu.memory_space<vmem>>, vector<1x16xf32>,
        %get3A_383 = vector.shape_cast %get3A_382 : vector<1x16xf32> to vector<16xf32>
        %get3A_384 = arith.index_cast %add3A_379 : i32 to index
        %get3A_385 = arith.constant 0 : index
        %get3A_386 = tpu.vector_load %arg13[%get3A_384, %get3A_385] {strides = array<i32>} : memref<1008x16xf32, #tpu.memory_space<vmem>>, vector<1x16xf32>,
        %get3A_387 = vector.shape_cast %get3A_386 : vector<1x16xf32> to vector<16xf32>
        %slice3A_388 = vector.extract_strided_slice %get3A_60 {offsets = [9], sizes = [1], strides = [1]} : vector<16xf32> to vector<1xf32>
        %broadcast_in_dim3A_389 = vector.shape_cast %slice3A_388 : vector<1xf32> to vector<1xf32>
        %broadcast_in_dim3A_390 = vector.broadcast %broadcast_in_dim3A_389 : vector<1xf32> to vector<16xf32>
        %slice3A_391 = vector.extract_strided_slice %get3A_65 {offsets = [9], sizes = [1], strides = [1]} : vector<16xf32> to vector<1xf32>
        %broadcast_in_dim3A_392 = vector.shape_cast %slice3A_391 : vector<1xf32> to vector<1xf32>
        %broadcast_in_dim3A_393 = vector.broadcast %broadcast_in_dim3A_392 : vector<1xf32> to vector<16xf32>
        %sub3A_394 = arith.subf %get3A_387, %get3A_383 : vector<16xf32>
        %mul3A_395 = arith.mulf %broadcast_in_dim3A_390, %sub3A_394 : vector<16xf32>
        %add3A_396 = arith.addf %get3A_383, %mul3A_395 : vector<16xf32>
        %rev3A_397 = arith.constant 15 : i32
        %rev3A_398 = vector.broadcast %rev3A_397 : i32 to vector<16xi32>
        %rev3A_399 = tpu.iota {dimensions = array<i32: 0>} : vector<16xi32>
        %rev3A_400 = arith.subi %rev3A_398, %rev3A_399 : vector<16xi32>
        %rev3A_401 = tpu.dynamic_gather %add3A_396[%rev3A_400] in [0] : vector<16xf32>, vector<16xi32> -> vector<16xf32>
        %sub3A_402 = arith.subf %rev3A_401, %add3A_396 : vector<16xf32>
        %mul3A_403 = arith.mulf %broadcast_in_dim3A_393, %sub3A_402 : vector<16xf32>
        %add3A_404 = arith.addf %add3A_396, %mul3A_403 : vector<16xf32>
        %mul3A_405 = arith.constant 8 : i32
        %mul3A_406 = arith.muli %add3A_379, %mul3A_405 : i32
        %swap3A_407 = arith.index_cast %mul3A_406 : i32 to index
        %swap3A_408 = tpu.vector_load %arg14[%swap3A_407] {strides = array<i32>} : memref<8080xf32, #tpu.memory_space<vmem>>, vector<16xf32>,
        %swap3A_409 = vector.shape_cast %swap3A_408 : vector<16xf32> to vector<16xf32>
        %swap3A_410 = vector.shape_cast %add3A_404 : vector<16xf32> to vector<16xf32>
        tpu.vector_store %arg14[%swap3A_407], %swap3A_410 {strides = array<i32>} : memref<8080xf32, #tpu.memory_space<vmem>>, vector<16xf32>,
        %mul3A_411 = arith.constant 16 : i32
        %mul3A_412 = arith.muli %scan3A_55, %mul3A_411 : i32
        %add3A_413 = arith.constant 10 : i32
        %add3A_414 = arith.addi %mul3A_412, %add3A_413 : i32
        %get3A_415 = arith.index_cast %add3A_414 : i32 to index
        %get3A_416 = arith.constant 0 : index
        %get3A_417 = tpu.vector_load %arg12[%get3A_415, %get3A_416] {strides = array<i32>} : memref<1008x16xf32, #tpu.memory_space<vmem>>, vector<1x16xf32>,
        %get3A_418 = vector.shape_cast %get3A_417 : vector<1x16xf32> to vector<16xf32>
        %get3A_419 = arith.index_cast %add3A_414 : i32 to index
        %get3A_420 = arith.constant 0 : index
        %get3A_421 = tpu.vector_load %arg13[%get3A_419, %get3A_420] {strides = array<i32>} : memref<1008x16xf32, #tpu.memory_space<vmem>>, vector<1x16xf32>,
        %get3A_422 = vector.shape_cast %get3A_421 : vector<1x16xf32> to vector<16xf32>
        %slice3A_423 = vector.extract_strided_slice %get3A_60 {offsets = [10], sizes = [1], strides = [1]} : vector<16xf32> to vector<1xf32>
        %broadcast_in_dim3A_424 = vector.shape_cast %slice3A_423 : vector<1xf32> to vector<1xf32>
        %broadcast_in_dim3A_425 = vector.broadcast %broadcast_in_dim3A_424 : vector<1xf32> to vector<16xf32>
        %slice3A_426 = vector.extract_strided_slice %get3A_65 {offsets = [10], sizes = [1], strides = [1]} : vector<16xf32> to vector<1xf32>
        %broadcast_in_dim3A_427 = vector.shape_cast %slice3A_426 : vector<1xf32> to vector<1xf32>
        %broadcast_in_dim3A_428 = vector.broadcast %broadcast_in_dim3A_427 : vector<1xf32> to vector<16xf32>
        %sub3A_429 = arith.subf %get3A_422, %get3A_418 : vector<16xf32>
        %mul3A_430 = arith.mulf %broadcast_in_dim3A_425, %sub3A_429 : vector<16xf32>
        %add3A_431 = arith.addf %get3A_418, %mul3A_430 : vector<16xf32>
        %rev3A_432 = arith.constant 15 : i32
        %rev3A_433 = vector.broadcast %rev3A_432 : i32 to vector<16xi32>
        %rev3A_434 = tpu.iota {dimensions = array<i32: 0>} : vector<16xi32>
        %rev3A_435 = arith.subi %rev3A_433, %rev3A_434 : vector<16xi32>
        %rev3A_436 = tpu.dynamic_gather %add3A_431[%rev3A_435] in [0] : vector<16xf32>, vector<16xi32> -> vector<16xf32>
        %sub3A_437 = arith.subf %rev3A_436, %add3A_431 : vector<16xf32>
        %mul3A_438 = arith.mulf %broadcast_in_dim3A_428, %sub3A_437 : vector<16xf32>
        %add3A_439 = arith.addf %add3A_431, %mul3A_438 : vector<16xf32>
        %mul3A_440 = arith.constant 8 : i32
        %mul3A_441 = arith.muli %add3A_414, %mul3A_440 : i32
        %swap3A_442 = arith.index_cast %mul3A_441 : i32 to index
        %swap3A_443 = tpu.vector_load %arg14[%swap3A_442] {strides = array<i32>} : memref<8080xf32, #tpu.memory_space<vmem>>, vector<16xf32>,
        %swap3A_444 = vector.shape_cast %swap3A_443 : vector<16xf32> to vector<16xf32>
        %swap3A_445 = vector.shape_cast %add3A_439 : vector<16xf32> to vector<16xf32>
        tpu.vector_store %arg14[%swap3A_442], %swap3A_445 {strides = array<i32>} : memref<8080xf32, #tpu.memory_space<vmem>>, vector<16xf32>,
        %mul3A_446 = arith.constant 16 : i32
        %mul3A_447 = arith.muli %scan3A_55, %mul3A_446 : i32
        %add3A_448 = arith.constant 11 : i32
        %add3A_449 = arith.addi %mul3A_447, %add3A_448 : i32
        %get3A_450 = arith.index_cast %add3A_449 : i32 to index
        %get3A_451 = arith.constant 0 : index
        %get3A_452 = tpu.vector_load %arg12[%get3A_450, %get3A_451] {strides = array<i32>} : memref<1008x16xf32, #tpu.memory_space<vmem>>, vector<1x16xf32>,
        %get3A_453 = vector.shape_cast %get3A_452 : vector<1x16xf32> to vector<16xf32>
        %get3A_454 = arith.index_cast %add3A_449 : i32 to index
        %get3A_455 = arith.constant 0 : index
        %get3A_456 = tpu.vector_load %arg13[%get3A_454, %get3A_455] {strides = array<i32>} : memref<1008x16xf32, #tpu.memory_space<vmem>>, vector<1x16xf32>,
        %get3A_457 = vector.shape_cast %get3A_456 : vector<1x16xf32> to vector<16xf32>
        %slice3A_458 = vector.extract_strided_slice %get3A_60 {offsets = [11], sizes = [1], strides = [1]} : vector<16xf32> to vector<1xf32>
        %broadcast_in_dim3A_459 = vector.shape_cast %slice3A_458 : vector<1xf32> to vector<1xf32>
        %broadcast_in_dim3A_460 = vector.broadcast %broadcast_in_dim3A_459 : vector<1xf32> to vector<16xf32>
        %slice3A_461 = vector.extract_strided_slice %get3A_65 {offsets = [11], sizes = [1], strides = [1]} : vector<16xf32> to vector<1xf32>
        %broadcast_in_dim3A_462 = vector.shape_cast %slice3A_461 : vector<1xf32> to vector<1xf32>
        %broadcast_in_dim3A_463 = vector.broadcast %broadcast_in_dim3A_462 : vector<1xf32> to vector<16xf32>
        %sub3A_464 = arith.subf %get3A_457, %get3A_453 : vector<16xf32>
        %mul3A_465 = arith.mulf %broadcast_in_dim3A_460, %sub3A_464 : vector<16xf32>
        %add3A_466 = arith.addf %get3A_453, %mul3A_465 : vector<16xf32>
        %rev3A_467 = arith.constant 15 : i32
        %rev3A_468 = vector.broadcast %rev3A_467 : i32 to vector<16xi32>
        %rev3A_469 = tpu.iota {dimensions = array<i32: 0>} : vector<16xi32>
        %rev3A_470 = arith.subi %rev3A_468, %rev3A_469 : vector<16xi32>
        %rev3A_471 = tpu.dynamic_gather %add3A_466[%rev3A_470] in [0] : vector<16xf32>, vector<16xi32> -> vector<16xf32>
        %sub3A_472 = arith.subf %rev3A_471, %add3A_466 : vector<16xf32>
        %mul3A_473 = arith.mulf %broadcast_in_dim3A_463, %sub3A_472 : vector<16xf32>
        %add3A_474 = arith.addf %add3A_466, %mul3A_473 : vector<16xf32>
        %mul3A_475 = arith.constant 8 : i32
        %mul3A_476 = arith.muli %add3A_449, %mul3A_475 : i32
        %swap3A_477 = arith.index_cast %mul3A_476 : i32 to index
        %swap3A_478 = tpu.vector_load %arg14[%swap3A_477] {strides = array<i32>} : memref<8080xf32, #tpu.memory_space<vmem>>, vector<16xf32>,
        %swap3A_479 = vector.shape_cast %swap3A_478 : vector<16xf32> to vector<16xf32>
        %swap3A_480 = vector.shape_cast %add3A_474 : vector<16xf32> to vector<16xf32>
        tpu.vector_store %arg14[%swap3A_477], %swap3A_480 {strides = array<i32>} : memref<8080xf32, #tpu.memory_space<vmem>>, vector<16xf32>,
        %mul3A_481 = arith.constant 16 : i32
        %mul3A_482 = arith.muli %scan3A_55, %mul3A_481 : i32
        %add3A_483 = arith.constant 12 : i32
        %add3A_484 = arith.addi %mul3A_482, %add3A_483 : i32
        %get3A_485 = arith.index_cast %add3A_484 : i32 to index
        %get3A_486 = arith.constant 0 : index
        %get3A_487 = tpu.vector_load %arg12[%get3A_485, %get3A_486] {strides = array<i32>} : memref<1008x16xf32, #tpu.memory_space<vmem>>, vector<1x16xf32>,
        %get3A_488 = vector.shape_cast %get3A_487 : vector<1x16xf32> to vector<16xf32>
        %get3A_489 = arith.index_cast %add3A_484 : i32 to index
        %get3A_490 = arith.constant 0 : index
        %get3A_491 = tpu.vector_load %arg13[%get3A_489, %get3A_490] {strides = array<i32>} : memref<1008x16xf32, #tpu.memory_space<vmem>>, vector<1x16xf32>,
        %get3A_492 = vector.shape_cast %get3A_491 : vector<1x16xf32> to vector<16xf32>
        %slice3A_493 = vector.extract_strided_slice %get3A_60 {offsets = [12], sizes = [1], strides = [1]} : vector<16xf32> to vector<1xf32>
        %broadcast_in_dim3A_494 = vector.shape_cast %slice3A_493 : vector<1xf32> to vector<1xf32>
        %broadcast_in_dim3A_495 = vector.broadcast %broadcast_in_dim3A_494 : vector<1xf32> to vector<16xf32>
        %slice3A_496 = vector.extract_strided_slice %get3A_65 {offsets = [12], sizes = [1], strides = [1]} : vector<16xf32> to vector<1xf32>
        %broadcast_in_dim3A_497 = vector.shape_cast %slice3A_496 : vector<1xf32> to vector<1xf32>
        %broadcast_in_dim3A_498 = vector.broadcast %broadcast_in_dim3A_497 : vector<1xf32> to vector<16xf32>
        %sub3A_499 = arith.subf %get3A_492, %get3A_488 : vector<16xf32>
        %mul3A_500 = arith.mulf %broadcast_in_dim3A_495, %sub3A_499 : vector<16xf32>
        %add3A_501 = arith.addf %get3A_488, %mul3A_500 : vector<16xf32>
        %rev3A_502 = arith.constant 15 : i32
        %rev3A_503 = vector.broadcast %rev3A_502 : i32 to vector<16xi32>
        %rev3A_504 = tpu.iota {dimensions = array<i32: 0>} : vector<16xi32>
        %rev3A_505 = arith.subi %rev3A_503, %rev3A_504 : vector<16xi32>
        %rev3A_506 = tpu.dynamic_gather %add3A_501[%rev3A_505] in [0] : vector<16xf32>, vector<16xi32> -> vector<16xf32>
        %sub3A_507 = arith.subf %rev3A_506, %add3A_501 : vector<16xf32>
        %mul3A_508 = arith.mulf %broadcast_in_dim3A_498, %sub3A_507 : vector<16xf32>
        %add3A_509 = arith.addf %add3A_501, %mul3A_508 : vector<16xf32>
        %mul3A_510 = arith.constant 8 : i32
        %mul3A_511 = arith.muli %add3A_484, %mul3A_510 : i32
        %swap3A_512 = arith.index_cast %mul3A_511 : i32 to index
        %swap3A_513 = tpu.vector_load %arg14[%swap3A_512] {strides = array<i32>} : memref<8080xf32, #tpu.memory_space<vmem>>, vector<16xf32>,
        %swap3A_514 = vector.shape_cast %swap3A_513 : vector<16xf32> to vector<16xf32>
        %swap3A_515 = vector.shape_cast %add3A_509 : vector<16xf32> to vector<16xf32>
        tpu.vector_store %arg14[%swap3A_512], %swap3A_515 {strides = array<i32>} : memref<8080xf32, #tpu.memory_space<vmem>>, vector<16xf32>,
        %mul3A_516 = arith.constant 16 : i32
        %mul3A_517 = arith.muli %scan3A_55, %mul3A_516 : i32
        %add3A_518 = arith.constant 13 : i32
        %add3A_519 = arith.addi %mul3A_517, %add3A_518 : i32
        %get3A_520 = arith.index_cast %add3A_519 : i32 to index
        %get3A_521 = arith.constant 0 : index
        %get3A_522 = tpu.vector_load %arg12[%get3A_520, %get3A_521] {strides = array<i32>} : memref<1008x16xf32, #tpu.memory_space<vmem>>, vector<1x16xf32>,
        %get3A_523 = vector.shape_cast %get3A_522 : vector<1x16xf32> to vector<16xf32>
        %get3A_524 = arith.index_cast %add3A_519 : i32 to index
        %get3A_525 = arith.constant 0 : index
        %get3A_526 = tpu.vector_load %arg13[%get3A_524, %get3A_525] {strides = array<i32>} : memref<1008x16xf32, #tpu.memory_space<vmem>>, vector<1x16xf32>,
        %get3A_527 = vector.shape_cast %get3A_526 : vector<1x16xf32> to vector<16xf32>
        %slice3A_528 = vector.extract_strided_slice %get3A_60 {offsets = [13], sizes = [1], strides = [1]} : vector<16xf32> to vector<1xf32>
        %broadcast_in_dim3A_529 = vector.shape_cast %slice3A_528 : vector<1xf32> to vector<1xf32>
        %broadcast_in_dim3A_530 = vector.broadcast %broadcast_in_dim3A_529 : vector<1xf32> to vector<16xf32>
        %slice3A_531 = vector.extract_strided_slice %get3A_65 {offsets = [13], sizes = [1], strides = [1]} : vector<16xf32> to vector<1xf32>
        %broadcast_in_dim3A_532 = vector.shape_cast %slice3A_531 : vector<1xf32> to vector<1xf32>
        %broadcast_in_dim3A_533 = vector.broadcast %broadcast_in_dim3A_532 : vector<1xf32> to vector<16xf32>
        %sub3A_534 = arith.subf %get3A_527, %get3A_523 : vector<16xf32>
        %mul3A_535 = arith.mulf %broadcast_in_dim3A_530, %sub3A_534 : vector<16xf32>
        %add3A_536 = arith.addf %get3A_523, %mul3A_535 : vector<16xf32>
        %rev3A_537 = arith.constant 15 : i32
        %rev3A_538 = vector.broadcast %rev3A_537 : i32 to vector<16xi32>
        %rev3A_539 = tpu.iota {dimensions = array<i32: 0>} : vector<16xi32>
        %rev3A_540 = arith.subi %rev3A_538, %rev3A_539 : vector<16xi32>
        %rev3A_541 = tpu.dynamic_gather %add3A_536[%rev3A_540] in [0] : vector<16xf32>, vector<16xi32> -> vector<16xf32>
        %sub3A_542 = arith.subf %rev3A_541, %add3A_536 : vector<16xf32>
        %mul3A_543 = arith.mulf %broadcast_in_dim3A_533, %sub3A_542 : vector<16xf32>
        %add3A_544 = arith.addf %add3A_536, %mul3A_543 : vector<16xf32>
        %mul3A_545 = arith.constant 8 : i32
        %mul3A_546 = arith.muli %add3A_519, %mul3A_545 : i32
        %swap3A_547 = arith.index_cast %mul3A_546 : i32 to index
        %swap3A_548 = tpu.vector_load %arg14[%swap3A_547] {strides = array<i32>} : memref<8080xf32, #tpu.memory_space<vmem>>, vector<16xf32>,
        %swap3A_549 = vector.shape_cast %swap3A_548 : vector<16xf32> to vector<16xf32>
        %swap3A_550 = vector.shape_cast %add3A_544 : vector<16xf32> to vector<16xf32>
        tpu.vector_store %arg14[%swap3A_547], %swap3A_550 {strides = array<i32>} : memref<8080xf32, #tpu.memory_space<vmem>>, vector<16xf32>,
        %mul3A_551 = arith.constant 16 : i32
        %mul3A_552 = arith.muli %scan3A_55, %mul3A_551 : i32
        %add3A_553 = arith.constant 14 : i32
        %add3A_554 = arith.addi %mul3A_552, %add3A_553 : i32
        %get3A_555 = arith.index_cast %add3A_554 : i32 to index
        %get3A_556 = arith.constant 0 : index
        %get3A_557 = tpu.vector_load %arg12[%get3A_555, %get3A_556] {strides = array<i32>} : memref<1008x16xf32, #tpu.memory_space<vmem>>, vector<1x16xf32>,
        %get3A_558 = vector.shape_cast %get3A_557 : vector<1x16xf32> to vector<16xf32>
        %get3A_559 = arith.index_cast %add3A_554 : i32 to index
        %get3A_560 = arith.constant 0 : index
        %get3A_561 = tpu.vector_load %arg13[%get3A_559, %get3A_560] {strides = array<i32>} : memref<1008x16xf32, #tpu.memory_space<vmem>>, vector<1x16xf32>,
        %get3A_562 = vector.shape_cast %get3A_561 : vector<1x16xf32> to vector<16xf32>
        %slice3A_563 = vector.extract_strided_slice %get3A_60 {offsets = [14], sizes = [1], strides = [1]} : vector<16xf32> to vector<1xf32>
        %broadcast_in_dim3A_564 = vector.shape_cast %slice3A_563 : vector<1xf32> to vector<1xf32>
        %broadcast_in_dim3A_565 = vector.broadcast %broadcast_in_dim3A_564 : vector<1xf32> to vector<16xf32>
        %slice3A_566 = vector.extract_strided_slice %get3A_65 {offsets = [14], sizes = [1], strides = [1]} : vector<16xf32> to vector<1xf32>
        %broadcast_in_dim3A_567 = vector.shape_cast %slice3A_566 : vector<1xf32> to vector<1xf32>
        %broadcast_in_dim3A_568 = vector.broadcast %broadcast_in_dim3A_567 : vector<1xf32> to vector<16xf32>
        %sub3A_569 = arith.subf %get3A_562, %get3A_558 : vector<16xf32>
        %mul3A_570 = arith.mulf %broadcast_in_dim3A_565, %sub3A_569 : vector<16xf32>
        %add3A_571 = arith.addf %get3A_558, %mul3A_570 : vector<16xf32>
        %rev3A_572 = arith.constant 15 : i32
        %rev3A_573 = vector.broadcast %rev3A_572 : i32 to vector<16xi32>
        %rev3A_574 = tpu.iota {dimensions = array<i32: 0>} : vector<16xi32>
        %rev3A_575 = arith.subi %rev3A_573, %rev3A_574 : vector<16xi32>
        %rev3A_576 = tpu.dynamic_gather %add3A_571[%rev3A_575] in [0] : vector<16xf32>, vector<16xi32> -> vector<16xf32>
        %sub3A_577 = arith.subf %rev3A_576, %add3A_571 : vector<16xf32>
        %mul3A_578 = arith.mulf %broadcast_in_dim3A_568, %sub3A_577 : vector<16xf32>
        %add3A_579 = arith.addf %add3A_571, %mul3A_578 : vector<16xf32>
        %mul3A_580 = arith.constant 8 : i32
        %mul3A_581 = arith.muli %add3A_554, %mul3A_580 : i32
        %swap3A_582 = arith.index_cast %mul3A_581 : i32 to index
        %swap3A_583 = tpu.vector_load %arg14[%swap3A_582] {strides = array<i32>} : memref<8080xf32, #tpu.memory_space<vmem>>, vector<16xf32>,
        %swap3A_584 = vector.shape_cast %swap3A_583 : vector<16xf32> to vector<16xf32>
        %swap3A_585 = vector.shape_cast %add3A_579 : vector<16xf32> to vector<16xf32>
        tpu.vector_store %arg14[%swap3A_582], %swap3A_585 {strides = array<i32>} : memref<8080xf32, #tpu.memory_space<vmem>>, vector<16xf32>,
        %mul3A_586 = arith.constant 16 : i32
        %mul3A_587 = arith.muli %scan3A_55, %mul3A_586 : i32
        %add3A_588 = arith.constant 15 : i32
        %add3A_589 = arith.addi %mul3A_587, %add3A_588 : i32
        %get3A_590 = arith.index_cast %add3A_589 : i32 to index
        %get3A_591 = arith.constant 0 : index
        %get3A_592 = tpu.vector_load %arg12[%get3A_590, %get3A_591] {strides = array<i32>} : memref<1008x16xf32, #tpu.memory_space<vmem>>, vector<1x16xf32>,
        %get3A_593 = vector.shape_cast %get3A_592 : vector<1x16xf32> to vector<16xf32>
        %get3A_594 = arith.index_cast %add3A_589 : i32 to index
        %get3A_595 = arith.constant 0 : index
        %get3A_596 = tpu.vector_load %arg13[%get3A_594, %get3A_595] {strides = array<i32>} : memref<1008x16xf32, #tpu.memory_space<vmem>>, vector<1x16xf32>,
        %get3A_597 = vector.shape_cast %get3A_596 : vector<1x16xf32> to vector<16xf32>
        %slice3A_598 = vector.extract_strided_slice %get3A_60 {offsets = [15], sizes = [1], strides = [1]} : vector<16xf32> to vector<1xf32>
        %broadcast_in_dim3A_599 = vector.shape_cast %slice3A_598 : vector<1xf32> to vector<1xf32>
        %broadcast_in_dim3A_600 = vector.broadcast %broadcast_in_dim3A_599 : vector<1xf32> to vector<16xf32>
        %slice3A_601 = vector.extract_strided_slice %get3A_65 {offsets = [15], sizes = [1], strides = [1]} : vector<16xf32> to vector<1xf32>
        %broadcast_in_dim3A_602 = vector.shape_cast %slice3A_601 : vector<1xf32> to vector<1xf32>
        %broadcast_in_dim3A_603 = vector.broadcast %broadcast_in_dim3A_602 : vector<1xf32> to vector<16xf32>
        %sub3A_604 = arith.subf %get3A_597, %get3A_593 : vector<16xf32>
        %mul3A_605 = arith.mulf %broadcast_in_dim3A_600, %sub3A_604 : vector<16xf32>
        %add3A_606 = arith.addf %get3A_593, %mul3A_605 : vector<16xf32>
        %rev3A_607 = arith.constant 15 : i32
        %rev3A_608 = vector.broadcast %rev3A_607 : i32 to vector<16xi32>
        %rev3A_609 = tpu.iota {dimensions = array<i32: 0>} : vector<16xi32>
        %rev3A_610 = arith.subi %rev3A_608, %rev3A_609 : vector<16xi32>
        %rev3A_611 = tpu.dynamic_gather %add3A_606[%rev3A_610] in [0] : vector<16xf32>, vector<16xi32> -> vector<16xf32>
        %sub3A_612 = arith.subf %rev3A_611, %add3A_606 : vector<16xf32>
        %mul3A_613 = arith.mulf %broadcast_in_dim3A_603, %sub3A_612 : vector<16xf32>
        %add3A_614 = arith.addf %add3A_606, %mul3A_613 : vector<16xf32>
        %mul3A_615 = arith.constant 8 : i32
        %mul3A_616 = arith.muli %add3A_589, %mul3A_615 : i32
        %swap3A_617 = arith.index_cast %mul3A_616 : i32 to index
        %swap3A_618 = tpu.vector_load %arg14[%swap3A_617] {strides = array<i32>} : memref<8080xf32, #tpu.memory_space<vmem>>, vector<16xf32>,
        %swap3A_619 = vector.shape_cast %swap3A_618 : vector<16xf32> to vector<16xf32>
        %swap3A_620 = vector.shape_cast %add3A_614 : vector<16xf32> to vector<16xf32>
        tpu.vector_store %arg14[%swap3A_617], %swap3A_620 {strides = array<i32>} : memref<8080xf32, #tpu.memory_space<vmem>>, vector<16xf32>,
        %scan3A_621 = arith.constant 0 : i32
        scf.yield %scan3A_621 : i32
      }
      %scan3A_54 = arith.constant 4 : i32
      "tpu.region"() ({
        %run_scoped3A = tpu.sem_alloc : memref<!tpu.dma_semaphore, #tpu.memory_space<semaphore_mem>>
        %dma_start3A_55 = arith.constant 0 : i32
        %dma_start3A_56 = tpu.memref_slice %arg14[%dma_start3A_55] : memref<8080xf32, #tpu.memory_space<vmem>> -> memref<512xf32, #tpu.memory_space<vmem>>
        %dma_start3A_57 = arith.constant 7999488 : i32
        %dma_start3A_58 = tpu.memref_slice %arg5[%dma_start3A_57] : memref<8000000xf32, #tpu.memory_space<hbm>> -> memref<512xf32, #tpu.memory_space<hbm>>
        %dma_start3A_59 = arith.constant 7999488 : i32
        %dma_start3A_60 = tpu.memref_slice %arg5[%dma_start3A_59] : memref<8000000xf32, #tpu.memory_space<hbm>> -> memref<512xf32, #tpu.memory_space<hbm>>
        %dma_start3A_61 = arith.constant 0 : i32
        %dma_start3A_62 = tpu.memref_slice %arg14[%dma_start3A_61] : memref<8080xf32, #tpu.memory_space<vmem>> -> memref<512xf32, #tpu.memory_space<vmem>>
        tpu.enqueue_dma source(%dma_start3A_62 : memref<512xf32, #tpu.memory_space<vmem>>) target(%dma_start3A_60 : memref<512xf32, #tpu.memory_space<hbm>>) target_semaphore(%run_scoped3A : memref<!tpu.dma_semaphore, #tpu.memory_space<semaphore_mem>>)
        %dma_wait3A_63 = arith.constant 0 : i32
        %dma_wait3A_64 = tpu.memref_slice %arg14[%dma_wait3A_63] : memref<8080xf32, #tpu.memory_space<vmem>> -> memref<512xf32, #tpu.memory_space<vmem>>
        %dma_wait3A_65 = arith.constant 7999488 : i32
        %dma_wait3A_66 = tpu.memref_slice %arg5[%dma_wait3A_65] : memref<8000000xf32, #tpu.memory_space<hbm>> -> memref<512xf32, #tpu.memory_space<hbm>>
        %dma_wait3A_67 = arith.constant 7999488 : i32
        %dma_wait3A_68 = tpu.memref_slice %arg5[%dma_wait3A_67] : memref<8000000xf32, #tpu.memory_space<hbm>> -> memref<512xf32, #tpu.memory_space<hbm>>
        %dma_wait3A_69 = arith.constant 0 : i32
        %dma_wait3A_70 = tpu.memref_slice %arg14[%dma_wait3A_69] : memref<8080xf32, #tpu.memory_space<vmem>> -> memref<512xf32, #tpu.memory_space<vmem>>
        tpu.wait_dma2 semaphore(%run_scoped3A : memref<!tpu.dma_semaphore, #tpu.memory_space<semaphore_mem>>) src(%dma_wait3A_70 : memref<512xf32, #tpu.memory_space<vmem>>) dst(%dma_wait3A_68 : memref<512xf32, #tpu.memory_space<hbm>>)
        tpu.yield
      }) : () -> ()
    } else {
    }
    return
  }
}

module attributes {stable_mosaic.version = 14 : i64} {
  func.func @_upsample_body(%arg0: memref<361x720xf32, #tpu.memory_space<vmem>>, %arg1: memref<721x1664xbf16, #tpu.memory_space<vmem>>) attributes {dimension_semantics = [], scalar_prefetch = 0 : i64, scratch_operands = 0 : i64, tpu.core_type = #tpu.core_type<tc>} {
    %get3A = arith.constant 0 : index
    %get3A_0 = arith.constant 0 : index
    %get3A_1 = vector.load %arg0[%get3A, %get3A_0] : memref<361x720xf32, #tpu.memory_space<vmem>>, vector<361x720xf32>
    %iota3A = tpu.iota {dimensions = array<i32: 0>} : vector<1664x720xi32>
    %min3A = arith.constant 1439 : i32
    %min3A_2 = vector.broadcast %min3A : i32 to vector<1664x720xi32>
    %min3A_3 = arith.minsi %iota3A, %min3A_2 : vector<1664x720xi32>
    %convert_element_type3A = arith.sitofp %min3A_3 : vector<1664x720xi32> to vector<1664x720xf32>
    %iota3A_4 = tpu.iota {dimensions = array<i32: 1>} : vector<1664x720xi32>
    %add3A = arith.constant 5.000000e-01 : f32
    %add3A_5 = vector.broadcast %add3A : f32 to vector<1664x720xf32>
    %add3A_6 = arith.addf %convert_element_type3A, %add3A_5 : vector<1664x720xf32>
    %mul3A = arith.constant 5.000000e-01 : f32
    %mul3A_7 = vector.broadcast %mul3A : f32 to vector<1664x720xf32>
    %mul3A_8 = arith.mulf %add3A_6, %mul3A_7 : vector<1664x720xf32>
    %sub3A = arith.constant 5.000000e-01 : f32
    %sub3A_9 = vector.broadcast %sub3A : f32 to vector<1664x720xf32>
    %sub3A_10 = arith.subf %mul3A_8, %sub3A_9 : vector<1664x720xf32>
    %max3A = arith.constant 0.000000e+00 : f32
    %max3A_11 = vector.broadcast %max3A : f32 to vector<1664x720xf32>
    %max3A_12 = arith.maximumf %sub3A_10, %max3A_11 : vector<1664x720xf32>
    %floor3A = math.floor %max3A_12 : vector<1664x720xf32>
    %convert_element_type3A_13 = arith.fptosi %floor3A : vector<1664x720xf32> to vector<1664x720xi32>
    %add3A_14 = arith.constant 1 : i32
    %add3A_15 = vector.broadcast %add3A_14 : i32 to vector<1664x720xi32>
    %add3A_16 = arith.addi %convert_element_type3A_13, %add3A_15 : vector<1664x720xi32>
    %min3A_17 = arith.constant 719 : i32
    %min3A_18 = vector.broadcast %min3A_17 : i32 to vector<1664x720xi32>
    %min3A_19 = arith.minsi %add3A_16, %min3A_18 : vector<1664x720xi32>
    %convert_element_type3A_20 = arith.sitofp %convert_element_type3A_13 : vector<1664x720xi32> to vector<1664x720xf32>
    %sub3A_21 = arith.subf %max3A_12, %convert_element_type3A_20 : vector<1664x720xf32>
    %eq3A = arith.cmpi eq, %iota3A_4, %convert_element_type3A_13 : vector<1664x720xi32>
    %sub3A_22 = arith.constant 1.000000e+00 : f32
    %sub3A_23 = vector.broadcast %sub3A_22 : f32 to vector<1664x720xf32>
    %sub3A_24 = arith.subf %sub3A_23, %sub3A_21 : vector<1664x720xf32>
    %jit3A = arith.constant 0.000000e+00 : f32
    %broadcast_in_dim3A = vector.broadcast %jit3A : f32 to vector<1664x720xf32>
    %select_n3A = arith.select %eq3A, %sub3A_24, %broadcast_in_dim3A : vector<1664x720xi1>, vector<1664x720xf32>
    %eq3A_25 = arith.cmpi eq, %iota3A_4, %min3A_19 : vector<1664x720xi32>
    %jit3A_26 = arith.constant 0.000000e+00 : f32
    %broadcast_in_dim3A_27 = vector.broadcast %jit3A_26 : f32 to vector<1664x720xf32>
    %select_n3A_28 = arith.select %eq3A_25, %sub3A_21, %broadcast_in_dim3A_27 : vector<1664x720xi1>, vector<1664x720xf32>
    %add3A_29 = arith.addf %select_n3A, %select_n3A_28 : vector<1664x720xf32>
    %transpose3A = tpu.transpose %add3A_29, [1, 0] : vector<1664x720xf32> -> vector<720x1664xf32>
    %iota3A_30 = tpu.iota {dimensions = array<i32: 0>} : vector<721x361xi32>
    %min3A_31 = arith.constant 720 : i32
    %min3A_32 = vector.broadcast %min3A_31 : i32 to vector<721x361xi32>
    %min3A_33 = arith.minsi %iota3A_30, %min3A_32 : vector<721x361xi32>
    %convert_element_type3A_34 = arith.sitofp %min3A_33 : vector<721x361xi32> to vector<721x361xf32>
    %iota3A_35 = tpu.iota {dimensions = array<i32: 1>} : vector<721x361xi32>
    %add3A_36 = arith.constant 5.000000e-01 : f32
    %add3A_37 = vector.broadcast %add3A_36 : f32 to vector<721x361xf32>
    %add3A_38 = arith.addf %convert_element_type3A_34, %add3A_37 : vector<721x361xf32>
    %mul3A_39 = arith.constant 0.5006935 : f32
    %mul3A_40 = vector.broadcast %mul3A_39 : f32 to vector<721x361xf32>
    %mul3A_41 = arith.mulf %add3A_38, %mul3A_40 : vector<721x361xf32>
    %sub3A_42 = arith.constant 5.000000e-01 : f32
    %sub3A_43 = vector.broadcast %sub3A_42 : f32 to vector<721x361xf32>
    %sub3A_44 = arith.subf %mul3A_41, %sub3A_43 : vector<721x361xf32>
    %max3A_45 = arith.constant 0.000000e+00 : f32
    %max3A_46 = vector.broadcast %max3A_45 : f32 to vector<721x361xf32>
    %max3A_47 = arith.maximumf %sub3A_44, %max3A_46 : vector<721x361xf32>
    %floor3A_48 = math.floor %max3A_47 : vector<721x361xf32>
    %convert_element_type3A_49 = arith.fptosi %floor3A_48 : vector<721x361xf32> to vector<721x361xi32>
    %add3A_50 = arith.constant 1 : i32
    %add3A_51 = vector.broadcast %add3A_50 : i32 to vector<721x361xi32>
    %add3A_52 = arith.addi %convert_element_type3A_49, %add3A_51 : vector<721x361xi32>
    %min3A_53 = arith.constant 360 : i32
    %min3A_54 = vector.broadcast %min3A_53 : i32 to vector<721x361xi32>
    %min3A_55 = arith.minsi %add3A_52, %min3A_54 : vector<721x361xi32>
    %convert_element_type3A_56 = arith.sitofp %convert_element_type3A_49 : vector<721x361xi32> to vector<721x361xf32>
    %sub3A_57 = arith.subf %max3A_47, %convert_element_type3A_56 : vector<721x361xf32>
    %eq3A_58 = arith.cmpi eq, %iota3A_35, %convert_element_type3A_49 : vector<721x361xi32>
    %sub3A_59 = arith.constant 1.000000e+00 : f32
    %sub3A_60 = vector.broadcast %sub3A_59 : f32 to vector<721x361xf32>
    %sub3A_61 = arith.subf %sub3A_60, %sub3A_57 : vector<721x361xf32>
    %jit3A_62 = arith.constant 0.000000e+00 : f32
    %broadcast_in_dim3A_63 = vector.broadcast %jit3A_62 : f32 to vector<721x361xf32>
    %select_n3A_64 = arith.select %eq3A_58, %sub3A_61, %broadcast_in_dim3A_63 : vector<721x361xi1>, vector<721x361xf32>
    %eq3A_65 = arith.cmpi eq, %iota3A_35, %min3A_55 : vector<721x361xi32>
    %jit3A_66 = arith.constant 0.000000e+00 : f32
    %broadcast_in_dim3A_67 = vector.broadcast %jit3A_66 : f32 to vector<721x361xf32>
    %select_n3A_68 = arith.select %eq3A_65, %sub3A_57, %broadcast_in_dim3A_67 : vector<721x361xi1>, vector<721x361xf32>
    %add3A_69 = arith.addf %select_n3A_64, %select_n3A_68 : vector<721x361xf32>
    %dot_general3A = arith.constant dense<0.000000e+00> : vector<361x1664xf32>
    %dot_general3A_70 = tpu.matmul %get3A_1, %transpose3A, %dot_general3A {dimension_numbers = #tpu.dot_dimension_numbers<[1], [0], [0], [1], [0, 0, 1, 1], [], []>, transpose_lhs_hint = false} : vector<361x720xf32>, vector<720x1664xf32>, vector<361x1664xf32> -> vector<361x1664xf32>
    %dot_general3A_71 = arith.constant dense<0.000000e+00> : vector<721x1664xf32>
    %dot_general3A_72 = tpu.matmul %add3A_69, %dot_general3A_70, %dot_general3A_71 {dimension_numbers = #tpu.dot_dimension_numbers<[1], [0], [0], [1], [0, 0, 1, 1], [], []>, transpose_lhs_hint = false} : vector<721x361xf32>, vector<361x1664xf32>, vector<721x1664xf32> -> vector<721x1664xf32>
    %convert_element_type3A_73 = arith.truncf %dot_general3A_72 : vector<721x1664xf32> to vector<721x1664xbf16>
    %swap3A = arith.constant 0 : index
    %swap3A_74 = arith.constant 0 : index
    %swap3A_75 = vector.load %arg1[%swap3A, %swap3A_74] : memref<721x1664xbf16, #tpu.memory_space<vmem>>, vector<721x1664xbf16>
    tpu.vector_store %arg1[%swap3A, %swap3A_74], %convert_element_type3A_73 {strides = array<i32>} : memref<721x1664xbf16, #tpu.memory_space<vmem>>, vector<721x1664xbf16>,
    return
  }
}

module attributes {stable_mosaic.version = 14 : i64} {
  func.func @_upsample_body(%arg0: memref<181x360xf32, #tpu.memory_space<vmem>>, %arg1: memref<721x1664xbf16, #tpu.memory_space<vmem>>) attributes {dimension_semantics = [], scalar_prefetch = 0 : i64, scratch_operands = 0 : i64, tpu.core_type = #tpu.core_type<tc>} {
    %get3A = arith.constant 0 : index
    %get3A_0 = arith.constant 0 : index
    %get3A_1 = vector.load %arg0[%get3A, %get3A_0] : memref<181x360xf32, #tpu.memory_space<vmem>>, vector<181x360xf32>
    %iota3A = tpu.iota {dimensions = array<i32: 0>} : vector<1664x360xi32>
    %min3A = arith.constant 1439 : i32
    %min3A_2 = vector.broadcast %min3A : i32 to vector<1664x360xi32>
    %min3A_3 = arith.minsi %iota3A, %min3A_2 : vector<1664x360xi32>
    %convert_element_type3A = arith.sitofp %min3A_3 : vector<1664x360xi32> to vector<1664x360xf32>
    %iota3A_4 = tpu.iota {dimensions = array<i32: 1>} : vector<1664x360xi32>
    %add3A = arith.constant 5.000000e-01 : f32
    %add3A_5 = vector.broadcast %add3A : f32 to vector<1664x360xf32>
    %add3A_6 = arith.addf %convert_element_type3A, %add3A_5 : vector<1664x360xf32>
    %mul3A = arith.constant 2.500000e-01 : f32
    %mul3A_7 = vector.broadcast %mul3A : f32 to vector<1664x360xf32>
    %mul3A_8 = arith.mulf %add3A_6, %mul3A_7 : vector<1664x360xf32>
    %sub3A = arith.constant 5.000000e-01 : f32
    %sub3A_9 = vector.broadcast %sub3A : f32 to vector<1664x360xf32>
    %sub3A_10 = arith.subf %mul3A_8, %sub3A_9 : vector<1664x360xf32>
    %max3A = arith.constant 0.000000e+00 : f32
    %max3A_11 = vector.broadcast %max3A : f32 to vector<1664x360xf32>
    %max3A_12 = arith.maximumf %sub3A_10, %max3A_11 : vector<1664x360xf32>
    %floor3A = math.floor %max3A_12 : vector<1664x360xf32>
    %convert_element_type3A_13 = arith.fptosi %floor3A : vector<1664x360xf32> to vector<1664x360xi32>
    %add3A_14 = arith.constant 1 : i32
    %add3A_15 = vector.broadcast %add3A_14 : i32 to vector<1664x360xi32>
    %add3A_16 = arith.addi %convert_element_type3A_13, %add3A_15 : vector<1664x360xi32>
    %min3A_17 = arith.constant 359 : i32
    %min3A_18 = vector.broadcast %min3A_17 : i32 to vector<1664x360xi32>
    %min3A_19 = arith.minsi %add3A_16, %min3A_18 : vector<1664x360xi32>
    %convert_element_type3A_20 = arith.sitofp %convert_element_type3A_13 : vector<1664x360xi32> to vector<1664x360xf32>
    %sub3A_21 = arith.subf %max3A_12, %convert_element_type3A_20 : vector<1664x360xf32>
    %eq3A = arith.cmpi eq, %iota3A_4, %convert_element_type3A_13 : vector<1664x360xi32>
    %sub3A_22 = arith.constant 1.000000e+00 : f32
    %sub3A_23 = vector.broadcast %sub3A_22 : f32 to vector<1664x360xf32>
    %sub3A_24 = arith.subf %sub3A_23, %sub3A_21 : vector<1664x360xf32>
    %jit3A = arith.constant 0.000000e+00 : f32
    %broadcast_in_dim3A = vector.broadcast %jit3A : f32 to vector<1664x360xf32>
    %select_n3A = arith.select %eq3A, %sub3A_24, %broadcast_in_dim3A : vector<1664x360xi1>, vector<1664x360xf32>
    %eq3A_25 = arith.cmpi eq, %iota3A_4, %min3A_19 : vector<1664x360xi32>
    %jit3A_26 = arith.constant 0.000000e+00 : f32
    %broadcast_in_dim3A_27 = vector.broadcast %jit3A_26 : f32 to vector<1664x360xf32>
    %select_n3A_28 = arith.select %eq3A_25, %sub3A_21, %broadcast_in_dim3A_27 : vector<1664x360xi1>, vector<1664x360xf32>
    %add3A_29 = arith.addf %select_n3A, %select_n3A_28 : vector<1664x360xf32>
    %transpose3A = tpu.transpose %add3A_29, [1, 0] : vector<1664x360xf32> -> vector<360x1664xf32>
    %iota3A_30 = tpu.iota {dimensions = array<i32: 0>} : vector<721x181xi32>
    %min3A_31 = arith.constant 720 : i32
    %min3A_32 = vector.broadcast %min3A_31 : i32 to vector<721x181xi32>
    %min3A_33 = arith.minsi %iota3A_30, %min3A_32 : vector<721x181xi32>
    %convert_element_type3A_34 = arith.sitofp %min3A_33 : vector<721x181xi32> to vector<721x181xf32>
    %iota3A_35 = tpu.iota {dimensions = array<i32: 1>} : vector<721x181xi32>
    %add3A_36 = arith.constant 5.000000e-01 : f32
    %add3A_37 = vector.broadcast %add3A_36 : f32 to vector<721x181xf32>
    %add3A_38 = arith.addf %convert_element_type3A_34, %add3A_37 : vector<721x181xf32>
    %mul3A_39 = arith.constant 0.25104022 : f32
    %mul3A_40 = vector.broadcast %mul3A_39 : f32 to vector<721x181xf32>
    %mul3A_41 = arith.mulf %add3A_38, %mul3A_40 : vector<721x181xf32>
    %sub3A_42 = arith.constant 5.000000e-01 : f32
    %sub3A_43 = vector.broadcast %sub3A_42 : f32 to vector<721x181xf32>
    %sub3A_44 = arith.subf %mul3A_41, %sub3A_43 : vector<721x181xf32>
    %max3A_45 = arith.constant 0.000000e+00 : f32
    %max3A_46 = vector.broadcast %max3A_45 : f32 to vector<721x181xf32>
    %max3A_47 = arith.maximumf %sub3A_44, %max3A_46 : vector<721x181xf32>
    %floor3A_48 = math.floor %max3A_47 : vector<721x181xf32>
    %convert_element_type3A_49 = arith.fptosi %floor3A_48 : vector<721x181xf32> to vector<721x181xi32>
    %add3A_50 = arith.constant 1 : i32
    %add3A_51 = vector.broadcast %add3A_50 : i32 to vector<721x181xi32>
    %add3A_52 = arith.addi %convert_element_type3A_49, %add3A_51 : vector<721x181xi32>
    %min3A_53 = arith.constant 180 : i32
    %min3A_54 = vector.broadcast %min3A_53 : i32 to vector<721x181xi32>
    %min3A_55 = arith.minsi %add3A_52, %min3A_54 : vector<721x181xi32>
    %convert_element_type3A_56 = arith.sitofp %convert_element_type3A_49 : vector<721x181xi32> to vector<721x181xf32>
    %sub3A_57 = arith.subf %max3A_47, %convert_element_type3A_56 : vector<721x181xf32>
    %eq3A_58 = arith.cmpi eq, %iota3A_35, %convert_element_type3A_49 : vector<721x181xi32>
    %sub3A_59 = arith.constant 1.000000e+00 : f32
    %sub3A_60 = vector.broadcast %sub3A_59 : f32 to vector<721x181xf32>
    %sub3A_61 = arith.subf %sub3A_60, %sub3A_57 : vector<721x181xf32>
    %jit3A_62 = arith.constant 0.000000e+00 : f32
    %broadcast_in_dim3A_63 = vector.broadcast %jit3A_62 : f32 to vector<721x181xf32>
    %select_n3A_64 = arith.select %eq3A_58, %sub3A_61, %broadcast_in_dim3A_63 : vector<721x181xi1>, vector<721x181xf32>
    %eq3A_65 = arith.cmpi eq, %iota3A_35, %min3A_55 : vector<721x181xi32>
    %jit3A_66 = arith.constant 0.000000e+00 : f32
    %broadcast_in_dim3A_67 = vector.broadcast %jit3A_66 : f32 to vector<721x181xf32>
    %select_n3A_68 = arith.select %eq3A_65, %sub3A_57, %broadcast_in_dim3A_67 : vector<721x181xi1>, vector<721x181xf32>
    %add3A_69 = arith.addf %select_n3A_64, %select_n3A_68 : vector<721x181xf32>
    %dot_general3A = arith.constant dense<0.000000e+00> : vector<181x1664xf32>
    %dot_general3A_70 = tpu.matmul %get3A_1, %transpose3A, %dot_general3A {dimension_numbers = #tpu.dot_dimension_numbers<[1], [0], [0], [1], [0, 0, 1, 1], [], []>, transpose_lhs_hint = false} : vector<181x360xf32>, vector<360x1664xf32>, vector<181x1664xf32> -> vector<181x1664xf32>
    %dot_general3A_71 = arith.constant dense<0.000000e+00> : vector<721x1664xf32>
    %dot_general3A_72 = tpu.matmul %add3A_69, %dot_general3A_70, %dot_general3A_71 {dimension_numbers = #tpu.dot_dimension_numbers<[1], [0], [0], [1], [0, 0, 1, 1], [], []>, transpose_lhs_hint = false} : vector<721x181xf32>, vector<181x1664xf32>, vector<721x1664xf32> -> vector<721x1664xf32>
    %convert_element_type3A_73 = arith.truncf %dot_general3A_72 : vector<721x1664xf32> to vector<721x1664xbf16>
    %swap3A = arith.constant 0 : index
    %swap3A_74 = arith.constant 0 : index
    %swap3A_75 = vector.load %arg1[%swap3A, %swap3A_74] : memref<721x1664xbf16, #tpu.memory_space<vmem>>, vector<721x1664xbf16>
    tpu.vector_store %arg1[%swap3A, %swap3A_74], %convert_element_type3A_73 {strides = array<i32>} : memref<721x1664xbf16, #tpu.memory_space<vmem>>, vector<721x1664xbf16>,
    return
  }
}

module attributes {stable_mosaic.version = 14 : i64} {
  func.func @_upsample_body(%arg0: memref<91x180xf32, #tpu.memory_space<vmem>>, %arg1: memref<721x1664xbf16, #tpu.memory_space<vmem>>) attributes {dimension_semantics = [], scalar_prefetch = 0 : i64, scratch_operands = 0 : i64, tpu.core_type = #tpu.core_type<tc>} {
    %get3A = arith.constant 0 : index
    %get3A_0 = arith.constant 0 : index
    %get3A_1 = vector.load %arg0[%get3A, %get3A_0] : memref<91x180xf32, #tpu.memory_space<vmem>>, vector<91x180xf32>
    %iota3A = tpu.iota {dimensions = array<i32: 0>} : vector<1664x180xi32>
    %min3A = arith.constant 1439 : i32
    %min3A_2 = vector.broadcast %min3A : i32 to vector<1664x180xi32>
    %min3A_3 = arith.minsi %iota3A, %min3A_2 : vector<1664x180xi32>
    %convert_element_type3A = arith.sitofp %min3A_3 : vector<1664x180xi32> to vector<1664x180xf32>
    %iota3A_4 = tpu.iota {dimensions = array<i32: 1>} : vector<1664x180xi32>
    %add3A = arith.constant 5.000000e-01 : f32
    %add3A_5 = vector.broadcast %add3A : f32 to vector<1664x180xf32>
    %add3A_6 = arith.addf %convert_element_type3A, %add3A_5 : vector<1664x180xf32>
    %mul3A = arith.constant 1.250000e-01 : f32
    %mul3A_7 = vector.broadcast %mul3A : f32 to vector<1664x180xf32>
    %mul3A_8 = arith.mulf %add3A_6, %mul3A_7 : vector<1664x180xf32>
    %sub3A = arith.constant 5.000000e-01 : f32
    %sub3A_9 = vector.broadcast %sub3A : f32 to vector<1664x180xf32>
    %sub3A_10 = arith.subf %mul3A_8, %sub3A_9 : vector<1664x180xf32>
    %max3A = arith.constant 0.000000e+00 : f32
    %max3A_11 = vector.broadcast %max3A : f32 to vector<1664x180xf32>
    %max3A_12 = arith.maximumf %sub3A_10, %max3A_11 : vector<1664x180xf32>
    %floor3A = math.floor %max3A_12 : vector<1664x180xf32>
    %convert_element_type3A_13 = arith.fptosi %floor3A : vector<1664x180xf32> to vector<1664x180xi32>
    %add3A_14 = arith.constant 1 : i32
    %add3A_15 = vector.broadcast %add3A_14 : i32 to vector<1664x180xi32>
    %add3A_16 = arith.addi %convert_element_type3A_13, %add3A_15 : vector<1664x180xi32>
    %min3A_17 = arith.constant 179 : i32
    %min3A_18 = vector.broadcast %min3A_17 : i32 to vector<1664x180xi32>
    %min3A_19 = arith.minsi %add3A_16, %min3A_18 : vector<1664x180xi32>
    %convert_element_type3A_20 = arith.sitofp %convert_element_type3A_13 : vector<1664x180xi32> to vector<1664x180xf32>
    %sub3A_21 = arith.subf %max3A_12, %convert_element_type3A_20 : vector<1664x180xf32>
    %eq3A = arith.cmpi eq, %iota3A_4, %convert_element_type3A_13 : vector<1664x180xi32>
    %sub3A_22 = arith.constant 1.000000e+00 : f32
    %sub3A_23 = vector.broadcast %sub3A_22 : f32 to vector<1664x180xf32>
    %sub3A_24 = arith.subf %sub3A_23, %sub3A_21 : vector<1664x180xf32>
    %jit3A = arith.constant 0.000000e+00 : f32
    %broadcast_in_dim3A = vector.broadcast %jit3A : f32 to vector<1664x180xf32>
    %select_n3A = arith.select %eq3A, %sub3A_24, %broadcast_in_dim3A : vector<1664x180xi1>, vector<1664x180xf32>
    %eq3A_25 = arith.cmpi eq, %iota3A_4, %min3A_19 : vector<1664x180xi32>
    %jit3A_26 = arith.constant 0.000000e+00 : f32
    %broadcast_in_dim3A_27 = vector.broadcast %jit3A_26 : f32 to vector<1664x180xf32>
    %select_n3A_28 = arith.select %eq3A_25, %sub3A_21, %broadcast_in_dim3A_27 : vector<1664x180xi1>, vector<1664x180xf32>
    %add3A_29 = arith.addf %select_n3A, %select_n3A_28 : vector<1664x180xf32>
    %transpose3A = tpu.transpose %add3A_29, [1, 0] : vector<1664x180xf32> -> vector<180x1664xf32>
    %iota3A_30 = tpu.iota {dimensions = array<i32: 0>} : vector<721x91xi32>
    %min3A_31 = arith.constant 720 : i32
    %min3A_32 = vector.broadcast %min3A_31 : i32 to vector<721x91xi32>
    %min3A_33 = arith.minsi %iota3A_30, %min3A_32 : vector<721x91xi32>
    %convert_element_type3A_34 = arith.sitofp %min3A_33 : vector<721x91xi32> to vector<721x91xf32>
    %iota3A_35 = tpu.iota {dimensions = array<i32: 1>} : vector<721x91xi32>
    %add3A_36 = arith.constant 5.000000e-01 : f32
    %add3A_37 = vector.broadcast %add3A_36 : f32 to vector<721x91xf32>
    %add3A_38 = arith.addf %convert_element_type3A_34, %add3A_37 : vector<721x91xf32>
    %mul3A_39 = arith.constant 0.126213595 : f32
    %mul3A_40 = vector.broadcast %mul3A_39 : f32 to vector<721x91xf32>
    %mul3A_41 = arith.mulf %add3A_38, %mul3A_40 : vector<721x91xf32>
    %sub3A_42 = arith.constant 5.000000e-01 : f32
    %sub3A_43 = vector.broadcast %sub3A_42 : f32 to vector<721x91xf32>
    %sub3A_44 = arith.subf %mul3A_41, %sub3A_43 : vector<721x91xf32>
    %max3A_45 = arith.constant 0.000000e+00 : f32
    %max3A_46 = vector.broadcast %max3A_45 : f32 to vector<721x91xf32>
    %max3A_47 = arith.maximumf %sub3A_44, %max3A_46 : vector<721x91xf32>
    %floor3A_48 = math.floor %max3A_47 : vector<721x91xf32>
    %convert_element_type3A_49 = arith.fptosi %floor3A_48 : vector<721x91xf32> to vector<721x91xi32>
    %add3A_50 = arith.constant 1 : i32
    %add3A_51 = vector.broadcast %add3A_50 : i32 to vector<721x91xi32>
    %add3A_52 = arith.addi %convert_element_type3A_49, %add3A_51 : vector<721x91xi32>
    %min3A_53 = arith.constant 90 : i32
    %min3A_54 = vector.broadcast %min3A_53 : i32 to vector<721x91xi32>
    %min3A_55 = arith.minsi %add3A_52, %min3A_54 : vector<721x91xi32>
    %convert_element_type3A_56 = arith.sitofp %convert_element_type3A_49 : vector<721x91xi32> to vector<721x91xf32>
    %sub3A_57 = arith.subf %max3A_47, %convert_element_type3A_56 : vector<721x91xf32>
    %eq3A_58 = arith.cmpi eq, %iota3A_35, %convert_element_type3A_49 : vector<721x91xi32>
    %sub3A_59 = arith.constant 1.000000e+00 : f32
    %sub3A_60 = vector.broadcast %sub3A_59 : f32 to vector<721x91xf32>
    %sub3A_61 = arith.subf %sub3A_60, %sub3A_57 : vector<721x91xf32>
    %jit3A_62 = arith.constant 0.000000e+00 : f32
    %broadcast_in_dim3A_63 = vector.broadcast %jit3A_62 : f32 to vector<721x91xf32>
    %select_n3A_64 = arith.select %eq3A_58, %sub3A_61, %broadcast_in_dim3A_63 : vector<721x91xi1>, vector<721x91xf32>
    %eq3A_65 = arith.cmpi eq, %iota3A_35, %min3A_55 : vector<721x91xi32>
    %jit3A_66 = arith.constant 0.000000e+00 : f32
    %broadcast_in_dim3A_67 = vector.broadcast %jit3A_66 : f32 to vector<721x91xf32>
    %select_n3A_68 = arith.select %eq3A_65, %sub3A_57, %broadcast_in_dim3A_67 : vector<721x91xi1>, vector<721x91xf32>
    %add3A_69 = arith.addf %select_n3A_64, %select_n3A_68 : vector<721x91xf32>
    %dot_general3A = arith.constant dense<0.000000e+00> : vector<91x1664xf32>
    %dot_general3A_70 = tpu.matmul %get3A_1, %transpose3A, %dot_general3A {dimension_numbers = #tpu.dot_dimension_numbers<[1], [0], [0], [1], [0, 0, 1, 1], [], []>, transpose_lhs_hint = false} : vector<91x180xf32>, vector<180x1664xf32>, vector<91x1664xf32> -> vector<91x1664xf32>
    %dot_general3A_71 = arith.constant dense<0.000000e+00> : vector<721x1664xf32>
    %dot_general3A_72 = tpu.matmul %add3A_69, %dot_general3A_70, %dot_general3A_71 {dimension_numbers = #tpu.dot_dimension_numbers<[1], [0], [0], [1], [0, 0, 1, 1], [], []>, transpose_lhs_hint = false} : vector<721x91xf32>, vector<91x1664xf32>, vector<721x1664xf32> -> vector<721x1664xf32>
    %convert_element_type3A_73 = arith.truncf %dot_general3A_72 : vector<721x1664xf32> to vector<721x1664xbf16>
    %swap3A = arith.constant 0 : index
    %swap3A_74 = arith.constant 0 : index
    %swap3A_75 = vector.load %arg1[%swap3A, %swap3A_74] : memref<721x1664xbf16, #tpu.memory_space<vmem>>, vector<721x1664xbf16>
    tpu.vector_store %arg1[%swap3A, %swap3A_74], %convert_element_type3A_73 {strides = array<i32>} : memref<721x1664xbf16, #tpu.memory_space<vmem>>, vector<721x1664xbf16>,
    return
  }
}

module attributes {stable_mosaic.version = 14 : i64} {
  func.func @_upsample_body(%arg0: memref<46x90xf32, #tpu.memory_space<vmem>>, %arg1: memref<721x1664xbf16, #tpu.memory_space<vmem>>) attributes {dimension_semantics = [], scalar_prefetch = 0 : i64, scratch_operands = 0 : i64, tpu.core_type = #tpu.core_type<tc>} {
    %get3A = arith.constant 0 : index
    %get3A_0 = arith.constant 0 : index
    %get3A_1 = vector.load %arg0[%get3A, %get3A_0] : memref<46x90xf32, #tpu.memory_space<vmem>>, vector<46x90xf32>
    %iota3A = tpu.iota {dimensions = array<i32: 0>} : vector<1664x90xi32>
    %min3A = arith.constant 1439 : i32
    %min3A_2 = vector.broadcast %min3A : i32 to vector<1664x90xi32>
    %min3A_3 = arith.minsi %iota3A, %min3A_2 : vector<1664x90xi32>
    %convert_element_type3A = arith.sitofp %min3A_3 : vector<1664x90xi32> to vector<1664x90xf32>
    %iota3A_4 = tpu.iota {dimensions = array<i32: 1>} : vector<1664x90xi32>
    %add3A = arith.constant 5.000000e-01 : f32
    %add3A_5 = vector.broadcast %add3A : f32 to vector<1664x90xf32>
    %add3A_6 = arith.addf %convert_element_type3A, %add3A_5 : vector<1664x90xf32>
    %mul3A = arith.constant 6.250000e-02 : f32
    %mul3A_7 = vector.broadcast %mul3A : f32 to vector<1664x90xf32>
    %mul3A_8 = arith.mulf %add3A_6, %mul3A_7 : vector<1664x90xf32>
    %sub3A = arith.constant 5.000000e-01 : f32
    %sub3A_9 = vector.broadcast %sub3A : f32 to vector<1664x90xf32>
    %sub3A_10 = arith.subf %mul3A_8, %sub3A_9 : vector<1664x90xf32>
    %max3A = arith.constant 0.000000e+00 : f32
    %max3A_11 = vector.broadcast %max3A : f32 to vector<1664x90xf32>
    %max3A_12 = arith.maximumf %sub3A_10, %max3A_11 : vector<1664x90xf32>
    %floor3A = math.floor %max3A_12 : vector<1664x90xf32>
    %convert_element_type3A_13 = arith.fptosi %floor3A : vector<1664x90xf32> to vector<1664x90xi32>
    %add3A_14 = arith.constant 1 : i32
    %add3A_15 = vector.broadcast %add3A_14 : i32 to vector<1664x90xi32>
    %add3A_16 = arith.addi %convert_element_type3A_13, %add3A_15 : vector<1664x90xi32>
    %min3A_17 = arith.constant 89 : i32
    %min3A_18 = vector.broadcast %min3A_17 : i32 to vector<1664x90xi32>
    %min3A_19 = arith.minsi %add3A_16, %min3A_18 : vector<1664x90xi32>
    %convert_element_type3A_20 = arith.sitofp %convert_element_type3A_13 : vector<1664x90xi32> to vector<1664x90xf32>
    %sub3A_21 = arith.subf %max3A_12, %convert_element_type3A_20 : vector<1664x90xf32>
    %eq3A = arith.cmpi eq, %iota3A_4, %convert_element_type3A_13 : vector<1664x90xi32>
    %sub3A_22 = arith.constant 1.000000e+00 : f32
    %sub3A_23 = vector.broadcast %sub3A_22 : f32 to vector<1664x90xf32>
    %sub3A_24 = arith.subf %sub3A_23, %sub3A_21 : vector<1664x90xf32>
    %jit3A = arith.constant 0.000000e+00 : f32
    %broadcast_in_dim3A = vector.broadcast %jit3A : f32 to vector<1664x90xf32>
    %select_n3A = arith.select %eq3A, %sub3A_24, %broadcast_in_dim3A : vector<1664x90xi1>, vector<1664x90xf32>
    %eq3A_25 = arith.cmpi eq, %iota3A_4, %min3A_19 : vector<1664x90xi32>
    %jit3A_26 = arith.constant 0.000000e+00 : f32
    %broadcast_in_dim3A_27 = vector.broadcast %jit3A_26 : f32 to vector<1664x90xf32>
    %select_n3A_28 = arith.select %eq3A_25, %sub3A_21, %broadcast_in_dim3A_27 : vector<1664x90xi1>, vector<1664x90xf32>
    %add3A_29 = arith.addf %select_n3A, %select_n3A_28 : vector<1664x90xf32>
    %transpose3A = tpu.transpose %add3A_29, [1, 0] : vector<1664x90xf32> -> vector<90x1664xf32>
    %iota3A_30 = tpu.iota {dimensions = array<i32: 0>} : vector<721x46xi32>
    %min3A_31 = arith.constant 720 : i32
    %min3A_32 = vector.broadcast %min3A_31 : i32 to vector<721x46xi32>
    %min3A_33 = arith.minsi %iota3A_30, %min3A_32 : vector<721x46xi32>
    %convert_element_type3A_34 = arith.sitofp %min3A_33 : vector<721x46xi32> to vector<721x46xf32>
    %iota3A_35 = tpu.iota {dimensions = array<i32: 1>} : vector<721x46xi32>
    %add3A_36 = arith.constant 5.000000e-01 : f32
    %add3A_37 = vector.broadcast %add3A_36 : f32 to vector<721x46xf32>
    %add3A_38 = arith.addf %convert_element_type3A_34, %add3A_37 : vector<721x46xf32>
    %mul3A_39 = arith.constant 0.0638002753 : f32
    %mul3A_40 = vector.broadcast %mul3A_39 : f32 to vector<721x46xf32>
    %mul3A_41 = arith.mulf %add3A_38, %mul3A_40 : vector<721x46xf32>
    %sub3A_42 = arith.constant 5.000000e-01 : f32
    %sub3A_43 = vector.broadcast %sub3A_42 : f32 to vector<721x46xf32>
    %sub3A_44 = arith.subf %mul3A_41, %sub3A_43 : vector<721x46xf32>
    %max3A_45 = arith.constant 0.000000e+00 : f32
    %max3A_46 = vector.broadcast %max3A_45 : f32 to vector<721x46xf32>
    %max3A_47 = arith.maximumf %sub3A_44, %max3A_46 : vector<721x46xf32>
    %floor3A_48 = math.floor %max3A_47 : vector<721x46xf32>
    %convert_element_type3A_49 = arith.fptosi %floor3A_48 : vector<721x46xf32> to vector<721x46xi32>
    %add3A_50 = arith.constant 1 : i32
    %add3A_51 = vector.broadcast %add3A_50 : i32 to vector<721x46xi32>
    %add3A_52 = arith.addi %convert_element_type3A_49, %add3A_51 : vector<721x46xi32>
    %min3A_53 = arith.constant 45 : i32
    %min3A_54 = vector.broadcast %min3A_53 : i32 to vector<721x46xi32>
    %min3A_55 = arith.minsi %add3A_52, %min3A_54 : vector<721x46xi32>
    %convert_element_type3A_56 = arith.sitofp %convert_element_type3A_49 : vector<721x46xi32> to vector<721x46xf32>
    %sub3A_57 = arith.subf %max3A_47, %convert_element_type3A_56 : vector<721x46xf32>
    %eq3A_58 = arith.cmpi eq, %iota3A_35, %convert_element_type3A_49 : vector<721x46xi32>
    %sub3A_59 = arith.constant 1.000000e+00 : f32
    %sub3A_60 = vector.broadcast %sub3A_59 : f32 to vector<721x46xf32>
    %sub3A_61 = arith.subf %sub3A_60, %sub3A_57 : vector<721x46xf32>
    %jit3A_62 = arith.constant 0.000000e+00 : f32
    %broadcast_in_dim3A_63 = vector.broadcast %jit3A_62 : f32 to vector<721x46xf32>
    %select_n3A_64 = arith.select %eq3A_58, %sub3A_61, %broadcast_in_dim3A_63 : vector<721x46xi1>, vector<721x46xf32>
    %eq3A_65 = arith.cmpi eq, %iota3A_35, %min3A_55 : vector<721x46xi32>
    %jit3A_66 = arith.constant 0.000000e+00 : f32
    %broadcast_in_dim3A_67 = vector.broadcast %jit3A_66 : f32 to vector<721x46xf32>
    %select_n3A_68 = arith.select %eq3A_65, %sub3A_57, %broadcast_in_dim3A_67 : vector<721x46xi1>, vector<721x46xf32>
    %add3A_69 = arith.addf %select_n3A_64, %select_n3A_68 : vector<721x46xf32>
    %dot_general3A = arith.constant dense<0.000000e+00> : vector<46x1664xf32>
    %dot_general3A_70 = tpu.matmul %get3A_1, %transpose3A, %dot_general3A {dimension_numbers = #tpu.dot_dimension_numbers<[1], [0], [0], [1], [0, 0, 1, 1], [], []>, transpose_lhs_hint = false} : vector<46x90xf32>, vector<90x1664xf32>, vector<46x1664xf32> -> vector<46x1664xf32>
    %dot_general3A_71 = arith.constant dense<0.000000e+00> : vector<721x1664xf32>
    %dot_general3A_72 = tpu.matmul %add3A_69, %dot_general3A_70, %dot_general3A_71 {dimension_numbers = #tpu.dot_dimension_numbers<[1], [0], [0], [1], [0, 0, 1, 1], [], []>, transpose_lhs_hint = false} : vector<721x46xf32>, vector<46x1664xf32>, vector<721x1664xf32> -> vector<721x1664xf32>
    %convert_element_type3A_73 = arith.truncf %dot_general3A_72 : vector<721x1664xf32> to vector<721x1664xbf16>
    %swap3A = arith.constant 0 : index
    %swap3A_74 = arith.constant 0 : index
    %swap3A_75 = vector.load %arg1[%swap3A, %swap3A_74] : memref<721x1664xbf16, #tpu.memory_space<vmem>>, vector<721x1664xbf16>
    tpu.vector_store %arg1[%swap3A, %swap3A_74], %convert_element_type3A_73 {strides = array<i32>} : memref<721x1664xbf16, #tpu.memory_space<vmem>>, vector<721x1664xbf16>,
    return
  }
}

module attributes {stable_mosaic.version = 14 : i64} {
  func.func @_upsample_body(%arg0: memref<23x45xf32, #tpu.memory_space<vmem>>, %arg1: memref<721x1664xbf16, #tpu.memory_space<vmem>>) attributes {dimension_semantics = [], scalar_prefetch = 0 : i64, scratch_operands = 0 : i64, tpu.core_type = #tpu.core_type<tc>} {
    %get3A = arith.constant 0 : index
    %get3A_0 = arith.constant 0 : index
    %get3A_1 = vector.load %arg0[%get3A, %get3A_0] : memref<23x45xf32, #tpu.memory_space<vmem>>, vector<23x45xf32>
    %iota3A = tpu.iota {dimensions = array<i32: 0>} : vector<1664x45xi32>
    %min3A = arith.constant 1439 : i32
    %min3A_2 = vector.broadcast %min3A : i32 to vector<1664x45xi32>
    %min3A_3 = arith.minsi %iota3A, %min3A_2 : vector<1664x45xi32>
    %convert_element_type3A = arith.sitofp %min3A_3 : vector<1664x45xi32> to vector<1664x45xf32>
    %iota3A_4 = tpu.iota {dimensions = array<i32: 1>} : vector<1664x45xi32>
    %add3A = arith.constant 5.000000e-01 : f32
    %add3A_5 = vector.broadcast %add3A : f32 to vector<1664x45xf32>
    %add3A_6 = arith.addf %convert_element_type3A, %add3A_5 : vector<1664x45xf32>
    %mul3A = arith.constant 3.125000e-02 : f32
    %mul3A_7 = vector.broadcast %mul3A : f32 to vector<1664x45xf32>
    %mul3A_8 = arith.mulf %add3A_6, %mul3A_7 : vector<1664x45xf32>
    %sub3A = arith.constant 5.000000e-01 : f32
    %sub3A_9 = vector.broadcast %sub3A : f32 to vector<1664x45xf32>
    %sub3A_10 = arith.subf %mul3A_8, %sub3A_9 : vector<1664x45xf32>
    %max3A = arith.constant 0.000000e+00 : f32
    %max3A_11 = vector.broadcast %max3A : f32 to vector<1664x45xf32>
    %max3A_12 = arith.maximumf %sub3A_10, %max3A_11 : vector<1664x45xf32>
    %floor3A = math.floor %max3A_12 : vector<1664x45xf32>
    %convert_element_type3A_13 = arith.fptosi %floor3A : vector<1664x45xf32> to vector<1664x45xi32>
    %add3A_14 = arith.constant 1 : i32
    %add3A_15 = vector.broadcast %add3A_14 : i32 to vector<1664x45xi32>
    %add3A_16 = arith.addi %convert_element_type3A_13, %add3A_15 : vector<1664x45xi32>
    %min3A_17 = arith.constant 44 : i32
    %min3A_18 = vector.broadcast %min3A_17 : i32 to vector<1664x45xi32>
    %min3A_19 = arith.minsi %add3A_16, %min3A_18 : vector<1664x45xi32>
    %convert_element_type3A_20 = arith.sitofp %convert_element_type3A_13 : vector<1664x45xi32> to vector<1664x45xf32>
    %sub3A_21 = arith.subf %max3A_12, %convert_element_type3A_20 : vector<1664x45xf32>
    %eq3A = arith.cmpi eq, %iota3A_4, %convert_element_type3A_13 : vector<1664x45xi32>
    %sub3A_22 = arith.constant 1.000000e+00 : f32
    %sub3A_23 = vector.broadcast %sub3A_22 : f32 to vector<1664x45xf32>
    %sub3A_24 = arith.subf %sub3A_23, %sub3A_21 : vector<1664x45xf32>
    %jit3A = arith.constant 0.000000e+00 : f32
    %broadcast_in_dim3A = vector.broadcast %jit3A : f32 to vector<1664x45xf32>
    %select_n3A = arith.select %eq3A, %sub3A_24, %broadcast_in_dim3A : vector<1664x45xi1>, vector<1664x45xf32>
    %eq3A_25 = arith.cmpi eq, %iota3A_4, %min3A_19 : vector<1664x45xi32>
    %jit3A_26 = arith.constant 0.000000e+00 : f32
    %broadcast_in_dim3A_27 = vector.broadcast %jit3A_26 : f32 to vector<1664x45xf32>
    %select_n3A_28 = arith.select %eq3A_25, %sub3A_21, %broadcast_in_dim3A_27 : vector<1664x45xi1>, vector<1664x45xf32>
    %add3A_29 = arith.addf %select_n3A, %select_n3A_28 : vector<1664x45xf32>
    %transpose3A = tpu.transpose %add3A_29, [1, 0] : vector<1664x45xf32> -> vector<45x1664xf32>
    %iota3A_30 = tpu.iota {dimensions = array<i32: 0>} : vector<721x23xi32>
    %min3A_31 = arith.constant 720 : i32
    %min3A_32 = vector.broadcast %min3A_31 : i32 to vector<721x23xi32>
    %min3A_33 = arith.minsi %iota3A_30, %min3A_32 : vector<721x23xi32>
    %convert_element_type3A_34 = arith.sitofp %min3A_33 : vector<721x23xi32> to vector<721x23xf32>
    %iota3A_35 = tpu.iota {dimensions = array<i32: 1>} : vector<721x23xi32>
    %add3A_36 = arith.constant 5.000000e-01 : f32
    %add3A_37 = vector.broadcast %add3A_36 : f32 to vector<721x23xf32>
    %add3A_38 = arith.addf %convert_element_type3A_34, %add3A_37 : vector<721x23xf32>
    %mul3A_39 = arith.constant 0.0319001377 : f32
    %mul3A_40 = vector.broadcast %mul3A_39 : f32 to vector<721x23xf32>
    %mul3A_41 = arith.mulf %add3A_38, %mul3A_40 : vector<721x23xf32>
    %sub3A_42 = arith.constant 5.000000e-01 : f32
    %sub3A_43 = vector.broadcast %sub3A_42 : f32 to vector<721x23xf32>
    %sub3A_44 = arith.subf %mul3A_41, %sub3A_43 : vector<721x23xf32>
    %max3A_45 = arith.constant 0.000000e+00 : f32
    %max3A_46 = vector.broadcast %max3A_45 : f32 to vector<721x23xf32>
    %max3A_47 = arith.maximumf %sub3A_44, %max3A_46 : vector<721x23xf32>
    %floor3A_48 = math.floor %max3A_47 : vector<721x23xf32>
    %convert_element_type3A_49 = arith.fptosi %floor3A_48 : vector<721x23xf32> to vector<721x23xi32>
    %add3A_50 = arith.constant 1 : i32
    %add3A_51 = vector.broadcast %add3A_50 : i32 to vector<721x23xi32>
    %add3A_52 = arith.addi %convert_element_type3A_49, %add3A_51 : vector<721x23xi32>
    %min3A_53 = arith.constant 22 : i32
    %min3A_54 = vector.broadcast %min3A_53 : i32 to vector<721x23xi32>
    %min3A_55 = arith.minsi %add3A_52, %min3A_54 : vector<721x23xi32>
    %convert_element_type3A_56 = arith.sitofp %convert_element_type3A_49 : vector<721x23xi32> to vector<721x23xf32>
    %sub3A_57 = arith.subf %max3A_47, %convert_element_type3A_56 : vector<721x23xf32>
    %eq3A_58 = arith.cmpi eq, %iota3A_35, %convert_element_type3A_49 : vector<721x23xi32>
    %sub3A_59 = arith.constant 1.000000e+00 : f32
    %sub3A_60 = vector.broadcast %sub3A_59 : f32 to vector<721x23xf32>
    %sub3A_61 = arith.subf %sub3A_60, %sub3A_57 : vector<721x23xf32>
    %jit3A_62 = arith.constant 0.000000e+00 : f32
    %broadcast_in_dim3A_63 = vector.broadcast %jit3A_62 : f32 to vector<721x23xf32>
    %select_n3A_64 = arith.select %eq3A_58, %sub3A_61, %broadcast_in_dim3A_63 : vector<721x23xi1>, vector<721x23xf32>
    %eq3A_65 = arith.cmpi eq, %iota3A_35, %min3A_55 : vector<721x23xi32>
    %jit3A_66 = arith.constant 0.000000e+00 : f32
    %broadcast_in_dim3A_67 = vector.broadcast %jit3A_66 : f32 to vector<721x23xf32>
    %select_n3A_68 = arith.select %eq3A_65, %sub3A_57, %broadcast_in_dim3A_67 : vector<721x23xi1>, vector<721x23xf32>
    %add3A_69 = arith.addf %select_n3A_64, %select_n3A_68 : vector<721x23xf32>
    %dot_general3A = arith.constant dense<0.000000e+00> : vector<23x1664xf32>
    %dot_general3A_70 = tpu.matmul %get3A_1, %transpose3A, %dot_general3A {dimension_numbers = #tpu.dot_dimension_numbers<[1], [0], [0], [1], [0, 0, 1, 1], [], []>, transpose_lhs_hint = false} : vector<23x45xf32>, vector<45x1664xf32>, vector<23x1664xf32> -> vector<23x1664xf32>
    %dot_general3A_71 = arith.constant dense<0.000000e+00> : vector<721x1664xf32>
    %dot_general3A_72 = tpu.matmul %add3A_69, %dot_general3A_70, %dot_general3A_71 {dimension_numbers = #tpu.dot_dimension_numbers<[1], [0], [0], [1], [0, 0, 1, 1], [], []>, transpose_lhs_hint = false} : vector<721x23xf32>, vector<23x1664xf32>, vector<721x1664xf32> -> vector<721x1664xf32>
    %convert_element_type3A_73 = arith.truncf %dot_general3A_72 : vector<721x1664xf32> to vector<721x1664xbf16>
    %swap3A = arith.constant 0 : index
    %swap3A_74 = arith.constant 0 : index
    %swap3A_75 = vector.load %arg1[%swap3A, %swap3A_74] : memref<721x1664xbf16, #tpu.memory_space<vmem>>, vector<721x1664xbf16>
    tpu.vector_store %arg1[%swap3A, %swap3A_74], %convert_element_type3A_73 {strides = array<i32>} : memref<721x1664xbf16, #tpu.memory_space<vmem>>, vector<721x1664xbf16>,
    return
  }
}

module attributes {stable_mosaic.version = 14 : i64} {
  func.func @_upsample_body(%arg0: memref<12x23xf32, #tpu.memory_space<vmem>>, %arg1: memref<721x1664xbf16, #tpu.memory_space<vmem>>) attributes {dimension_semantics = [], scalar_prefetch = 0 : i64, scratch_operands = 0 : i64, tpu.core_type = #tpu.core_type<tc>} {
    %get3A = arith.constant 0 : index
    %get3A_0 = arith.constant 0 : index
    %get3A_1 = vector.load %arg0[%get3A, %get3A_0] : memref<12x23xf32, #tpu.memory_space<vmem>>, vector<12x23xf32>
    %iota3A = tpu.iota {dimensions = array<i32: 0>} : vector<1664x23xi32>
    %min3A = arith.constant 1439 : i32
    %min3A_2 = vector.broadcast %min3A : i32 to vector<1664x23xi32>
    %min3A_3 = arith.minsi %iota3A, %min3A_2 : vector<1664x23xi32>
    %convert_element_type3A = arith.sitofp %min3A_3 : vector<1664x23xi32> to vector<1664x23xf32>
    %iota3A_4 = tpu.iota {dimensions = array<i32: 1>} : vector<1664x23xi32>
    %add3A = arith.constant 5.000000e-01 : f32
    %add3A_5 = vector.broadcast %add3A : f32 to vector<1664x23xf32>
    %add3A_6 = arith.addf %convert_element_type3A, %add3A_5 : vector<1664x23xf32>
    %mul3A = arith.constant 0.0159722231 : f32
    %mul3A_7 = vector.broadcast %mul3A : f32 to vector<1664x23xf32>
    %mul3A_8 = arith.mulf %add3A_6, %mul3A_7 : vector<1664x23xf32>
    %sub3A = arith.constant 5.000000e-01 : f32
    %sub3A_9 = vector.broadcast %sub3A : f32 to vector<1664x23xf32>
    %sub3A_10 = arith.subf %mul3A_8, %sub3A_9 : vector<1664x23xf32>
    %max3A = arith.constant 0.000000e+00 : f32
    %max3A_11 = vector.broadcast %max3A : f32 to vector<1664x23xf32>
    %max3A_12 = arith.maximumf %sub3A_10, %max3A_11 : vector<1664x23xf32>
    %floor3A = math.floor %max3A_12 : vector<1664x23xf32>
    %convert_element_type3A_13 = arith.fptosi %floor3A : vector<1664x23xf32> to vector<1664x23xi32>
    %add3A_14 = arith.constant 1 : i32
    %add3A_15 = vector.broadcast %add3A_14 : i32 to vector<1664x23xi32>
    %add3A_16 = arith.addi %convert_element_type3A_13, %add3A_15 : vector<1664x23xi32>
    %min3A_17 = arith.constant 22 : i32
    %min3A_18 = vector.broadcast %min3A_17 : i32 to vector<1664x23xi32>
    %min3A_19 = arith.minsi %add3A_16, %min3A_18 : vector<1664x23xi32>
    %convert_element_type3A_20 = arith.sitofp %convert_element_type3A_13 : vector<1664x23xi32> to vector<1664x23xf32>
    %sub3A_21 = arith.subf %max3A_12, %convert_element_type3A_20 : vector<1664x23xf32>
    %eq3A = arith.cmpi eq, %iota3A_4, %convert_element_type3A_13 : vector<1664x23xi32>
    %sub3A_22 = arith.constant 1.000000e+00 : f32
    %sub3A_23 = vector.broadcast %sub3A_22 : f32 to vector<1664x23xf32>
    %sub3A_24 = arith.subf %sub3A_23, %sub3A_21 : vector<1664x23xf32>
    %jit3A = arith.constant 0.000000e+00 : f32
    %broadcast_in_dim3A = vector.broadcast %jit3A : f32 to vector<1664x23xf32>
    %select_n3A = arith.select %eq3A, %sub3A_24, %broadcast_in_dim3A : vector<1664x23xi1>, vector<1664x23xf32>
    %eq3A_25 = arith.cmpi eq, %iota3A_4, %min3A_19 : vector<1664x23xi32>
    %jit3A_26 = arith.constant 0.000000e+00 : f32
    %broadcast_in_dim3A_27 = vector.broadcast %jit3A_26 : f32 to vector<1664x23xf32>
    %select_n3A_28 = arith.select %eq3A_25, %sub3A_21, %broadcast_in_dim3A_27 : vector<1664x23xi1>, vector<1664x23xf32>
    %add3A_29 = arith.addf %select_n3A, %select_n3A_28 : vector<1664x23xf32>
    %transpose3A = tpu.transpose %add3A_29, [1, 0] : vector<1664x23xf32> -> vector<23x1664xf32>
    %iota3A_30 = tpu.iota {dimensions = array<i32: 0>} : vector<721x12xi32>
    %min3A_31 = arith.constant 720 : i32
    %min3A_32 = vector.broadcast %min3A_31 : i32 to vector<721x12xi32>
    %min3A_33 = arith.minsi %iota3A_30, %min3A_32 : vector<721x12xi32>
    %convert_element_type3A_34 = arith.sitofp %min3A_33 : vector<721x12xi32> to vector<721x12xf32>
    %iota3A_35 = tpu.iota {dimensions = array<i32: 1>} : vector<721x12xi32>
    %add3A_36 = arith.constant 5.000000e-01 : f32
    %add3A_37 = vector.broadcast %add3A_36 : f32 to vector<721x12xf32>
    %add3A_38 = arith.addf %convert_element_type3A_34, %add3A_37 : vector<721x12xf32>
    %mul3A_39 = arith.constant 0.0166435502 : f32
    %mul3A_40 = vector.broadcast %mul3A_39 : f32 to vector<721x12xf32>
    %mul3A_41 = arith.mulf %add3A_38, %mul3A_40 : vector<721x12xf32>
    %sub3A_42 = arith.constant 5.000000e-01 : f32
    %sub3A_43 = vector.broadcast %sub3A_42 : f32 to vector<721x12xf32>
    %sub3A_44 = arith.subf %mul3A_41, %sub3A_43 : vector<721x12xf32>
    %max3A_45 = arith.constant 0.000000e+00 : f32
    %max3A_46 = vector.broadcast %max3A_45 : f32 to vector<721x12xf32>
    %max3A_47 = arith.maximumf %sub3A_44, %max3A_46 : vector<721x12xf32>
    %floor3A_48 = math.floor %max3A_47 : vector<721x12xf32>
    %convert_element_type3A_49 = arith.fptosi %floor3A_48 : vector<721x12xf32> to vector<721x12xi32>
    %add3A_50 = arith.constant 1 : i32
    %add3A_51 = vector.broadcast %add3A_50 : i32 to vector<721x12xi32>
    %add3A_52 = arith.addi %convert_element_type3A_49, %add3A_51 : vector<721x12xi32>
    %min3A_53 = arith.constant 11 : i32
    %min3A_54 = vector.broadcast %min3A_53 : i32 to vector<721x12xi32>
    %min3A_55 = arith.minsi %add3A_52, %min3A_54 : vector<721x12xi32>
    %convert_element_type3A_56 = arith.sitofp %convert_element_type3A_49 : vector<721x12xi32> to vector<721x12xf32>
    %sub3A_57 = arith.subf %max3A_47, %convert_element_type3A_56 : vector<721x12xf32>
    %eq3A_58 = arith.cmpi eq, %iota3A_35, %convert_element_type3A_49 : vector<721x12xi32>
    %sub3A_59 = arith.constant 1.000000e+00 : f32
    %sub3A_60 = vector.broadcast %sub3A_59 : f32 to vector<721x12xf32>
    %sub3A_61 = arith.subf %sub3A_60, %sub3A_57 : vector<721x12xf32>
    %jit3A_62 = arith.constant 0.000000e+00 : f32
    %broadcast_in_dim3A_63 = vector.broadcast %jit3A_62 : f32 to vector<721x12xf32>
    %select_n3A_64 = arith.select %eq3A_58, %sub3A_61, %broadcast_in_dim3A_63 : vector<721x12xi1>, vector<721x12xf32>
    %eq3A_65 = arith.cmpi eq, %iota3A_35, %min3A_55 : vector<721x12xi32>
    %jit3A_66 = arith.constant 0.000000e+00 : f32
    %broadcast_in_dim3A_67 = vector.broadcast %jit3A_66 : f32 to vector<721x12xf32>
    %select_n3A_68 = arith.select %eq3A_65, %sub3A_57, %broadcast_in_dim3A_67 : vector<721x12xi1>, vector<721x12xf32>
    %add3A_69 = arith.addf %select_n3A_64, %select_n3A_68 : vector<721x12xf32>
    %dot_general3A = arith.constant dense<0.000000e+00> : vector<12x1664xf32>
    %dot_general3A_70 = tpu.matmul %get3A_1, %transpose3A, %dot_general3A {dimension_numbers = #tpu.dot_dimension_numbers<[1], [0], [0], [1], [0, 0, 1, 1], [], []>, transpose_lhs_hint = false} : vector<12x23xf32>, vector<23x1664xf32>, vector<12x1664xf32> -> vector<12x1664xf32>
    %dot_general3A_71 = arith.constant dense<0.000000e+00> : vector<721x1664xf32>
    %dot_general3A_72 = tpu.matmul %add3A_69, %dot_general3A_70, %dot_general3A_71 {dimension_numbers = #tpu.dot_dimension_numbers<[1], [0], [0], [1], [0, 0, 1, 1], [], []>, transpose_lhs_hint = false} : vector<721x12xf32>, vector<12x1664xf32>, vector<721x1664xf32> -> vector<721x1664xf32>
    %convert_element_type3A_73 = arith.truncf %dot_general3A_72 : vector<721x1664xf32> to vector<721x1664xbf16>
    %swap3A = arith.constant 0 : index
    %swap3A_74 = arith.constant 0 : index
    %swap3A_75 = vector.load %arg1[%swap3A, %swap3A_74] : memref<721x1664xbf16, #tpu.memory_space<vmem>>, vector<721x1664xbf16>
    tpu.vector_store %arg1[%swap3A, %swap3A_74], %convert_element_type3A_73 {strides = array<i32>} : memref<721x1664xbf16, #tpu.memory_space<vmem>>, vector<721x1664xbf16>,
    return
  }
}

module attributes {stable_mosaic.version = 14 : i64} {
  func.func @_upsample_body(%arg0: memref<6x12xf32, #tpu.memory_space<vmem>>, %arg1: memref<721x1664xbf16, #tpu.memory_space<vmem>>) attributes {dimension_semantics = [], scalar_prefetch = 0 : i64, scratch_operands = 0 : i64, tpu.core_type = #tpu.core_type<tc>} {
    %get3A = arith.constant 0 : index
    %get3A_0 = arith.constant 0 : index
    %get3A_1 = vector.load %arg0[%get3A, %get3A_0] : memref<6x12xf32, #tpu.memory_space<vmem>>, vector<6x12xf32>
    %iota3A = tpu.iota {dimensions = array<i32: 0>} : vector<1664x12xi32>
    %min3A = arith.constant 1439 : i32
    %min3A_2 = vector.broadcast %min3A : i32 to vector<1664x12xi32>
    %min3A_3 = arith.minsi %iota3A, %min3A_2 : vector<1664x12xi32>
    %convert_element_type3A = arith.sitofp %min3A_3 : vector<1664x12xi32> to vector<1664x12xf32>
    %iota3A_4 = tpu.iota {dimensions = array<i32: 1>} : vector<1664x12xi32>
    %add3A = arith.constant 5.000000e-01 : f32
    %add3A_5 = vector.broadcast %add3A : f32 to vector<1664x12xf32>
    %add3A_6 = arith.addf %convert_element_type3A, %add3A_5 : vector<1664x12xf32>
    %mul3A = arith.constant 0.00833333377 : f32
    %mul3A_7 = vector.broadcast %mul3A : f32 to vector<1664x12xf32>
    %mul3A_8 = arith.mulf %add3A_6, %mul3A_7 : vector<1664x12xf32>
    %sub3A = arith.constant 5.000000e-01 : f32
    %sub3A_9 = vector.broadcast %sub3A : f32 to vector<1664x12xf32>
    %sub3A_10 = arith.subf %mul3A_8, %sub3A_9 : vector<1664x12xf32>
    %max3A = arith.constant 0.000000e+00 : f32
    %max3A_11 = vector.broadcast %max3A : f32 to vector<1664x12xf32>
    %max3A_12 = arith.maximumf %sub3A_10, %max3A_11 : vector<1664x12xf32>
    %floor3A = math.floor %max3A_12 : vector<1664x12xf32>
    %convert_element_type3A_13 = arith.fptosi %floor3A : vector<1664x12xf32> to vector<1664x12xi32>
    %add3A_14 = arith.constant 1 : i32
    %add3A_15 = vector.broadcast %add3A_14 : i32 to vector<1664x12xi32>
    %add3A_16 = arith.addi %convert_element_type3A_13, %add3A_15 : vector<1664x12xi32>
    %min3A_17 = arith.constant 11 : i32
    %min3A_18 = vector.broadcast %min3A_17 : i32 to vector<1664x12xi32>
    %min3A_19 = arith.minsi %add3A_16, %min3A_18 : vector<1664x12xi32>
    %convert_element_type3A_20 = arith.sitofp %convert_element_type3A_13 : vector<1664x12xi32> to vector<1664x12xf32>
    %sub3A_21 = arith.subf %max3A_12, %convert_element_type3A_20 : vector<1664x12xf32>
    %eq3A = arith.cmpi eq, %iota3A_4, %convert_element_type3A_13 : vector<1664x12xi32>
    %sub3A_22 = arith.constant 1.000000e+00 : f32
    %sub3A_23 = vector.broadcast %sub3A_22 : f32 to vector<1664x12xf32>
    %sub3A_24 = arith.subf %sub3A_23, %sub3A_21 : vector<1664x12xf32>
    %jit3A = arith.constant 0.000000e+00 : f32
    %broadcast_in_dim3A = vector.broadcast %jit3A : f32 to vector<1664x12xf32>
    %select_n3A = arith.select %eq3A, %sub3A_24, %broadcast_in_dim3A : vector<1664x12xi1>, vector<1664x12xf32>
    %eq3A_25 = arith.cmpi eq, %iota3A_4, %min3A_19 : vector<1664x12xi32>
    %jit3A_26 = arith.constant 0.000000e+00 : f32
    %broadcast_in_dim3A_27 = vector.broadcast %jit3A_26 : f32 to vector<1664x12xf32>
    %select_n3A_28 = arith.select %eq3A_25, %sub3A_21, %broadcast_in_dim3A_27 : vector<1664x12xi1>, vector<1664x12xf32>
    %add3A_29 = arith.addf %select_n3A, %select_n3A_28 : vector<1664x12xf32>
    %transpose3A = tpu.transpose %add3A_29, [1, 0] : vector<1664x12xf32> -> vector<12x1664xf32>
    %iota3A_30 = tpu.iota {dimensions = array<i32: 0>} : vector<721x6xi32>
    %min3A_31 = arith.constant 720 : i32
    %min3A_32 = vector.broadcast %min3A_31 : i32 to vector<721x6xi32>
    %min3A_33 = arith.minsi %iota3A_30, %min3A_32 : vector<721x6xi32>
    %convert_element_type3A_34 = arith.sitofp %min3A_33 : vector<721x6xi32> to vector<721x6xf32>
    %iota3A_35 = tpu.iota {dimensions = array<i32: 1>} : vector<721x6xi32>
    %add3A_36 = arith.constant 5.000000e-01 : f32
    %add3A_37 = vector.broadcast %add3A_36 : f32 to vector<721x6xf32>
    %add3A_38 = arith.addf %convert_element_type3A_34, %add3A_37 : vector<721x6xf32>
    %mul3A_39 = arith.constant 0.00832177512 : f32
    %mul3A_40 = vector.broadcast %mul3A_39 : f32 to vector<721x6xf32>
    %mul3A_41 = arith.mulf %add3A_38, %mul3A_40 : vector<721x6xf32>
    %sub3A_42 = arith.constant 5.000000e-01 : f32
    %sub3A_43 = vector.broadcast %sub3A_42 : f32 to vector<721x6xf32>
    %sub3A_44 = arith.subf %mul3A_41, %sub3A_43 : vector<721x6xf32>
    %max3A_45 = arith.constant 0.000000e+00 : f32
    %max3A_46 = vector.broadcast %max3A_45 : f32 to vector<721x6xf32>
    %max3A_47 = arith.maximumf %sub3A_44, %max3A_46 : vector<721x6xf32>
    %floor3A_48 = math.floor %max3A_47 : vector<721x6xf32>
    %convert_element_type3A_49 = arith.fptosi %floor3A_48 : vector<721x6xf32> to vector<721x6xi32>
    %add3A_50 = arith.constant 1 : i32
    %add3A_51 = vector.broadcast %add3A_50 : i32 to vector<721x6xi32>
    %add3A_52 = arith.addi %convert_element_type3A_49, %add3A_51 : vector<721x6xi32>
    %min3A_53 = arith.constant 5 : i32
    %min3A_54 = vector.broadcast %min3A_53 : i32 to vector<721x6xi32>
    %min3A_55 = arith.minsi %add3A_52, %min3A_54 : vector<721x6xi32>
    %convert_element_type3A_56 = arith.sitofp %convert_element_type3A_49 : vector<721x6xi32> to vector<721x6xf32>
    %sub3A_57 = arith.subf %max3A_47, %convert_element_type3A_56 : vector<721x6xf32>
    %eq3A_58 = arith.cmpi eq, %iota3A_35, %convert_element_type3A_49 : vector<721x6xi32>
    %sub3A_59 = arith.constant 1.000000e+00 : f32
    %sub3A_60 = vector.broadcast %sub3A_59 : f32 to vector<721x6xf32>
    %sub3A_61 = arith.subf %sub3A_60, %sub3A_57 : vector<721x6xf32>
    %jit3A_62 = arith.constant 0.000000e+00 : f32
    %broadcast_in_dim3A_63 = vector.broadcast %jit3A_62 : f32 to vector<721x6xf32>
    %select_n3A_64 = arith.select %eq3A_58, %sub3A_61, %broadcast_in_dim3A_63 : vector<721x6xi1>, vector<721x6xf32>
    %eq3A_65 = arith.cmpi eq, %iota3A_35, %min3A_55 : vector<721x6xi32>
    %jit3A_66 = arith.constant 0.000000e+00 : f32
    %broadcast_in_dim3A_67 = vector.broadcast %jit3A_66 : f32 to vector<721x6xf32>
    %select_n3A_68 = arith.select %eq3A_65, %sub3A_57, %broadcast_in_dim3A_67 : vector<721x6xi1>, vector<721x6xf32>
    %add3A_69 = arith.addf %select_n3A_64, %select_n3A_68 : vector<721x6xf32>
    %dot_general3A = arith.constant dense<0.000000e+00> : vector<6x1664xf32>
    %dot_general3A_70 = tpu.matmul %get3A_1, %transpose3A, %dot_general3A {dimension_numbers = #tpu.dot_dimension_numbers<[1], [0], [0], [1], [0, 0, 1, 1], [], []>, transpose_lhs_hint = false} : vector<6x12xf32>, vector<12x1664xf32>, vector<6x1664xf32> -> vector<6x1664xf32>
    %dot_general3A_71 = arith.constant dense<0.000000e+00> : vector<721x1664xf32>
    %dot_general3A_72 = tpu.matmul %add3A_69, %dot_general3A_70, %dot_general3A_71 {dimension_numbers = #tpu.dot_dimension_numbers<[1], [0], [0], [1], [0, 0, 1, 1], [], []>, transpose_lhs_hint = false} : vector<721x6xf32>, vector<6x1664xf32>, vector<721x1664xf32> -> vector<721x1664xf32>
    %convert_element_type3A_73 = arith.truncf %dot_general3A_72 : vector<721x1664xf32> to vector<721x1664xbf16>
    %swap3A = arith.constant 0 : index
    %swap3A_74 = arith.constant 0 : index
    %swap3A_75 = vector.load %arg1[%swap3A, %swap3A_74] : memref<721x1664xbf16, #tpu.memory_space<vmem>>, vector<721x1664xbf16>
    tpu.vector_store %arg1[%swap3A, %swap3A_74], %convert_element_type3A_73 {strides = array<i32>} : memref<721x1664xbf16, #tpu.memory_space<vmem>>, vector<721x1664xbf16>,
    return
  }
}

module attributes {stable_mosaic.version = 14 : i64} {
  func.func @_interleave_body(%arg0: i32, %arg1: memref<721x1664xbf16, #tpu.memory_space<vmem>>, %arg2: memref<721x1664xbf16, #tpu.memory_space<vmem>>, %arg3: memref<721x1664xbf16, #tpu.memory_space<vmem>>, %arg4: memref<721x1664xbf16, #tpu.memory_space<vmem>>, %arg5: memref<721x1664xbf16, #tpu.memory_space<vmem>>, %arg6: memref<721x1664xbf16, #tpu.memory_space<vmem>>, %arg7: memref<721x1664xbf16, #tpu.memory_space<vmem>>, %arg8: memref<721x1664xbf16, #tpu.memory_space<vmem>>, %arg9: memref<2048x2048xbf16, #tpu.memory_space<vmem>>, %arg10: memref<1x721x2048xf32, #tpu.memory_space<vmem>>) attributes {dimension_semantics = [#tpu.dimension_semantics<arbitrary>], iteration_bounds = array<i64: 12>, scalar_prefetch = 0 : i64, scratch_operands = 0 : i64, tpu.core_type = #tpu.core_type<tc>, window_params = [{pipeline_mode = #tpu.pipeline_mode<synchronous>, transform_indices = @transform_0, window_bounds = array<i64: 721, 1664>}, {pipeline_mode = #tpu.pipeline_mode<synchronous>, transform_indices = @transform_1, window_bounds = array<i64: 721, 1664>}, {pipeline_mode = #tpu.pipeline_mode<synchronous>, transform_indices = @transform_2, window_bounds = array<i64: 721, 1664>}, {pipeline_mode = #tpu.pipeline_mode<synchronous>, transform_indices = @transform_3, window_bounds = array<i64: 721, 1664>}, {pipeline_mode = #tpu.pipeline_mode<synchronous>, transform_indices = @transform_4, window_bounds = array<i64: 721, 1664>}, {pipeline_mode = #tpu.pipeline_mode<synchronous>, transform_indices = @transform_5, window_bounds = array<i64: 721, 1664>}, {pipeline_mode = #tpu.pipeline_mode<synchronous>, transform_indices = @transform_6, window_bounds = array<i64: 721, 1664>}, {pipeline_mode = #tpu.pipeline_mode<synchronous>, transform_indices = @transform_7, window_bounds = array<i64: 721, 1664>}, {pipeline_mode = #tpu.pipeline_mode<synchronous>, transform_indices = @transform_8, window_bounds = array<i64: 2048, 2048>}, {transform_indices = @transform_9, window_bounds = array<i64: 1, 721, 2048>}]} {
    %mul3A = arith.constant 128 : i32
    %mul3A_0 = arith.muli %arg0, %mul3A : i32
    %multiple_of3A = tpu.assume_multiple %mul3A_0, 128 : i32
    %get3A = arith.constant 0 : index
    %get3A_1 = arith.index_cast %multiple_of3A : i32 to index
    %get3A_2 = vector.load %arg1[%get3A, %get3A_1] : memref<721x1664xbf16, #tpu.memory_space<vmem>>, vector<721x256xbf16>
    %get3A_3 = arith.constant 0 : index
    %get3A_4 = arith.index_cast %multiple_of3A : i32 to index
    %get3A_5 = vector.load %arg2[%get3A_3, %get3A_4] : memref<721x1664xbf16, #tpu.memory_space<vmem>>, vector<721x256xbf16>
    %get3A_6 = arith.constant 0 : index
    %get3A_7 = arith.index_cast %multiple_of3A : i32 to index
    %get3A_8 = vector.load %arg3[%get3A_6, %get3A_7] : memref<721x1664xbf16, #tpu.memory_space<vmem>>, vector<721x256xbf16>
    %get3A_9 = arith.constant 0 : index
    %get3A_10 = arith.index_cast %multiple_of3A : i32 to index
    %get3A_11 = vector.load %arg4[%get3A_9, %get3A_10] : memref<721x1664xbf16, #tpu.memory_space<vmem>>, vector<721x256xbf16>
    %get3A_12 = arith.constant 0 : index
    %get3A_13 = arith.index_cast %multiple_of3A : i32 to index
    %get3A_14 = vector.load %arg5[%get3A_12, %get3A_13] : memref<721x1664xbf16, #tpu.memory_space<vmem>>, vector<721x256xbf16>
    %get3A_15 = arith.constant 0 : index
    %get3A_16 = arith.index_cast %multiple_of3A : i32 to index
    %get3A_17 = vector.load %arg6[%get3A_15, %get3A_16] : memref<721x1664xbf16, #tpu.memory_space<vmem>>, vector<721x256xbf16>
    %get3A_18 = arith.constant 0 : index
    %get3A_19 = arith.index_cast %multiple_of3A : i32 to index
    %get3A_20 = vector.load %arg7[%get3A_18, %get3A_19] : memref<721x1664xbf16, #tpu.memory_space<vmem>>, vector<721x256xbf16>
    %get3A_21 = arith.constant 0 : index
    %get3A_22 = arith.index_cast %multiple_of3A : i32 to index
    %get3A_23 = vector.load %arg8[%get3A_21, %get3A_22] : memref<721x1664xbf16, #tpu.memory_space<vmem>>, vector<721x256xbf16>
    %concatenate3A = tpu.concatenate %get3A_2, %get3A_5, %get3A_8, %get3A_11, %get3A_14, %get3A_17, %get3A_20, %get3A_23 in 1 : vector<721x256xbf16>, vector<721x256xbf16>, vector<721x256xbf16>, vector<721x256xbf16>, vector<721x256xbf16>, vector<721x256xbf16>, vector<721x256xbf16>, vector<721x256xbf16> -> vector<721x2048xbf16>
    %get3A_24 = arith.constant 0 : index
    %get3A_25 = arith.constant 0 : index
    %get3A_26 = vector.load %arg9[%get3A_24, %get3A_25] : memref<2048x2048xbf16, #tpu.memory_space<vmem>>, vector<2048x2048xbf16>
    %dot_general3A = arith.constant dense<0.000000e+00> : vector<721x2048xf32>
    %dot_general3A_27 = tpu.matmul %concatenate3A, %get3A_26, %dot_general3A {dimension_numbers = #tpu.dot_dimension_numbers<[1], [0], [0], [1], [0, 0, 1, 1], [], []>, transpose_lhs_hint = false} : vector<721x2048xbf16>, vector<2048x2048xbf16>, vector<721x2048xf32> -> vector<721x2048xf32>
    %swap3A = arith.constant 0 : index
    %swap3A_28 = arith.constant 0 : index
    %swap3A_29 = arith.constant 0 : index
    %swap3A_30 = vector.load %arg10[%swap3A, %swap3A_28, %swap3A_29] : memref<1x721x2048xf32, #tpu.memory_space<vmem>>, vector<1x721x2048xf32>
    %swap3A_31 = vector.shape_cast %swap3A_30 : vector<1x721x2048xf32> to vector<721x2048xf32>
    %swap3A_32 = vector.shape_cast %dot_general3A_27 : vector<721x2048xf32> to vector<1x721x2048xf32>
    tpu.vector_store %arg10[%swap3A, %swap3A_28, %swap3A_29], %swap3A_32 {strides = array<i32>} : memref<1x721x2048xf32, #tpu.memory_space<vmem>>, vector<1x721x2048xf32>,
    return
  }
  func.func @transform_0(%arg0: i32) -> (i32, i32) {
    %c0_i32 = arith.constant 0 : i32
    %c0_i32_0 = arith.constant 0 : i32
    %c0_i32_1 = arith.constant 0 : i32
    return %c0_i32, %c0_i32_0 : i32, i32
  }
  func.func @transform_1(%arg0: i32) -> (i32, i32) {
    %c0_i32 = arith.constant 0 : i32
    %c0_i32_0 = arith.constant 0 : i32
    %c0_i32_1 = arith.constant 0 : i32
    return %c0_i32, %c0_i32_0 : i32, i32
  }
  func.func @transform_2(%arg0: i32) -> (i32, i32) {
    %c0_i32 = arith.constant 0 : i32
    %c0_i32_0 = arith.constant 0 : i32
    %c0_i32_1 = arith.constant 0 : i32
    return %c0_i32, %c0_i32_0 : i32, i32
  }
  func.func @transform_3(%arg0: i32) -> (i32, i32) {
    %c0_i32 = arith.constant 0 : i32
    %c0_i32_0 = arith.constant 0 : i32
    %c0_i32_1 = arith.constant 0 : i32
    return %c0_i32, %c0_i32_0 : i32, i32
  }
  func.func @transform_4(%arg0: i32) -> (i32, i32) {
    %c0_i32 = arith.constant 0 : i32
    %c0_i32_0 = arith.constant 0 : i32
    %c0_i32_1 = arith.constant 0 : i32
    return %c0_i32, %c0_i32_0 : i32, i32
  }
  func.func @transform_5(%arg0: i32) -> (i32, i32) {
    %c0_i32 = arith.constant 0 : i32
    %c0_i32_0 = arith.constant 0 : i32
    %c0_i32_1 = arith.constant 0 : i32
    return %c0_i32, %c0_i32_0 : i32, i32
  }
  func.func @transform_6(%arg0: i32) -> (i32, i32) {
    %c0_i32 = arith.constant 0 : i32
    %c0_i32_0 = arith.constant 0 : i32
    %c0_i32_1 = arith.constant 0 : i32
    return %c0_i32, %c0_i32_0 : i32, i32
  }
  func.func @transform_7(%arg0: i32) -> (i32, i32) {
    %c0_i32 = arith.constant 0 : i32
    %c0_i32_0 = arith.constant 0 : i32
    %c0_i32_1 = arith.constant 0 : i32
    return %c0_i32, %c0_i32_0 : i32, i32
  }
  func.func @transform_8(%arg0: i32) -> (i32, i32) {
    %c0_i32 = arith.constant 0 : i32
    %c0_i32_0 = arith.constant 0 : i32
    %c0_i32_1 = arith.constant 0 : i32
    return %c0_i32, %c0_i32_0 : i32, i32
  }
  func.func @transform_9(%arg0: i32) -> (i32, i32, i32) {
    %c0_i32 = arith.constant 0 : i32
    %c0_i32_0 = arith.constant 0 : i32
    %c0_i32_1 = arith.constant 0 : i32
    return %arg0, %c0_i32, %c0_i32_0 : i32, i32, i32
  }
}

</mosaic_0001>

<sc_bundles>
// kernel: kernel.11.cloned.1.call-start
scs
__scs_entry_jumppad:
0x0: {  	(pc) =	sbr.rel $0x88, $3  }
0x1: {  	(tag) =	ssettag $0x0;
	lr =	simm.s32 $0x1  }
0x2: {  	[smem:$0x3F98] =	sst lr;
	_ =	strace $0xD0000000  }
0x3: {  	_ = 	snop  }
0x4: {  	_ = 	snop  }
0x5: {  	_ = 	snop  }
0x6: {  	_ = 	snop  }
0x7: {  	_ = 	snop  }
__scs_overlays_trampoline_lowered:
0x8: {  	[smem:$0x3FA7] =	sst s0  }
0x9: {  	[smem:$0x3FA8] =	sst s1  }
0xa: {  	[smem:$0x3FA9] =	sst s2  }
0xb: {  	[smem:$0x3FAA] =	sst s3  }
0xc: {  	[smem:$0x3FAB] =	sst s4  }
0xd: {  	[smem:$0x3FAC] =	sst s5  }
0xe: {  	[smem:$0x3FAD] =	sst s6  }
0xf: {  	[smem:$0x3FAE] =	sst s7  }
0x10: {  	[smem:$0x3FAF] =	sst s8  }
0x11: {  	[smem:$0x3FB0] =	sst s9;
	s0 =	simm.s32 @!p0 $0x0  }
0x12: {  	s1 =	sld [smem:$0x3F96];
	s0 =	simm.s32 @p0 $0x1  }
0x13: {  	[smem:$0x3FB1] =	sst s0;
	s0 =	simm.s32 @!p1 $0x0  }
0x14: {  	s2 =	sld [smem:$0x3F95];
	s0 =	simm.s32 @p1 $0x1  }
0x15: {  	[smem:$0x3FB2] =	sst s0;
	s0 =	simm.s32 @!p2 $0x0  }
0x16: {  	s3 =	sld [smem:$0x3FDB];
	s0 =	simm.s32 @p2 $0x1  }
0x17: {  	s4 =	simm.s32 $0x1BF5;
	[smem:$0x3FB4] =	sst s0  }
0x18: {  	s0 =	sld [smem:$0x3F97];
	_ =	swait.ge [sflag:s4], $0x0  }
0x19: {  	s7 =	sld [smem:$0x3F98]  }
0x1a: {  	s8 =	sadd.s32 $0xFFFFE003, lr  }
0x1b: {  	s9 =	sadd.s32 $0xFFFFFEF7, lr;
	s5 =	simm.s32 $0xFFFFFFFF;
	p2 =	slt.u32 s8, $0xFFFFF086  }
0x1c: {  	p1 =	slt.u32 s9, $0xF7A;
	s5 =	simm.s32 @!p2 $0x0  }
0x1d: {  	s5 =	simm.s32 @p1 $0x1;
	p0 =	seq.s32 s7, s2  }
0x1e: {  	s7 =	smul.u32 @!p0 $0xF7A, s2;
	p2 =	seq.s32 @!p0 s5, $0x0  }
0x1f: {  	s9 =	smul.u32 $0xF7A, s1;
	s8 =	simm.s32 @!p0 $0x1BF5;
	p2 =	por !p2, p0  }
0x20: {  	[sflag:s8] =	ssyncset.s32 @!p0 $0xFFFFF086;
	s6 =	sadd.s32 @!p0 s3, s7;
	s7 =	simm.s32 @!p0 $0x108  }
0x21: {  	s3 =	sadd.s32 s3, s9;
	s6 =	sadd.s32 @!p0 $0x88, s6;
	s7 =	simm.s32 @p2 $0x1082  }
0x22: {  	[simem:s7], [sflag:s8] =	dma.local @!p0 [hbm:s6], $0xF7A  }
0x23: {  	s9 =	sor.u32 $0xD0000000, s2;
	s6 =	simm.s32 $0x108;
	_ =	swait.ge @!p0 [sflag:s8], $0x0  }
0x24: {  	s3 =	sadd.s32 $0x88, s3;
	s6 =	simm.s32 @!p1 $0x1082;
	[sflag:s4] =	ssyncset.s32 $0xFFFFF086  }
0x25: {  	[simem:s6], [sflag:s4] =	dma.local [hbm:s3], $0xF7A  }
0x26: {  	[smem:$0x3F98] =	sst s1;
	(tag) =	ssettag s2;
	_ =	strace s9  }
0x27: {  	s1 =	sld [smem:$0x3FA8]  }
0x28: {  	s2 =	sld [smem:$0x3FA9]  }
0x29: {  	s4 =	sld [smem:$0x3FAB]  }
0x2a: {  	p0 =	seq.s32 s5, $0x0;
	s5 =	sld [smem:$0x3FAC]  }
0x2b: {  	s6 =	sld [smem:$0x3FAD]  }
0x2c: {  	s7 =	sld [smem:$0x3FAE]  }
0x2d: {  	s3 =	simm.s32 $0x108;
	s8 =	sld [smem:$0x3FAF]  }
0x2e: {  	s3 =	simm.s32 @!p0 $0x1082;
	s9 =	sld [smem:$0x3FB0]  }
0x2f: {  	lr =	sadd.s32 s0, s3;
	s0 =	sld [smem:$0x3FA7]  }
0x30: {  	s3 =	sld [smem:$0x3FAA]  }
0x31: {  	[smem:$0x3FB3] =	sst s10  }
0x32: {  	s10 =	sld [smem:$0x3FB1];
	_ =	sdelay $0x3  }
0x33: {  	p0 =	seq.s32 s10, $0x1;
	s10 =	sld [smem:$0x3FB3];
	_ =	sdelay $0x3  }
0x34: {  	[smem:$0x3FB3] =	sst s10  }
0x35: {  	s10 =	sld [smem:$0x3FB2];
	_ =	sdelay $0x3  }
0x36: {  	p1 =	seq.s32 s10, $0x1;
	s10 =	sld [smem:$0x3FB3];
	_ =	sdelay $0x3  }
0x37: {  	[smem:$0x3FB3] =	sst s10  }
0x38: {  	s10 =	sld [smem:$0x3FB4]  }
0x39: {  	_ = 	snop;
	(pc) =	sbr.ind lr, $3  }
0x3a: {  	_ = 	snop  }
0x3b: {  	_ = 	snop  }
0x3c: {  	p2 =	seq.s32 s10, $0x1;
	s10 =	sld [smem:$0x3FB3]  }
0x3d: {  	_ =	shalt  }
0x3e: {  	_ =	shalt  }
0x3f: {  	_ =	shalt  }
0x40: {  	_ =	shalt  }
0x41: {  	_ =	shalt  }
0x42: {  	_ =	shalt  }
0x43: {  	_ =	shalt  }
0x44: {  	_ =	shalt  }
0x45: {  	_ =	shalt  }
0x46: {  	_ =	shalt  }
0x47: {  	_ =	shalt  }
0x48: {  	_ =	shalt  }
0x49: {  	_ =	shalt  }
0x4a: {  	_ =	shalt  }
0x4b: {  	_ =	shalt  }
0x4c: {  	_ =	shalt  }
0x4d: {  	_ =	shalt  }
0x4e: {  	_ =	shalt  }
0x4f: {  	_ =	shalt  }
0x50: {  	_ =	shalt  }
0x51: {  	_ =	shalt  }
0x52: {  	_ =	shalt  }
0x53: {  	_ =	shalt  }
0x54: {  	_ =	shalt  }
0x55: {  	_ =	shalt  }
0x56: {  	_ =	shalt  }
0x57: {  	_ =	shalt  }
0x58: {  	_ =	shalt  }
0x59: {  	_ =	shalt  }
0x5a: {  	_ =	shalt  }
0x5b: {  	_ =	shalt  }
0x5c: {  	_ =	shalt  }
0x5d: {  	_ =	shalt  }
0x5e: {  	_ =	shalt  }
0x5f: {  	_ =	shalt  }
0x60: {  	_ =	shalt  }
0x61: {  	_ =	shalt  }
0x62: {  	_ =	shalt  }
0x63: {  	_ =	shalt  }
0x64: {  	_ =	shalt  }
0x65: {  	_ =	shalt  }
0x66: {  	_ =	shalt  }
0x67: {  	_ =	shalt  }
0x68: {  	_ =	shalt  }
0x69: {  	_ =	shalt  }
0x6a: {  	_ =	shalt  }
0x6b: {  	_ =	shalt  }
0x6c: {  	_ =	shalt  }
0x6d: {  	_ =	shalt  }
0x6e: {  	_ =	shalt  }
0x6f: {  	_ =	shalt  }
0x70: {  	_ =	shalt  }
0x71: {  	_ =	shalt  }
0x72: {  	_ =	shalt  }
0x73: {  	_ =	shalt  }
0x74: {  	_ =	shalt  }
0x75: {  	_ =	shalt  }
0x76: {  	_ =	shalt  }
0x77: {  	_ =	shalt  }
0x78: {  	_ =	shalt  }
0x79: {  	_ =	shalt  }
0x7a: {  	_ =	shalt  }
0x7b: {  	_ =	shalt  }
0x7c: {  	_ =	shalt  }
0x7d: {  	_ =	shalt  }
0x7e: {  	_ =	shalt  }
0x7f: {  	_ =	shalt  }
0x80: {  	_ =	shalt  }
0x81: {  	_ =	shalt  }
0x82: {  	_ =	shalt  }
0x83: {  	_ =	shalt  }
0x84: {  	_ =	shalt  }
0x85: {  	_ =	shalt  }
0x86: {  	_ =	shalt  }
0x87: {  	_ =	shalt  }
.Lfunc_end0:
.L_simem_size_0:
called_computation_lowered:
.L_overlay_start_0:
0x88: {  	s2 =	sld [smem:$0x3FD9]  }
0x89: {  	s3 =	sld [smem:$0x3FFE];
	_ =	sdelay $0x1  }
0x8a: {  	s1 =	srdreg.scid  }
0x8b: {  	s0 =	sand.u32 $0x1, s1  }
0x8c: {  	s17 =	sshll.u32 s0, $0xA;
	s2 =	sadd.s32 s3, s2  }
0x8d: {  	s2 =	sadd.s32 s2, s17  }
0x8e: {  	[smem:$0x3FBF] =	sst s2  }
0x8f: {  	_ = 	snop  }
0x90: {  	s2 =	sld [smem:$0x3FD0];
	(tm) =	ssettm $0x1  }
0x91: {  	s18 =	sld [smem:$0x3FFB];
	_ =	sdelay $0x3  }
0x92: {  	_ =	strace s18  }
0x93: {  	s3 =	sld [smem:$0x3FFC];
	_ =	sdelay $0x3  }
0x94: {  	_ =	strace s3  }
0x95: {  	s3 =	sld [smem:$0x3FFD];
	_ =	sdelay $0x3  }
0x96: {  	_ =	strace s3  }
0x97: {  	_ =	strace $0x8FFFFFFF  }
0x98: {  	s19 =	sld [smem:$0x3FDB];
	_ =	sdelay $0x1  }
0x99: {  	s4 =	simm.s32 $_scs_section_size  }
0x9a: {  	s5 =	simm.s32 $_size__tile_overlayer_lowered;
	s6 =	simm.s32 $_tile_overlayer_lowered  }
0x9b: {  	s22 =	simm.s32 $0x1BFF;
	s21 =	sshll.u32 s6, $0x1;
	s3 =	sadd.s32 s4, s19  }
0x9c: {  	s7 =	simm.s32 $0x0;
	s20 =	sshll.u32 s5, $0x1;
	s5 =	sadd.s32 s21, s3  }
0x9d: {  	[timem:s7], [sflag:s22] =	dma.local [hbm:s5], s20  }
0x9e: {  	_ =	swait.ge [sflag:s22], s20  }
0x9f: {  	s4 =	ssub.s32 $0x0, s20;
	[sflag:s22] =	ssyncset.done $0x0  }
0xa0: {  	[sflag:s22] =	ssyncadd.s32 s4;
	_ =	sdelay $0x1  }
0xa1: {  	s23 =	simm.s32 $0x1B8B  }
0xa2: {  	_ =	swait.ge [sflag:s23], $0x1  }
0xa3: {  	[sflag:s23] =	ssyncset.done $0x0  }
0xa4: {  	s25 =	simm.s32 $0x1B8E;
	s24 =	sld [smem:$0x3FFE];
	[sflag:s23] =	ssyncadd.s32 $0xFFFFFFFF  }
0xa5: {  	s26 =	simm.s32 $execute0_lowered;
	[smem:$0x3FD2] =	sst s25  }
0xa6: {  	s5 =	sshll.u32 s26, $0x1;
	_ =	strace $0x80000046;
	[dreg:$0x1] =	wrdreg $0xFFFFFFFF  }
0xa7: {  	s28 =	simm.s32 $_size_execute0_lowered;
	s3 =	sadd.s32 s3, s5;
	[dreg:$0x0] =	wrdreg $0x0  }
0xa8: {  	s5 =	sshll.u32 s28, $0x1;
	[dreg:$0x2] =	wrdreg s3  }
0xa9: {  	[dreg:$0x3] =	wrdreg s5  }
0xaa: {  	[dreg:$0x4] =	wrdreg $0xC0  }
0xab: {  	_ =	task [dreg:s7], $0x5FFFF  }
0xac: {  	[dreg:$0x1] =	wrdreg $0xFFFFFFFF  }
0xad: {  	[dreg:$0x0] =	wrdreg $0x60  }
0xae: {  	[dreg:$0x2] =	wrdreg s24  }
0xaf: {  	[dreg:$0x3] =	wrdreg s2  }
0xb0: {  	[dreg:$0x4] =	wrdreg $0x9  }
0xb1: {  	_ =	task.clear_ibuf [dreg:s7], $0x5FFFF;
	_ =	strace $0x90000046  }
0xb2: {  	s29 =	simm.s32 $0x9;
	_ =	strace $0x80000048  }
0xb3: {  	_ =	swait.ge [sflag:s29], $0x1  }
0xb4: {  	[sflag:s29] =	ssyncadd.s32 $0xFFFFFFFF  }
0xb5: {  	_ =	strace $0x90000048  }
0xb6: {  	_ =	sfence  }
0xb7: {  	s30 =	sld [smem:$0x0];
	_ =	sdelay $0x2  }
0xb8: {  	s31 =	sshll.u32 s1, $0xD;
	s1 =	sshrl.u32 s1, $0x2  }
0xb9: {  	s3 =	sand.u32 $0x4000, s31;
	s1 =	sadd.s32 s1, s30  }
0xba: {  	s0 =	sor.u32 s3, s0;
	s1 =	sshll.u32 s1, $0x11  }
0xbb: {  	s0 =	sor.u32 s1, s0  }
0xbc: {  	s0 =	sadd.s32 $0x8F2B, s0  }
0xbd: {  	[sflag:s0] =	ssyncadd.remote.s32 $0x1  }
0xbe: {  	_ =	sfence.sel $0xFFFF  }
0xbf: {  	[dreg:$0x0] =	wrdreg $0xFFFFFFFF;
	(pc) =	sbr.abs _section_cstart, $3  }
0xc0: {  	[dreg:$0x1] =	wrdreg $0xFFFFFFFF  }
0xc1: {  	_ =	task.clear_ibuf [dreg:s7], $0x2FFFF;
	_ =	strace $0x9FFFFFFF  }
0xc2: {  	(tm) =	ssettm $0x7FFFFFFF  }
0xc3: {  	_ =	shalt  }
tec
execute0_lowered:
.L_overlay_start_1:
0x0: {  	(tag) =	ssettag $0x1  }
0x1: {  	s4 =	rddreg [dreg:$0x0]  }
0x2: {  	s8 =	rddreg [dreg:$0x1];
	s1 =	simm.s32 $0x0  }
0x3: {  	s0 =	srdreg.scid;
	s2 =	stileid.u32;
	s12 =	simm.s32 $0x2  }
0x4: {  	s14 =	simm.s32 $0x80;
	s9 =	simm.s32 $0x76A0;
	s10 =	simm.s32 $0xA60  }
0x5: {  	s11 =	simm.s32 $0x3FA0;
	s19 =	simm.s32 $0x47A0;
	s20 =	simm.s32 $0xED0  }
0x6: {  	s21 =	simm.s32 $0x86A0;
	s22 =	simm.s32 $0x70;
	s23 =	simm.s32 $0xB60  }
0x7: {  	s24 =	simm.s32 $0x4FA0;
	s25 =	simm.s32 $0xF50;
	s13 =	simm.s32 $0x8EA0  }
0x8: {  	s26 =	simm.s32 $0x1;
	s15 =	simm.s32 $0x95A0;
	s17 =	simm.s32 $0x0  }
0x9: {  	[smem:$0x7FF] =	sst s1;
	s0 =	sand.u32 $0x1, s0;
	s2 =	sshll.u32 s2, $0x1  }
0xa: {  	s5 =	sadd.s32 $0x25F400, s4;
	s6 =	sadd.s32 $0x1EA00, s4;
	s29 =	sadd.s32 $0x3D240, s4  }
0xb: {  	v0 =	vlaneseq.u32;
	s30 =	sadd.s32 $0x1E840, s4;
	s31 =	sadd.s32 $0xF4200, s8;
	s8 =	simm.s32 $0xDD0  }
0xc: {  	v2 =	vimm.s32 $0x1;
	v3 =	vimm.s32 $0x2;
	v4 =	vimm.s32 $0x3;
	s4 =	simm.s32 $0xAE0;
	_ =	strace $0x80000047;
	[dreg:$0x3] =	wrdreg s29  }
.Ltmp0:
0xd: {  	v5 =	vimm.s32 $0x4;
	v6 =	vimm.s32 $0x5;
	v7 =	vimm.s32 $0x6;
	s28 =	ssub.s32 $0x2, s0;
	[dreg:$0x4] =	wrdreg s30;
	(pc) =	sbr.rel .LBB2_1-.Ltmp0, $4  }
0xe: {  	v8 =	vimm.s32 $0x7;
	v9 =	vimm.s32 $0x8;
	v10 =	vimm.s32 $0x9;
	s0 =	sor.u32 s0, s2;
	[dreg:$0x5] =	wrdreg s31;
	s3 =	sshrl.u32 s28, $0x1  }
0xf: {  	v11 =	vimm.s32 $0xA;
	v12 =	vimm.s32 $0xB;
	v1 =	vmul.u32 $0xFFFFFFFF, v0;
	s2 =	simm.s32 $0xE50;
	s7 =	smul.u32 $0x7A10, s0;
	s1 =	ssub.s32 s28, s3  }
0x10: {  	v13 =	vimm.s32 $0xC;
	v14 =	vimm.s32 $0xD;
	v15 =	vimm.s32 $0xE;
	p0 =	sne.s32 s0, $0x1F;
	s0 =	simm.s32 $0x9E0;
	s1 =	smax.u32 s1, $0x1  }
0x11: {  	v16 =	vimm.s32 $0xF;
	v0 =	vimm.s32 $0x0;
	v1 =	vadd.s32 $0xF, v1;
	s3 =	simm.s32 $0x37A0;
	[dreg:$0x6] =	wrdreg s1;
	s1 =	simm.s32 $0x7EA0  }
.LBB2_11:
0x12: {  	s17 =	sadd.s32 $0x1, s17;
	s16 =	rddreg [dreg:$0x6]  }
0x13: {  	p1 =	sne.s32 s17, s16  }
.Ltmp1:
0x14: {  	_ = 	snop;
	(pc) =	sbr.rel @!p1 .LBB2_12-.Ltmp1, $1  }
0x15: {  	_ =	sdelay $0x3  }
.LBB2_1:
0x16: {  	[dreg:$0x7] =	wrdreg s17;
	s28 =	simm.s32 $0x0  }
.LBB2_2:
0x17: {  	s16 =	smul.u32 $0x3F0, s28;
	_ =	sdelay $0x1  }
0x18: {  	s16 =	sadd.s32 s7, s16  }
0x19: {  	s17 =	sshrl.u32 s16, $0x3  }
0x1a: {  	s29 =	simm.s32 $0x0;
	s18 =	sadd.s32 s6, s17  }
0x1b: {  	[tilespmem:s29], [sflag:$0x2] =	stream.linear.gather [hbm4b:s18+s29], $0x3F0, $0x38;
	[tilespmem:$0xB530] =	vst v63  }
0x1c: {  	_ =	swait.ge [sflag:s12], $0x3F0  }
0x1d: {  	[sflag:s12] =	ssyncset.done $0x0  }
0x1e: {  	[sflag:s12] =	ssyncadd.s32 $0xFFFFFC10  }
0x1f: {  	s31 =	rddreg [dreg:$0x0]  }
0x20: {  	s17 =	sadd.s32 s31, s17;
	s31 =	simm.s32 $0x3F0  }
0x21: {  	[tilespmem:s31], [sflag:$0x2] =	stream.linear.gather [hbm4b:s17+s29], $0x3F0, $0x38;
	[tilespmem:$0xB530] =	vst v63  }
0x22: {  	_ =	swait.ge [sflag:s12], $0x3F0  }
0x23: {  	[sflag:s12] =	ssyncset.done $0x0  }
0x24: {  	s18 =	simm.s32 $0x0;
	[sflag:s12] =	ssyncadd.s32 $0xFFFFFC10  }
0x25: {  	v17 =	vld [tilespmem:s18+$0x3F0]  }
0x26: {  	v18 =	vld [tilespmem:s18+$0x0];
	_ =	sdelay $0x3  }
0x27: {  	v17 =	vmul.f32 $4.000000000e+00, v17  }
0x28: {  	v18 =	vsub.f32 $9.000000000e+01, v18  }
0x29: {  	s17 =	simm.s32 $0x10;
	v19 =	vtrunc.f32 v17  }
0x2a: {  	v20 =	vld [tilespmem:s17+$0x3F0];
	v18 =	vmul.f32 $4.000000000e+00, v18;
	v19 =	vcvt.f32.s32 v19  }
0x2b: {  	v21 =	vld [tilespmem:s17+$0x0]  }
0x2c: {  	v22 =	vtrunc.f32 v18;
	vm0 =	vgt.s32 v19, $0x0  }
0x2d: {  	v23 =	vcvt.f32.s32 v22;
	v19 =	vnsel vm0, $0x0, v19  }
0x2e: {  	v19 =	vmin.u32 v19, $0x59F  }
0x2f: {  	v20 =	vmul.f32 $4.000000000e+00, v20;
	vm15 =	vgt.s32 v23, $0x0;
	v24 =	vshrl.u32 v19, $0x7  }
0x30: {  	v25 =	vsub.f32 $9.000000000e+01, v21;
	v23 =	vnsel vm15, $0x0, v23;
	v24 =	vmul.u32 $0x16880, v24  }
0x31: {  	v22 =	vcvt.s32.f32 v19;
	v19 =	vand.u32 $0x7F, v19;
	v26 =	vmin.u32 v23, $0x2CF  }
0x32: {  	v27 =	vtrunc.f32 v20;
	v21 =	vor.u32 v19, v24;
	v24 =	vshll.u32 v26, $0x7  }
0x33: {  	s30 =	simm.s32 $0xC0;
	s29 =	simm.s32 $0x20;
	v19 =	vmul.f32 $4.000000000e+00, v25;
	v25 =	vcvt.f32.s32 v27;
	v24 =	vadd.s32 v21, v24  }
.LBB2_3:
0x34: {  	p1 =	sne.s32 s30, $0xF80;
	v26 =	vld [tilespmem:s29+$0x3F0];
	v23 =	vmin.u32 v23, $0x2D0;
	v22 =	vsub.f32 v17, v22;
	v24 =	vadd.s32 $0x80, v24;
	v17 =	vmovc v20  }
0x35: {  	v27 =	vld [tilespmem:s29+$0x0];
	v20 =	vtrunc.f32 v19;
	vm0 =	vgt.s32 v25, $0x0;
	v28 =	vcvt.s32.f32 v23;
	[tilespmem:s18+$0xBD0] =	vst v24  }
0x36: {  	v24 =	vcvt.f32.s32 v20;
	v20 =	vnsel vm0, $0x0, v25;
	[tilespmem:s18+$0x13B0] =	vst v22;
	v22 =	vshll.u32 v23, $0x7  }
0x37: {  	v25 =	vmin.u32 v20, $0x59F;
	v28 =	vsub.f32 v18, v28;
	v20 =	vadd.s32 v22, v21;
	v18 =	vmovc v19  }
.Ltmp2:
0x38: {  	vm0 =	vgt.s32 v24, $0x0;
	v22 =	vcvt.s32.f32 v25;
	v19 =	vshrl.u32 v25, $0x7;
	[tilespmem:s18+$0x7E0] =	vst v20;
	(pc) =	sbr.rel @p1 .LBB2_3-.Ltmp2, $4  }
0x39: {  	v20 =	vmul.f32 $4.000000000e+00, v26;
	v23 =	vnsel vm0, $0x0, v24;
	v19 =	vmul.u32 $0x16880, v19;
	[tilespmem:s18+$0xFC0] =	vst v28;
	s18 =	smov.u32 s17;
	s17 =	smov.u32 s29  }
0x3a: {  	v21 =	vand.u32 $0x7F, v25;
	v24 =	vsub.f32 $9.000000000e+01, v27;
	v26 =	vmin.u32 v23, $0x2CF  }
0x3b: {  	v25 =	vtrunc.f32 v20;
	v21 =	vor.u32 v21, v19;
	v26 =	vshll.u32 v26, $0x7  }
0x3c: {  	s29 =	sshra.s32 s30, $0x2;
	s30 =	sadd.s32 $0x40, s30;
	v19 =	vmul.f32 $4.000000000e+00, v24;
	v25 =	vcvt.f32.s32 v25;
	v24 =	vadd.s32 v21, v26  }
0x3d: {  	v26 =	vld [tilespmem:s29+$0x3F0]  }
0x3e: {  	v23 =	vmin.u32 v23, $0x2D0;
	v27 =	vld [tilespmem:s29+$0x0];
	v17 =	vsub.f32 v17, v22;
	v52 =	vadd.s32 $0x80, v24  }
0x3f: {  	v28 =	vtrunc.f32 v19;
	vm0 =	vgt.s32 v25, $0x0;
	v29 =	vcvt.s32.f32 v23  }
0x40: {  	v48 =	vshll.u32 v23, $0x7;
	v28 =	vcvt.f32.s32 v28;
	v25 =	vnsel vm0, $0x0, v25  }
0x41: {  	v21 =	vadd.s32 v48, v21;
	v49 =	vmin.u32 v25, $0x59F;
	v18 =	vsub.f32 v18, v29  }
0x42: {  	vm13 =	vgt.s32 v28, $0x0;
	v25 =	vshrl.u32 v49, $0x7;
	v50 =	vcvt.s32.f32 v49  }
0x43: {  	v26 =	vmul.f32 $4.000000000e+00, v26;
	v28 =	vnsel vm13, $0x0, v28;
	v27 =	vsub.f32 $9.000000000e+01, v27  }
0x44: {  	v23 =	vand.u32 $0x7F, v49;
	v25 =	vmul.u32 $0x16880, v25;
	v30 =	vmin.u32 v28, $0x2CF  }
0x45: {  	v20 =	vsub.f32 v20, v50;
	v51 =	vtrunc.f32 v26;
	v27 =	vmul.f32 $4.000000000e+00, v27  }
0x46: {  	v55 =	vmin.u32 v28, $0x2D0;
	v23 =	vor.u32 v23, v25;
	v25 =	vcvt.f32.s32 v51  }
0x47: {  	[tilespmem:s18+$0xBD0] =	vst v52;
	v30 =	vshll.u32 v30, $0x7;
	v57 =	vcvt.s32.f32 v55;
	v54 =	vtrunc.f32 v27  }
0x48: {  	[tilespmem:s18+$0x13B0] =	vst v17;
	v53 =	vadd.s32 v23, v30;
	vm14 =	vgt.s32 v25, $0x0;
	v56 =	vcvt.f32.s32 v54  }
0x49: {  	[tilespmem:s18+$0x7E0] =	vst v21;
	v58 =	vshll.u32 v55, $0x7;
	v17 =	vadd.s32 $0x80, v53;
	v25 =	vnsel vm14, $0x0, v25  }
0x4a: {  	[tilespmem:s18+$0xFC0] =	vst v18;
	v18 =	vsub.f32 v19, v57;
	v25 =	vmin.u32 v25, $0x59F;
	vm15 =	vgt.s32 v56, $0x0  }
0x4b: {  	[tilespmem:s17+$0xBD0] =	vst v17;
	v17 =	vadd.s32 v58, v23;
	v59 =	vshrl.u32 v25, $0x7;
	v19 =	vnsel vm15, $0x0, v56  }
0x4c: {  	v62 =	vcvt.s32.f32 v25;
	v22 =	vmul.u32 $0x16880, v59;
	v60 =	vmin.u32 v19, $0x2CF  }
0x4d: {  	[tilespmem:s17+$0x13B0] =	vst v20;
	v61 =	vand.u32 $0x7F, v25;
	v19 =	vmin.u32 v19, $0x2D0;
	v21 =	vshll.u32 v60, $0x7  }
0x4e: {  	[tilespmem:s17+$0xFC0] =	vst v18;
	v18 =	vsub.f32 v26, v62;
	v63 =	vcvt.s32.f32 v19;
	v22 =	vor.u32 v61, v22  }
0x4f: {  	[tilespmem:s17+$0x7E0] =	vst v17;
	v17 =	vadd.s32 v22, v21  }
0x50: {  	[tilespmem:s29+$0x13B0] =	vst v18;
	v18 =	vsub.f32 v27, v63;
	v17 =	vadd.s32 $0x80, v17  }
0x51: {  	[tilespmem:s29+$0xBD0] =	vst v17;
	v17 =	vshll.u32 v19, $0x7  }
0x52: {  	[tilespmem:s29+$0xFC0] =	vst v18;
	v17 =	vadd.s32 v17, v22  }
0x53: {  	s31 =	simm.s32 $0x17A0;
	s18 =	simm.s32 $0x7E0;
	[tilespmem:s29+$0x7E0] =	vst v17  }
0x54: {  	[tilespmem:s31], [sflag:$0x1] =	stream.indirect.gather [hbm4b:s5+s14], $0x10, s18, s14, $0xb8;
	[tilespmem:$0xB530] =	vst v63  }
0x55: {  	s18 =	simm.s32 $0xBD0;
	s31 =	simm.s32 $0x56A0  }
0x56: {  	[tilespmem:s31], [sflag:$0x1] =	stream.indirect.gather [hbm4b:s5+s14], $0x10, s18, s14, $0xb8;
	[tilespmem:$0xB530] =	vst v63  }
0x57: {  	s18 =	simm.s32 $0x860;
	s31 =	simm.s32 $0x1FA0  }
0x58: {  	[tilespmem:s31], [sflag:$0x1] =	stream.indirect.gather [hbm4b:s5+s14], $0x10, s18, s14, $0xb8;
	[tilespmem:$0xB530] =	vst v63  }
0x59: {  	s18 =	simm.s32 $0xC50;
	s31 =	simm.s32 $0x5EA0  }
0x5a: {  	[tilespmem:s31], [sflag:$0x1] =	stream.indirect.gather [hbm4b:s5+s14], $0x10, s18, s14, $0xb8;
	[tilespmem:$0xB530] =	vst v63  }
0x5b: {  	s18 =	simm.s32 $0x8E0;
	s31 =	simm.s32 $0x27A0  }
0x5c: {  	[tilespmem:s31], [sflag:$0x1] =	stream.indirect.gather [hbm4b:s5+s14], $0x10, s18, s14, $0xb8;
	[tilespmem:$0xB530] =	vst v63  }
0x5d: {  	s18 =	simm.s32 $0xCD0;
	s31 =	simm.s32 $0x66A0  }
0x5e: {  	[tilespmem:s31], [sflag:$0x1] =	stream.indirect.gather [hbm4b:s5+s14], $0x10, s18, s14, $0xb8;
	[tilespmem:$0xB530] =	vst v63  }
0x5f: {  	s18 =	simm.s32 $0x960;
	s31 =	simm.s32 $0x2FA0  }
0x60: {  	[tilespmem:s31], [sflag:$0x1] =	stream.indirect.gather [hbm4b:s5+s14], $0x10, s18, s14, $0xb8;
	[tilespmem:$0xB530] =	vst v63  }
0x61: {  	s18 =	simm.s32 $0xD50;
	s31 =	simm.s32 $0x6EA0  }
0x62: {  	[tilespmem:s31], [sflag:$0x1] =	stream.indirect.gather [hbm4b:s5+s14], $0x10, s18, s14, $0xb8;
	[tilespmem:$0xB530] =	vst v63  }
0x63: {  	_ = 	snop  }
0x64: {  	[tilespmem:s3], [sflag:$0x1] =	stream.indirect.gather [hbm4b:s5+s14], $0x10, s0, s14, $0xb8;
	[tilespmem:$0xB530] =	vst v63  }
0x65: {  	_ = 	snop  }
0x66: {  	[tilespmem:s9], [sflag:$0x1] =	stream.indirect.gather [hbm4b:s5+s14], $0x10, s8, s14, $0xb8;
	[tilespmem:$0xB530] =	vst v63  }
0x67: {  	_ = 	snop  }
0x68: {  	[tilespmem:s11], [sflag:$0x1] =	stream.indirect.gather [hbm4b:s5+s14], $0x10, s10, s14, $0xb8;
	[tilespmem:$0xB530] =	vst v63  }
0x69: {  	_ = 	snop  }
0x6a: {  	[tilespmem:s1], [sflag:$0x1] =	stream.indirect.gather [hbm4b:s5+s14], $0x10, s2, s14, $0xb8;
	[tilespmem:$0xB530] =	vst v63  }
0x6b: {  	_ = 	snop  }
0x6c: {  	[tilespmem:s19], [sflag:$0x1] =	stream.indirect.gather [hbm4b:s5+s14], $0x10, s4, s14, $0xb8;
	[tilespmem:$0xB530] =	vst v63  }
0x6d: {  	_ = 	snop  }
0x6e: {  	[tilespmem:s21], [sflag:$0x1] =	stream.indirect.gather [hbm4b:s5+s14], $0x10, s20, s14, $0xb8;
	[tilespmem:$0xB530] =	vst v63  }
0x6f: {  	_ = 	snop  }
0x70: {  	[tilespmem:s24], [sflag:$0x1] =	stream.indirect.gather [hbm4b:s5+s22], $0x10, s23, s22, $0xb8;
	[tilespmem:$0xB530] =	vst v63  }
0x71: {  	_ = 	snop  }
0x72: {  	[tilespmem:s13], [sflag:$0x1] =	stream.indirect.gather [hbm4b:s5+s22], $0x10, s25, s22, $0xb8;
	[tilespmem:$0xB530] =	vst v63  }
0x73: {  	_ =	swait.ge [sflag:s26], $0x800  }
0x74: {  	[sflag:s26] =	ssyncset.done $0x0  }
0x75: {  	[sflag:s26] =	ssyncadd.s32 $0xFFFFF800  }
0x76: {  	_ =	swait.ge [sflag:s26], $0x800  }
0x77: {  	[sflag:s26] =	ssyncset.done $0x0  }
0x78: {  	[sflag:s26] =	ssyncadd.s32 $0xFFFFF800  }
0x79: {  	_ =	swait.ge [sflag:s26], $0x800  }
0x7a: {  	[sflag:s26] =	ssyncset.done $0x0  }
0x7b: {  	[sflag:s26] =	ssyncadd.s32 $0xFFFFF800  }
0x7c: {  	_ =	swait.ge [sflag:s26], $0x800  }
0x7d: {  	[sflag:s26] =	ssyncset.done $0x0  }
0x7e: {  	[sflag:s26] =	ssyncadd.s32 $0xFFFFF800  }
0x7f: {  	_ =	swait.ge [sflag:s26], $0x800  }
0x80: {  	[sflag:s26] =	ssyncset.done $0x0  }
0x81: {  	[sflag:s26] =	ssyncadd.s32 $0xFFFFF800  }
0x82: {  	_ =	swait.ge [sflag:s26], $0x800  }
0x83: {  	[sflag:s26] =	ssyncset.done $0x0  }
0x84: {  	[sflag:s26] =	ssyncadd.s32 $0xFFFFF800  }
0x85: {  	_ =	swait.ge [sflag:s26], $0x800  }
0x86: {  	[sflag:s26] =	ssyncset.done $0x0  }
0x87: {  	[sflag:s26] =	ssyncadd.s32 $0xFFFFF800  }
0x88: {  	_ =	swait.ge [sflag:s26], $0x800  }
0x89: {  	[sflag:s26] =	ssyncset.done $0x0  }
0x8a: {  	[sflag:s26] =	ssyncadd.s32 $0xFFFFF800  }
0x8b: {  	_ =	swait.ge [sflag:s26], $0x800  }
0x8c: {  	[sflag:s26] =	ssyncset.done $0x0  }
0x8d: {  	[sflag:s26] =	ssyncadd.s32 $0xFFFFF800  }
0x8e: {  	_ =	swait.ge [sflag:s26], $0x800  }
0x8f: {  	[sflag:s26] =	ssyncset.done $0x0  }
0x90: {  	[sflag:s26] =	ssyncadd.s32 $0xFFFFF800  }
0x91: {  	_ =	swait.ge [sflag:s26], $0x800  }
0x92: {  	[sflag:s26] =	ssyncset.done $0x0  }
0x93: {  	[sflag:s26] =	ssyncadd.s32 $0xFFFFF800  }
0x94: {  	_ =	swait.ge [sflag:s26], $0x800  }
0x95: {  	[sflag:s26] =	ssyncset.done $0x0  }
0x96: {  	[sflag:s26] =	ssyncadd.s32 $0xFFFFF800  }
0x97: {  	_ =	swait.ge [sflag:s26], $0x800  }
0x98: {  	[sflag:s26] =	ssyncset.done $0x0  }
0x99: {  	[sflag:s26] =	ssyncadd.s32 $0xFFFFF800  }
0x9a: {  	_ =	swait.ge [sflag:s26], $0x800  }
0x9b: {  	[sflag:s26] =	ssyncset.done $0x0  }
0x9c: {  	[sflag:s26] =	ssyncadd.s32 $0xFFFFF800  }
0x9d: {  	_ =	swait.ge [sflag:s26], $0x700  }
0x9e: {  	[sflag:s26] =	ssyncset.done $0x0  }
0x9f: {  	[sflag:s26] =	ssyncadd.s32 $0xFFFFF900  }
0xa0: {  	_ =	swait.ge [sflag:s26], $0x700  }
0xa1: {  	s30 =	simm.s32 $0x1820;
	s17 =	simm.s32 $0x0;
	[sflag:s26] =	ssyncset.done $0x0  }
0xa2: {  	s29 =	simm.s32 $0x5720;
	s18 =	simm.s32 $0x95E0;
	[sflag:s26] =	ssyncadd.s32 $0xFFFFF900  }
.LBB2_5:
0xa3: {  	v19 =	vld [tilespmem:s30+$0xFFFFFF80]  }
0xa4: {  	s31 =	sshra.s32 s17, $0x2;
	v18 =	vld [tilespmem:s29+$0xFFFFFF80]  }
0xa5: {  	v17 =	vld [tilespmem:s31+$0xFC0];
	_ =	sdelay $0x4  }
0xa6: {  	v18 =	vsub.f32 v18, v19;
	v20 =	vperm.xlane v17, v0;
	_ =	sdelay $0x1  }
0xa7: {  	v20 =	vmul.f32 v20, v18  }
0xa8: {  	v18 =	vld [tilespmem:s31+$0x13B0]  }
0xa9: {  	v19 =	vadd.f32 v20, v19;
	_ =	sdelay $0x1  }
0xaa: {  	v20 =	vperm.xlane v19, v1;
	_ =	sdelay $0x1  }
0xab: {  	v21 =	vperm.xlane v18, v0;
	v20 =	vsub.f32 v20, v19;
	_ =	sdelay $0x1  }
0xac: {  	v20 =	vmul.f32 v21, v20;
	_ =	sdelay $0x1  }
0xad: {  	v19 =	vadd.f32 v20, v19;
	_ =	sdelay $0x1  }
0xae: {  	[tilespmem:s18+$0xFFFFFFC0] =	vst v19  }
0xaf: {  	v19 =	vld [tilespmem:s30+$0xFFFFFF90]  }
0xb0: {  	v61 =	vld [tilespmem:s29+$0xFFFFFF90];
	_ =	sdelay $0x4  }
0xb1: {  	v62 =	vperm.xlane v17, v2;
	v20 =	vsub.f32 v61, v19;
	_ =	sdelay $0x1  }
0xb2: {  	v20 =	vmul.f32 v62, v20;
	_ =	sdelay $0x1  }
0xb3: {  	v19 =	vadd.f32 v20, v19;
	_ =	sdelay $0x1  }
0xb4: {  	v20 =	vperm.xlane v19, v1;
	_ =	sdelay $0x1  }
0xb5: {  	v63 =	vperm.xlane v18, v2;
	v20 =	vsub.f32 v20, v19;
	_ =	sdelay $0x1  }
0xb6: {  	v20 =	vmul.f32 v63, v20;
	_ =	sdelay $0x1  }
0xb7: {  	v19 =	vadd.f32 v20, v19;
	_ =	sdelay $0x1  }
0xb8: {  	[tilespmem:s18+$0xFFFFFFC8] =	vst v19  }
0xb9: {  	v19 =	vld [tilespmem:s30+$0xFFFFFFA0]  }
0xba: {  	v24 =	vld [tilespmem:s29+$0xFFFFFFA0];
	_ =	sdelay $0x4  }
0xbb: {  	v25 =	vperm.xlane v17, v3;
	v20 =	vsub.f32 v24, v19;
	_ =	sdelay $0x1  }
0xbc: {  	v20 =	vmul.f32 v25, v20;
	_ =	sdelay $0x1  }
0xbd: {  	v19 =	vadd.f32 v20, v19;
	_ =	sdelay $0x1  }
0xbe: {  	v20 =	vperm.xlane v19, v1;
	_ =	sdelay $0x1  }
0xbf: {  	v26 =	vperm.xlane v18, v3;
	v20 =	vsub.f32 v20, v19;
	_ =	sdelay $0x1  }
0xc0: {  	v20 =	vmul.f32 v26, v20;
	_ =	sdelay $0x1  }
0xc1: {  	v19 =	vadd.f32 v20, v19;
	_ =	sdelay $0x1  }
0xc2: {  	[tilespmem:s18+$0xFFFFFFD0] =	vst v19  }
0xc3: {  	v19 =	vld [tilespmem:s30+$0xFFFFFFB0]  }
0xc4: {  	v27 =	vld [tilespmem:s29+$0xFFFFFFB0];
	_ =	sdelay $0x4  }
0xc5: {  	v28 =	vperm.xlane v17, v4;
	v20 =	vsub.f32 v27, v19;
	_ =	sdelay $0x1  }
0xc6: {  	v20 =	vmul.f32 v28, v20;
	_ =	sdelay $0x1  }
0xc7: {  	v19 =	vadd.f32 v20, v19;
	_ =	sdelay $0x1  }
0xc8: {  	v20 =	vperm.xlane v19, v1;
	_ =	sdelay $0x1  }
0xc9: {  	v29 =	vperm.xlane v18, v4;
	v20 =	vsub.f32 v20, v19;
	_ =	sdelay $0x1  }
0xca: {  	v20 =	vmul.f32 v29, v20;
	_ =	sdelay $0x1  }
0xcb: {  	v19 =	vadd.f32 v20, v19;
	_ =	sdelay $0x1  }
0xcc: {  	[tilespmem:s18+$0xFFFFFFD8] =	vst v19  }
0xcd: {  	v19 =	vld [tilespmem:s30+$0xFFFFFFC0]  }
0xce: {  	v30 =	vld [tilespmem:s29+$0xFFFFFFC0];
	_ =	sdelay $0x4  }
0xcf: {  	v31 =	vperm.xlane v17, v5;
	v20 =	vsub.f32 v30, v19;
	_ =	sdelay $0x1  }
0xd0: {  	v20 =	vmul.f32 v31, v20;
	_ =	sdelay $0x1  }
0xd1: {  	v19 =	vadd.f32 v20, v19;
	_ =	sdelay $0x1  }
0xd2: {  	v20 =	vperm.xlane v19, v1;
	_ =	sdelay $0x1  }
0xd3: {  	v32 =	vperm.xlane v18, v5;
	v20 =	vsub.f32 v20, v19;
	_ =	sdelay $0x1  }
0xd4: {  	v20 =	vmul.f32 v32, v20;
	_ =	sdelay $0x1  }
0xd5: {  	v19 =	vadd.f32 v20, v19;
	_ =	sdelay $0x1  }
0xd6: {  	[tilespmem:s18+$0xFFFFFFE0] =	vst v19  }
0xd7: {  	v19 =	vld [tilespmem:s30+$0xFFFFFFD0]  }
0xd8: {  	v33 =	vld [tilespmem:s29+$0xFFFFFFD0];
	_ =	sdelay $0x4  }
0xd9: {  	v34 =	vperm.xlane v17, v6;
	v20 =	vsub.f32 v33, v19;
	_ =	sdelay $0x1  }
0xda: {  	v20 =	vmul.f32 v34, v20;
	_ =	sdelay $0x1  }
0xdb: {  	v19 =	vadd.f32 v20, v19;
	_ =	sdelay $0x1  }
0xdc: {  	v20 =	vperm.xlane v19, v1;
	_ =	sdelay $0x1  }
0xdd: {  	v35 =	vperm.xlane v18, v6;
	v20 =	vsub.f32 v20, v19;
	_ =	sdelay $0x1  }
0xde: {  	v20 =	vmul.f32 v35, v20;
	_ =	sdelay $0x1  }
0xdf: {  	v19 =	vadd.f32 v20, v19;
	_ =	sdelay $0x1  }
0xe0: {  	[tilespmem:s18+$0xFFFFFFE8] =	vst v19  }
0xe1: {  	v19 =	vld [tilespmem:s30+$0xFFFFFFE0]  }
0xe2: {  	v36 =	vld [tilespmem:s29+$0xFFFFFFE0];
	_ =	sdelay $0x4  }
0xe3: {  	v37 =	vperm.xlane v17, v7;
	v20 =	vsub.f32 v36, v19;
	_ =	sdelay $0x1  }
0xe4: {  	v20 =	vmul.f32 v37, v20;
	_ =	sdelay $0x1  }
0xe5: {  	v19 =	vadd.f32 v20, v19;
	_ =	sdelay $0x1  }
0xe6: {  	v20 =	vperm.xlane v19, v1;
	_ =	sdelay $0x1  }
0xe7: {  	v38 =	vperm.xlane v18, v7;
	v20 =	vsub.f32 v20, v19;
	_ =	sdelay $0x1  }
0xe8: {  	v20 =	vmul.f32 v38, v20;
	_ =	sdelay $0x1  }
0xe9: {  	v19 =	vadd.f32 v20, v19;
	_ =	sdelay $0x1  }
0xea: {  	[tilespmem:s18+$0xFFFFFFF0] =	vst v19  }
0xeb: {  	v19 =	vld [tilespmem:s30+$0xFFFFFFF0]  }
0xec: {  	v39 =	vld [tilespmem:s29+$0xFFFFFFF0];
	_ =	sdelay $0x4  }
0xed: {  	v40 =	vperm.xlane v17, v8;
	v20 =	vsub.f32 v39, v19;
	_ =	sdelay $0x1  }
0xee: {  	v20 =	vmul.f32 v40, v20;
	_ =	sdelay $0x1  }
0xef: {  	v19 =	vadd.f32 v20, v19;
	_ =	sdelay $0x1  }
0xf0: {  	v20 =	vperm.xlane v19, v1;
	_ =	sdelay $0x1  }
0xf1: {  	v41 =	vperm.xlane v18, v8;
	v20 =	vsub.f32 v20, v19;
	_ =	sdelay $0x1  }
0xf2: {  	v20 =	vmul.f32 v41, v20;
	_ =	sdelay $0x1  }
0xf3: {  	v19 =	vadd.f32 v20, v19;
	_ =	sdelay $0x1  }
0xf4: {  	[tilespmem:s18+$0xFFFFFFF8] =	vst v19  }
0xf5: {  	v19 =	vld [tilespmem:s30+$0x0]  }
0xf6: {  	v42 =	vld [tilespmem:s29+$0x0];
	_ =	sdelay $0x4  }
0xf7: {  	v43 =	vperm.xlane v17, v9;
	v20 =	vsub.f32 v42, v19;
	_ =	sdelay $0x1  }
0xf8: {  	v20 =	vmul.f32 v43, v20;
	_ =	sdelay $0x1  }
0xf9: {  	v19 =	vadd.f32 v20, v19;
	_ =	sdelay $0x1  }
0xfa: {  	v20 =	vperm.xlane v19, v1;
	_ =	sdelay $0x1  }
0xfb: {  	v44 =	vperm.xlane v18, v9;
	v20 =	vsub.f32 v20, v19;
	_ =	sdelay $0x1  }
0xfc: {  	v20 =	vmul.f32 v44, v20;
	_ =	sdelay $0x1  }
0xfd: {  	v19 =	vadd.f32 v20, v19;
	_ =	sdelay $0x1  }
0xfe: {  	[tilespmem:s18+$0x0] =	vst v19  }
0xff: {  	v19 =	vld [tilespmem:s30+$0x10]  }
0x100: {  	v45 =	vld [tilespmem:s29+$0x10];
	_ =	sdelay $0x4  }
0x101: {  	v46 =	vperm.xlane v17, v10;
	v20 =	vsub.f32 v45, v19;
	_ =	sdelay $0x1  }
0x102: {  	v20 =	vmul.f32 v46, v20;
	_ =	sdelay $0x1  }
0x103: {  	v19 =	vadd.f32 v20, v19;
	_ =	sdelay $0x1  }
0x104: {  	v20 =	vperm.xlane v19, v1;
	_ =	sdelay $0x1  }
0x105: {  	v47 =	vperm.xlane v18, v10;
	v20 =	vsub.f32 v20, v19;
	_ =	sdelay $0x1  }
0x106: {  	v20 =	vmul.f32 v47, v20;
	_ =	sdelay $0x1  }
0x107: {  	v19 =	vadd.f32 v20, v19;
	_ =	sdelay $0x1  }
0x108: {  	[tilespmem:s18+$0x8] =	vst v19  }
0x109: {  	v19 =	vld [tilespmem:s30+$0x20]  }
0x10a: {  	v48 =	vld [tilespmem:s29+$0x20];
	_ =	sdelay $0x4  }
0x10b: {  	v49 =	vperm.xlane v17, v11;
	v20 =	vsub.f32 v48, v19;
	_ =	sdelay $0x1  }
0x10c: {  	v20 =	vmul.f32 v49, v20;
	_ =	sdelay $0x1  }
0x10d: {  	v19 =	vadd.f32 v20, v19;
	_ =	sdelay $0x1  }
0x10e: {  	v20 =	vperm.xlane v19, v1;
	_ =	sdelay $0x1  }
0x10f: {  	v50 =	vperm.xlane v18, v11;
	v20 =	vsub.f32 v20, v19;
	_ =	sdelay $0x1  }
0x110: {  	v20 =	vmul.f32 v50, v20;
	_ =	sdelay $0x1  }
0x111: {  	v19 =	vadd.f32 v20, v19;
	_ =	sdelay $0x1  }
0x112: {  	[tilespmem:s18+$0x10] =	vst v19  }
0x113: {  	v19 =	vld [tilespmem:s30+$0x30]  }
0x114: {  	v51 =	vld [tilespmem:s29+$0x30];
	_ =	sdelay $0x4  }
0x115: {  	v52 =	vperm.xlane v17, v12;
	v20 =	vsub.f32 v51, v19;
	_ =	sdelay $0x1  }
0x116: {  	v20 =	vmul.f32 v52, v20;
	_ =	sdelay $0x1  }
0x117: {  	v19 =	vadd.f32 v20, v19;
	_ =	sdelay $0x1  }
0x118: {  	v20 =	vperm.xlane v19, v1;
	_ =	sdelay $0x1  }
0x119: {  	v53 =	vperm.xlane v18, v12;
	v20 =	vsub.f32 v20, v19;
	_ =	sdelay $0x1  }
0x11a: {  	v20 =	vmul.f32 v53, v20;
	_ =	sdelay $0x1  }
0x11b: {  	v19 =	vadd.f32 v20, v19;
	_ =	sdelay $0x1  }
0x11c: {  	[tilespmem:s18+$0x18] =	vst v19  }
0x11d: {  	v19 =	vld [tilespmem:s30+$0x40]  }
0x11e: {  	v54 =	vld [tilespmem:s29+$0x40];
	_ =	sdelay $0x4  }
0x11f: {  	v55 =	vperm.xlane v17, v13;
	v20 =	vsub.f32 v54, v19;
	_ =	sdelay $0x1  }
0x120: {  	v20 =	vmul.f32 v55, v20;
	_ =	sdelay $0x1  }
0x121: {  	v19 =	vadd.f32 v20, v19;
	_ =	sdelay $0x1  }
0x122: {  	v20 =	vperm.xlane v19, v1;
	_ =	sdelay $0x1  }
0x123: {  	v56 =	vperm.xlane v18, v13;
	v20 =	vsub.f32 v20, v19;
	_ =	sdelay $0x1  }
0x124: {  	v20 =	vmul.f32 v56, v20;
	_ =	sdelay $0x1  }
0x125: {  	v19 =	vadd.f32 v20, v19;
	_ =	sdelay $0x1  }
0x126: {  	[tilespmem:s18+$0x20] =	vst v19  }
0x127: {  	v19 =	vld [tilespmem:s30+$0x50]  }
0x128: {  	v57 =	vld [tilespmem:s29+$0x50];
	_ =	sdelay $0x4  }
0x129: {  	v58 =	vperm.xlane v17, v14;
	v20 =	vsub.f32 v57, v19;
	_ =	sdelay $0x1  }
0x12a: {  	v20 =	vmul.f32 v58, v20;
	_ =	sdelay $0x1  }
0x12b: {  	v19 =	vadd.f32 v20, v19;
	_ =	sdelay $0x1  }
0x12c: {  	v20 =	vperm.xlane v19, v1;
	_ =	sdelay $0x1  }
0x12d: {  	v59 =	vperm.xlane v18, v14;
	v20 =	vsub.f32 v20, v19;
	_ =	sdelay $0x1  }
0x12e: {  	v20 =	vmul.f32 v59, v20;
	_ =	sdelay $0x1  }
0x12f: {  	v19 =	vadd.f32 v20, v19;
	_ =	sdelay $0x1  }
0x130: {  	[tilespmem:s18+$0x28] =	vst v19  }
0x131: {  	v19 =	vld [tilespmem:s30+$0x60]  }
0x132: {  	v60 =	vld [tilespmem:s29+$0x60];
	_ =	sdelay $0x4  }
0x133: {  	v61 =	vperm.xlane v17, v15;
	v20 =	vsub.f32 v60, v19;
	_ =	sdelay $0x1  }
0x134: {  	v20 =	vmul.f32 v61, v20;
	_ =	sdelay $0x1  }
0x135: {  	v19 =	vadd.f32 v20, v19;
	_ =	sdelay $0x1  }
0x136: {  	v20 =	vperm.xlane v19, v1;
	_ =	sdelay $0x1  }
0x137: {  	v62 =	vperm.xlane v18, v15;
	v20 =	vsub.f32 v20, v19;
	_ =	sdelay $0x1  }
0x138: {  	v20 =	vmul.f32 v62, v20;
	_ =	sdelay $0x1  }
0x139: {  	v19 =	vadd.f32 v20, v19;
	_ =	sdelay $0x1  }
0x13a: {  	[tilespmem:s18+$0x30] =	vst v19  }
0x13b: {  	v19 =	vld [tilespmem:s30+$0x70]  }
0x13c: {  	v63 =	vld [tilespmem:s29+$0x70];
	_ =	sdelay $0x4  }
0x13d: {  	v17 =	vperm.xlane v17, v16;
	v20 =	vsub.f32 v63, v19;
	_ =	sdelay $0x1  }
0x13e: {  	v17 =	vmul.f32 v17, v20;
	_ =	sdelay $0x1  }
0x13f: {  	v17 =	vadd.f32 v17, v19;
	_ =	sdelay $0x1  }
0x140: {  	v19 =	vperm.xlane v17, v1;
	_ =	sdelay $0x1  }
0x141: {  	v18 =	vperm.xlane v18, v16;
	v19 =	vsub.f32 v19, v17  }
0x142: {  	p1 =	sne.s32 s17, $0xF80  }
.Ltmp3:
0x143: {  	v18 =	vmul.f32 v18, v19;
	(pc) =	sbr.rel @p1 .LBB2_5-.Ltmp3, $4  }
0x144: {  	_ = 	snop  }
0x145: {  	v17 =	vadd.f32 v18, v17  }
0x146: {  	s17 =	sadd.s32 $0x40, s17  }
0x147: {  	s29 =	sadd.s32 $0x100, s29;
	s30 =	sadd.s32 $0x100, s30;
	[tilespmem:s18+$0x38] =	vst v17;
	s18 =	sadd.s32 $0x80, s18  }
0x148: {  	s28 =	sadd.s32 $0x1, s28  }
0x149: {  	s17 =	rddreg [dreg:$0x1];
	p1 =	sne.s32 s28, $0x1F  }
.Ltmp4:
0x14a: {  	s31 =	simm.s32 $0x0;
	s16 =	sadd.s32 s17, s16;
	(pc) =	sbr.rel @p1 .LBB2_2-.Ltmp4, $4  }
0x14b: {  	[hbm4b:s16+s31] =	stream.linear.scatter [tilespmem:s15], [sflag:$0x2], $0x1F80, $0x38;
	[tilespmem:$0xB530] =	vst v63  }
0x14c: {  	_ =	swait.ge [sflag:s12], $0x1F80  }
0x14d: {  	[sflag:s12] =	ssyncset.done $0x0  }
0x14e: {  	[sflag:s12] =	ssyncadd.s32 $0xFFFFE080  }
.Ltmp5:
0x14f: {  	(pc) =	sbr.rel @p0 .LBB2_11-.Ltmp5, $2  }
0x150: {  	_ =	sdelay $0x2  }
0x151: {  	s17 =	rddreg [dreg:$0x7]  }
0x152: {  	s16 =	simm.s32 $0x0;
	s17 =	rddreg [dreg:$0x3]  }
0x153: {  	[tilespmem:s16], [sflag:$0x2] =	stream.linear.gather [hbm4b:s17+s16], $0x40, $0x38;
	[tilespmem:$0xB530] =	vst v63  }
0x154: {  	_ =	swait.ge [sflag:s12], $0x40  }
0x155: {  	[sflag:s12] =	ssyncset.done $0x0  }
0x156: {  	s18 =	simm.s32 $0x3F0;
	s31 =	rddreg [dreg:$0x4];
	[sflag:s12] =	ssyncadd.s32 $0xFFFFFFC0  }
0x157: {  	[tilespmem:s18], [sflag:$0x2] =	stream.linear.gather [hbm4b:s31+s16], $0x40, $0x38;
	[tilespmem:$0xB530] =	vst v63  }
0x158: {  	_ =	swait.ge [sflag:s12], $0x40  }
0x159: {  	[sflag:s12] =	ssyncset.done $0x0  }
0x15a: {  	[sflag:s12] =	ssyncadd.s32 $0xFFFFFFC0  }
0x15b: {  	v17 =	vld [tilespmem:$0x0]  }
0x15c: {  	v18 =	vld [tilespmem:$0x3F0]  }
0x15d: {  	v19 =	vld [tilespmem:$0x10]  }
0x15e: {  	v22 =	vld [tilespmem:$0x400]  }
0x15f: {  	v28 =	vld [tilespmem:$0x20]  }
0x160: {  	v43 =	vld [tilespmem:$0x420]  }
0x161: {  	v31 =	vld [tilespmem:$0x30];
	_ =	sdelay $0x1  }
0x162: {  	v17 =	vsub.f32 $9.000000000e+01, v17  }
0x163: {  	v18 =	vmul.f32 $4.000000000e+00, v18;
	v19 =	vsub.f32 $9.000000000e+01, v19;
	v22 =	vmul.f32 $4.000000000e+00, v22  }
0x164: {  	v28 =	vsub.f32 $9.000000000e+01, v28;
	v49 =	vmul.f32 $4.000000000e+00, v43;
	v17 =	vmul.f32 $4.000000000e+00, v17  }
0x165: {  	v31 =	vsub.f32 $9.000000000e+01, v31;
	v21 =	vtrunc.f32 v18;
	v19 =	vmul.f32 $4.000000000e+00, v19  }
0x166: {  	v34 =	vtrunc.f32 v22;
	v38 =	vmul.f32 $4.000000000e+00, v28  }
0x167: {  	v47 =	vmul.f32 $4.000000000e+00, v31;
	v53 =	vtrunc.f32 v49  }
0x168: {  	v21 =	vcvt.f32.s32 v21;
	v54 =	vcvt.f32.s32 v53  }
0x169: {  	v20 =	vtrunc.f32 v17;
	v27 =	vtrunc.f32 v19  }
0x16a: {  	v30 =	vtrunc.f32 v38;
	v51 =	vtrunc.f32 v47  }
0x16b: {  	v20 =	vcvt.f32.s32 v20;
	v33 =	vcvt.f32.s32 v27  }
0x16c: {  	vm1 =	vgt.s32 v21, $0x0;
	v41 =	vcvt.f32.s32 v30;
	v52 =	vcvt.f32.s32 v51  }
0x16d: {  	vm15 =	vgt.s32 v54, $0x0;
	v21 =	vnsel vm1, $0x0, v21;
	vm0 =	vgt.s32 v20, $0x0  }
0x16e: {  	v21 =	vmin.u32 v21, $0x59F;
	vm10 =	vgt.s32 v33, $0x0;
	vm12 =	vgt.s32 v41, $0x0  }
0x16f: {  	vm14 =	vgt.s32 v52, $0x0;
	v20 =	vnsel vm0, $0x0, v20;
	v25 =	vcvt.s32.f32 v21  }
0x170: {  	v26 =	vshrl.u32 v21, $0x7;
	v21 =	vand.u32 $0x7F, v21;
	v28 =	vnsel vm12, $0x0, v41  }
0x171: {  	v23 =	vmin.u32 v20, $0x2D0;
	v26 =	vmul.u32 $0x16880, v26;
	v20 =	vmin.u32 v20, $0x2CF  }
0x172: {  	v35 =	vld [tilespmem:$0x410];
	v24 =	vcvt.s32.f32 v23;
	v18 =	vsub.f32 v18, v25;
	v25 =	vcvt.f32.s32 v34  }
0x173: {  	v32 =	vmin.u32 v28, $0x2D0;
	v55 =	vmin.u32 v28, $0x2CF;
	v23 =	vshll.u32 v23, $0x7  }
0x174: {  	v17 =	vsub.f32 v17, v24;
	v24 =	vnsel vm10, $0x0, v33;
	vm11 =	vgt.s32 v25, $0x0  }
0x175: {  	v20 =	vshll.u32 v20, $0x7;
	v36 =	vmin.u32 v24, $0x2D0;
	v25 =	vnsel vm11, $0x0, v25  }
0x176: {  	v45 =	vcvt.s32.f32 v32;
	v29 =	vcvt.s32.f32 v36;
	v37 =	vmin.u32 v25, $0x59F  }
0x177: {  	v21 =	vor.u32 v21, v26;
	v26 =	vmul.f32 $4.000000000e+00, v35;
	v40 =	vshrl.u32 v37, $0x7  }
0x178: {  	v23 =	vadd.s32 v23, v21;
	v19 =	vsub.f32 v19, v29;
	v29 =	vmul.u32 $0x16880, v40  }
0x179: {  	v20 =	vadd.s32 v21, v20;
	v42 =	vtrunc.f32 v26;
	v21 =	vand.u32 $0x7F, v37  }
0x17a: {  	v56 =	vshll.u32 v32, $0x7;
	[tilespmem:$0x13B0] =	vst v18;
	v21 =	vor.u32 v21, v29;
	v29 =	vcvt.f32.s32 v42  }
0x17b: {  	v18 =	vsub.f32 v38, v45;
	v24 =	vmin.u32 v24, $0x2CF;
	[tilespmem:$0x7E0] =	vst v23;
	v23 =	vnsel vm15, $0x0, v54  }
0x17c: {  	v27 =	vshll.u32 v36, $0x7;
	[tilespmem:$0xFC0] =	vst v17;
	v17 =	vadd.s32 $0x80, v20;
	vm13 =	vgt.s32 v29, $0x0  }
0x17d: {  	v20 =	vnsel vm14, $0x0, v52;
	v39 =	vcvt.s32.f32 v37;
	v44 =	vnsel vm13, $0x0, v29  }
0x17e: {  	v24 =	vshll.u32 v24, $0x7;
	[tilespmem:$0xFE0] =	vst v18;
	v58 =	vmin.u32 v20, $0x2D0;
	v46 =	vmin.u32 v44, $0x59F  }
0x17f: {  	[tilespmem:$0xBD0] =	vst v17;
	v60 =	vcvt.s32.f32 v58;
	v22 =	vsub.f32 v22, v39;
	v48 =	vshrl.u32 v46, $0x7  }
0x180: {  	v18 =	vshll.u32 v55, $0x7;
	[tilespmem:$0xFD0] =	vst v19;
	v50 =	vcvt.s32.f32 v46;
	v25 =	vmul.u32 $0x16880, v48  }
0x181: {  	v61 =	vsub.f32 v47, v60;
	v27 =	vadd.s32 v27, v21;
	[tilespmem:$0x13C0] =	vst v22;
	v17 =	vand.u32 $0x7F, v46  }
0x182: {  	v21 =	vadd.s32 v21, v24;
	[tilespmem:$0x7F0] =	vst v27;
	v19 =	vsub.f32 v26, v50;
	v17 =	vor.u32 v17, v25  }
0x183: {  	v59 =	vmin.u32 v23, $0x59F;
	v21 =	vadd.s32 $0x80, v21;
	[tilespmem:$0xFF0] =	vst v61;
	v57 =	vadd.s32 v56, v17  }
0x184: {  	[tilespmem:$0x13D0] =	vst v19;
	v17 =	vadd.s32 v17, v18;
	v18 =	vcvt.s32.f32 v59;
	v19 =	vshrl.u32 v59, $0x7  }
0x185: {  	[tilespmem:$0xBE0] =	vst v21;
	v17 =	vadd.s32 $0x80, v17;
	v19 =	vmul.u32 $0x16880, v19  }
0x186: {  	v62 =	vand.u32 $0x7F, v59;
	[tilespmem:$0xBF0] =	vst v17;
	v17 =	vsub.f32 v49, v18;
	v18 =	vmin.u32 v20, $0x2CF  }
0x187: {  	v63 =	vshll.u32 v58, $0x7;
	[tilespmem:$0x800] =	vst v57;
	v19 =	vor.u32 v62, v19;
	v18 =	vshll.u32 v18, $0x7  }
0x188: {  	[tilespmem:$0x13E0] =	vst v17;
	v17 =	vadd.s32 v63, v19;
	v18 =	vadd.s32 v19, v18  }
0x189: {  	[tilespmem:$0x810] =	vst v17;
	v17 =	vadd.s32 $0x80, v18  }
0x18a: {  	s29 =	simm.s32 $0x17A0;
	s28 =	simm.s32 $0x40;
	s18 =	simm.s32 $0x7E0;
	[tilespmem:$0xC00] =	vst v17  }
0x18b: {  	[tilespmem:s29], [sflag:$0x1] =	stream.indirect.gather [hbm4b:s5+s28], $0x10, s18, s28, $0xb8;
	[tilespmem:$0xB530] =	vst v63  }
0x18c: {  	s30 =	simm.s32 $0xBD0;
	s31 =	simm.s32 $0x56A0  }
0x18d: {  	[tilespmem:s31], [sflag:$0x1] =	stream.indirect.gather [hbm4b:s5+s28], $0x10, s30, s28, $0xb8;
	[tilespmem:$0xB530] =	vst v63  }
0x18e: {  	_ =	swait.ge [sflag:s26], $0x400  }
0x18f: {  	[sflag:s26] =	ssyncset.done $0x0  }
0x190: {  	[sflag:s26] =	ssyncadd.s32 $0xFFFFFC00  }
0x191: {  	_ =	swait.ge [sflag:s26], $0x400  }
0x192: {  	s17 =	simm.s32 $0x5720;
	[sflag:s26] =	ssyncset.done $0x0  }
0x193: {  	s18 =	simm.s32 $0x95E0;
	s28 =	simm.s32 $0x1820;
	[sflag:s26] =	ssyncadd.s32 $0xFFFFFC00  }
.LBB2_9:
0x194: {  	v19 =	vld [tilespmem:s28+$0xFFFFFF80]  }
0x195: {  	s29 =	sshra.s32 s16, $0x2;
	v18 =	vld [tilespmem:s17+$0xFFFFFF80]  }
0x196: {  	v17 =	vld [tilespmem:s29+$0xFC0];
	_ =	sdelay $0x4  }
0x197: {  	v18 =	vsub.f32 v18, v19;
	v20 =	vperm.xlane v17, v0;
	_ =	sdelay $0x1  }
0x198: {  	v20 =	vmul.f32 v20, v18  }
0x199: {  	v18 =	vld [tilespmem:s29+$0x13B0]  }
0x19a: {  	v19 =	vadd.f32 v20, v19;
	_ =	sdelay $0x1  }
0x19b: {  	v20 =	vperm.xlane v19, v1;
	_ =	sdelay $0x1  }
0x19c: {  	v21 =	vperm.xlane v18, v0;
	v20 =	vsub.f32 v20, v19;
	_ =	sdelay $0x1  }
0x19d: {  	v20 =	vmul.f32 v21, v20;
	_ =	sdelay $0x1  }
0x19e: {  	v19 =	vadd.f32 v20, v19;
	_ =	sdelay $0x1  }
0x19f: {  	[tilespmem:s18+$0xFFFFFFC0] =	vst v19  }
0x1a0: {  	v19 =	vld [tilespmem:s28+$0xFFFFFF90]  }
0x1a1: {  	v61 =	vld [tilespmem:s17+$0xFFFFFF90];
	_ =	sdelay $0x4  }
0x1a2: {  	v62 =	vperm.xlane v17, v2;
	v20 =	vsub.f32 v61, v19;
	_ =	sdelay $0x1  }
0x1a3: {  	v20 =	vmul.f32 v62, v20;
	_ =	sdelay $0x1  }
0x1a4: {  	v19 =	vadd.f32 v20, v19;
	_ =	sdelay $0x1  }
0x1a5: {  	v20 =	vperm.xlane v19, v1;
	_ =	sdelay $0x1  }
0x1a6: {  	v63 =	vperm.xlane v18, v2;
	v20 =	vsub.f32 v20, v19;
	_ =	sdelay $0x1  }
0x1a7: {  	v20 =	vmul.f32 v63, v20;
	_ =	sdelay $0x1  }
0x1a8: {  	v19 =	vadd.f32 v20, v19;
	_ =	sdelay $0x1  }
0x1a9: {  	[tilespmem:s18+$0xFFFFFFC8] =	vst v19  }
0x1aa: {  	v19 =	vld [tilespmem:s28+$0xFFFFFFA0]  }
0x1ab: {  	v24 =	vld [tilespmem:s17+$0xFFFFFFA0];
	_ =	sdelay $0x4  }
0x1ac: {  	v25 =	vperm.xlane v17, v3;
	v20 =	vsub.f32 v24, v19;
	_ =	sdelay $0x1  }
0x1ad: {  	v20 =	vmul.f32 v25, v20;
	_ =	sdelay $0x1  }
0x1ae: {  	v19 =	vadd.f32 v20, v19;
	_ =	sdelay $0x1  }
0x1af: {  	v20 =	vperm.xlane v19, v1;
	_ =	sdelay $0x1  }
0x1b0: {  	v26 =	vperm.xlane v18, v3;
	v20 =	vsub.f32 v20, v19;
	_ =	sdelay $0x1  }
0x1b1: {  	v20 =	vmul.f32 v26, v20;
	_ =	sdelay $0x1  }
0x1b2: {  	v19 =	vadd.f32 v20, v19;
	_ =	sdelay $0x1  }
0x1b3: {  	[tilespmem:s18+$0xFFFFFFD0] =	vst v19  }
0x1b4: {  	v19 =	vld [tilespmem:s28+$0xFFFFFFB0]  }
0x1b5: {  	v27 =	vld [tilespmem:s17+$0xFFFFFFB0];
	_ =	sdelay $0x4  }
0x1b6: {  	v28 =	vperm.xlane v17, v4;
	v20 =	vsub.f32 v27, v19;
	_ =	sdelay $0x1  }
0x1b7: {  	v20 =	vmul.f32 v28, v20;
	_ =	sdelay $0x1  }
0x1b8: {  	v19 =	vadd.f32 v20, v19;
	_ =	sdelay $0x1  }
0x1b9: {  	v20 =	vperm.xlane v19, v1;
	_ =	sdelay $0x1  }
0x1ba: {  	v29 =	vperm.xlane v18, v4;
	v20 =	vsub.f32 v20, v19;
	_ =	sdelay $0x1  }
0x1bb: {  	v20 =	vmul.f32 v29, v20;
	_ =	sdelay $0x1  }
0x1bc: {  	v19 =	vadd.f32 v20, v19;
	_ =	sdelay $0x1  }
0x1bd: {  	[tilespmem:s18+$0xFFFFFFD8] =	vst v19  }
0x1be: {  	v19 =	vld [tilespmem:s28+$0xFFFFFFC0]  }
0x1bf: {  	v30 =	vld [tilespmem:s17+$0xFFFFFFC0];
	_ =	sdelay $0x4  }
0x1c0: {  	v31 =	vperm.xlane v17, v5;
	v20 =	vsub.f32 v30, v19;
	_ =	sdelay $0x1  }
0x1c1: {  	v20 =	vmul.f32 v31, v20;
	_ =	sdelay $0x1  }
0x1c2: {  	v19 =	vadd.f32 v20, v19;
	_ =	sdelay $0x1  }
0x1c3: {  	v20 =	vperm.xlane v19, v1;
	_ =	sdelay $0x1  }
0x1c4: {  	v32 =	vperm.xlane v18, v5;
	v20 =	vsub.f32 v20, v19;
	_ =	sdelay $0x1  }
0x1c5: {  	v20 =	vmul.f32 v32, v20;
	_ =	sdelay $0x1  }
0x1c6: {  	v19 =	vadd.f32 v20, v19;
	_ =	sdelay $0x1  }
0x1c7: {  	[tilespmem:s18+$0xFFFFFFE0] =	vst v19  }
0x1c8: {  	v19 =	vld [tilespmem:s28+$0xFFFFFFD0]  }
0x1c9: {  	v33 =	vld [tilespmem:s17+$0xFFFFFFD0];
	_ =	sdelay $0x4  }
0x1ca: {  	v34 =	vperm.xlane v17, v6;
	v20 =	vsub.f32 v33, v19;
	_ =	sdelay $0x1  }
0x1cb: {  	v20 =	vmul.f32 v34, v20;
	_ =	sdelay $0x1  }
0x1cc: {  	v19 =	vadd.f32 v20, v19;
	_ =	sdelay $0x1  }
0x1cd: {  	v20 =	vperm.xlane v19, v1;
	_ =	sdelay $0x1  }
0x1ce: {  	v35 =	vperm.xlane v18, v6;
	v20 =	vsub.f32 v20, v19;
	_ =	sdelay $0x1  }
0x1cf: {  	v20 =	vmul.f32 v35, v20;
	_ =	sdelay $0x1  }
0x1d0: {  	v19 =	vadd.f32 v20, v19;
	_ =	sdelay $0x1  }
0x1d1: {  	[tilespmem:s18+$0xFFFFFFE8] =	vst v19  }
0x1d2: {  	v19 =	vld [tilespmem:s28+$0xFFFFFFE0]  }
0x1d3: {  	v36 =	vld [tilespmem:s17+$0xFFFFFFE0];
	_ =	sdelay $0x4  }
0x1d4: {  	v37 =	vperm.xlane v17, v7;
	v20 =	vsub.f32 v36, v19;
	_ =	sdelay $0x1  }
0x1d5: {  	v20 =	vmul.f32 v37, v20;
	_ =	sdelay $0x1  }
0x1d6: {  	v19 =	vadd.f32 v20, v19;
	_ =	sdelay $0x1  }
0x1d7: {  	v20 =	vperm.xlane v19, v1;
	_ =	sdelay $0x1  }
0x1d8: {  	v38 =	vperm.xlane v18, v7;
	v20 =	vsub.f32 v20, v19;
	_ =	sdelay $0x1  }
0x1d9: {  	v20 =	vmul.f32 v38, v20;
	_ =	sdelay $0x1  }
0x1da: {  	v19 =	vadd.f32 v20, v19;
	_ =	sdelay $0x1  }
0x1db: {  	[tilespmem:s18+$0xFFFFFFF0] =	vst v19  }
0x1dc: {  	v19 =	vld [tilespmem:s28+$0xFFFFFFF0]  }
0x1dd: {  	v39 =	vld [tilespmem:s17+$0xFFFFFFF0];
	_ =	sdelay $0x4  }
0x1de: {  	v40 =	vperm.xlane v17, v8;
	v20 =	vsub.f32 v39, v19;
	_ =	sdelay $0x1  }
0x1df: {  	v20 =	vmul.f32 v40, v20;
	_ =	sdelay $0x1  }
0x1e0: {  	v19 =	vadd.f32 v20, v19;
	_ =	sdelay $0x1  }
0x1e1: {  	v20 =	vperm.xlane v19, v1;
	_ =	sdelay $0x1  }
0x1e2: {  	v41 =	vperm.xlane v18, v8;
	v20 =	vsub.f32 v20, v19;
	_ =	sdelay $0x1  }
0x1e3: {  	v20 =	vmul.f32 v41, v20;
	_ =	sdelay $0x1  }
0x1e4: {  	v19 =	vadd.f32 v20, v19;
	_ =	sdelay $0x1  }
0x1e5: {  	[tilespmem:s18+$0xFFFFFFF8] =	vst v19  }
0x1e6: {  	v19 =	vld [tilespmem:s28+$0x0]  }
0x1e7: {  	v42 =	vld [tilespmem:s17+$0x0];
	_ =	sdelay $0x4  }
0x1e8: {  	v43 =	vperm.xlane v17, v9;
	v20 =	vsub.f32 v42, v19;
	_ =	sdelay $0x1  }
0x1e9: {  	v20 =	vmul.f32 v43, v20;
	_ =	sdelay $0x1  }
0x1ea: {  	v19 =	vadd.f32 v20, v19;
	_ =	sdelay $0x1  }
0x1eb: {  	v20 =	vperm.xlane v19, v1;
	_ =	sdelay $0x1  }
0x1ec: {  	v44 =	vperm.xlane v18, v9;
	v20 =	vsub.f32 v20, v19;
	_ =	sdelay $0x1  }
0x1ed: {  	v20 =	vmul.f32 v44, v20;
	_ =	sdelay $0x1  }
0x1ee: {  	v19 =	vadd.f32 v20, v19;
	_ =	sdelay $0x1  }
0x1ef: {  	[tilespmem:s18+$0x0] =	vst v19  }
0x1f0: {  	v19 =	vld [tilespmem:s28+$0x10]  }
0x1f1: {  	v45 =	vld [tilespmem:s17+$0x10];
	_ =	sdelay $0x4  }
0x1f2: {  	v46 =	vperm.xlane v17, v10;
	v20 =	vsub.f32 v45, v19;
	_ =	sdelay $0x1  }
0x1f3: {  	v20 =	vmul.f32 v46, v20;
	_ =	sdelay $0x1  }
0x1f4: {  	v19 =	vadd.f32 v20, v19;
	_ =	sdelay $0x1  }
0x1f5: {  	v20 =	vperm.xlane v19, v1;
	_ =	sdelay $0x1  }
0x1f6: {  	v47 =	vperm.xlane v18, v10;
	v20 =	vsub.f32 v20, v19;
	_ =	sdelay $0x1  }
0x1f7: {  	v20 =	vmul.f32 v47, v20;
	_ =	sdelay $0x1  }
0x1f8: {  	v19 =	vadd.f32 v20, v19;
	_ =	sdelay $0x1  }
0x1f9: {  	[tilespmem:s18+$0x8] =	vst v19  }
0x1fa: {  	v19 =	vld [tilespmem:s28+$0x20]  }
0x1fb: {  	v48 =	vld [tilespmem:s17+$0x20];
	_ =	sdelay $0x4  }
0x1fc: {  	v49 =	vperm.xlane v17, v11;
	v20 =	vsub.f32 v48, v19;
	_ =	sdelay $0x1  }
0x1fd: {  	v20 =	vmul.f32 v49, v20;
	_ =	sdelay $0x1  }
0x1fe: {  	v19 =	vadd.f32 v20, v19;
	_ =	sdelay $0x1  }
0x1ff: {  	v20 =	vperm.xlane v19, v1;
	_ =	sdelay $0x1  }
0x200: {  	v50 =	vperm.xlane v18, v11;
	v20 =	vsub.f32 v20, v19;
	_ =	sdelay $0x1  }
0x201: {  	v20 =	vmul.f32 v50, v20;
	_ =	sdelay $0x1  }
0x202: {  	v19 =	vadd.f32 v20, v19;
	_ =	sdelay $0x1  }
0x203: {  	[tilespmem:s18+$0x10] =	vst v19  }
0x204: {  	v19 =	vld [tilespmem:s28+$0x30]  }
0x205: {  	v51 =	vld [tilespmem:s17+$0x30];
	_ =	sdelay $0x4  }
0x206: {  	v52 =	vperm.xlane v17, v12;
	v20 =	vsub.f32 v51, v19;
	_ =	sdelay $0x1  }
0x207: {  	v20 =	vmul.f32 v52, v20;
	_ =	sdelay $0x1  }
0x208: {  	v19 =	vadd.f32 v20, v19;
	_ =	sdelay $0x1  }
0x209: {  	v20 =	vperm.xlane v19, v1;
	_ =	sdelay $0x1  }
0x20a: {  	v53 =	vperm.xlane v18, v12;
	v20 =	vsub.f32 v20, v19;
	_ =	sdelay $0x1  }
0x20b: {  	v20 =	vmul.f32 v53, v20;
	_ =	sdelay $0x1  }
0x20c: {  	v19 =	vadd.f32 v20, v19;
	_ =	sdelay $0x1  }
0x20d: {  	[tilespmem:s18+$0x18] =	vst v19  }
0x20e: {  	v19 =	vld [tilespmem:s28+$0x40]  }
0x20f: {  	v54 =	vld [tilespmem:s17+$0x40];
	_ =	sdelay $0x4  }
0x210: {  	v55 =	vperm.xlane v17, v13;
	v20 =	vsub.f32 v54, v19;
	_ =	sdelay $0x1  }
0x211: {  	v20 =	vmul.f32 v55, v20;
	_ =	sdelay $0x1  }
0x212: {  	v19 =	vadd.f32 v20, v19;
	_ =	sdelay $0x1  }
0x213: {  	v20 =	vperm.xlane v19, v1;
	_ =	sdelay $0x1  }
0x214: {  	v56 =	vperm.xlane v18, v13;
	v20 =	vsub.f32 v20, v19;
	_ =	sdelay $0x1  }
0x215: {  	v20 =	vmul.f32 v56, v20;
	_ =	sdelay $0x1  }
0x216: {  	v19 =	vadd.f32 v20, v19;
	_ =	sdelay $0x1  }
0x217: {  	[tilespmem:s18+$0x20] =	vst v19  }
0x218: {  	v19 =	vld [tilespmem:s28+$0x50]  }
0x219: {  	v57 =	vld [tilespmem:s17+$0x50];
	_ =	sdelay $0x4  }
0x21a: {  	v58 =	vperm.xlane v17, v14;
	v20 =	vsub.f32 v57, v19;
	_ =	sdelay $0x1  }
0x21b: {  	v20 =	vmul.f32 v58, v20;
	_ =	sdelay $0x1  }
0x21c: {  	v19 =	vadd.f32 v20, v19;
	_ =	sdelay $0x1  }
0x21d: {  	v20 =	vperm.xlane v19, v1;
	_ =	sdelay $0x1  }
0x21e: {  	v59 =	vperm.xlane v18, v14;
	v20 =	vsub.f32 v20, v19;
	_ =	sdelay $0x1  }
0x21f: {  	v20 =	vmul.f32 v59, v20;
	_ =	sdelay $0x1  }
0x220: {  	v19 =	vadd.f32 v20, v19;
	_ =	sdelay $0x1  }
0x221: {  	[tilespmem:s18+$0x28] =	vst v19  }
0x222: {  	v19 =	vld [tilespmem:s28+$0x60]  }
0x223: {  	v60 =	vld [tilespmem:s17+$0x60];
	_ =	sdelay $0x4  }
0x224: {  	v61 =	vperm.xlane v17, v15;
	v20 =	vsub.f32 v60, v19;
	_ =	sdelay $0x1  }
0x225: {  	v20 =	vmul.f32 v61, v20;
	_ =	sdelay $0x1  }
0x226: {  	v19 =	vadd.f32 v20, v19;
	_ =	sdelay $0x1  }
0x227: {  	v20 =	vperm.xlane v19, v1;
	_ =	sdelay $0x1  }
0x228: {  	v62 =	vperm.xlane v18, v15;
	v20 =	vsub.f32 v20, v19;
	_ =	sdelay $0x1  }
0x229: {  	v20 =	vmul.f32 v62, v20;
	_ =	sdelay $0x1  }
0x22a: {  	v19 =	vadd.f32 v20, v19;
	_ =	sdelay $0x1  }
0x22b: {  	[tilespmem:s18+$0x30] =	vst v19  }
0x22c: {  	v19 =	vld [tilespmem:s28+$0x70]  }
0x22d: {  	v63 =	vld [tilespmem:s17+$0x70];
	_ =	sdelay $0x4  }
0x22e: {  	v17 =	vperm.xlane v17, v16;
	v20 =	vsub.f32 v63, v19;
	_ =	sdelay $0x1  }
0x22f: {  	v17 =	vmul.f32 v17, v20;
	_ =	sdelay $0x1  }
0x230: {  	v17 =	vadd.f32 v17, v19;
	_ =	sdelay $0x1  }
0x231: {  	v19 =	vperm.xlane v17, v1;
	_ =	sdelay $0x1  }
0x232: {  	v18 =	vperm.xlane v18, v16;
	v19 =	vsub.f32 v19, v17  }
0x233: {  	p1 =	sne.s32 s16, $0xC0  }
.Ltmp6:
0x234: {  	v18 =	vmul.f32 v18, v19;
	(pc) =	sbr.rel @p1 .LBB2_9-.Ltmp6, $4  }
0x235: {  	_ = 	snop  }
0x236: {  	v17 =	vadd.f32 v18, v17  }
0x237: {  	s16 =	sadd.s32 $0x40, s16  }
0x238: {  	s17 =	sadd.s32 $0x100, s17;
	s28 =	sadd.s32 $0x100, s28;
	[tilespmem:s18+$0x38] =	vst v17;
	s18 =	sadd.s32 $0x80, s18  }
.Ltmp7:
0x239: {  	s16 =	simm.s32 $0x0;
	s17 =	rddreg [dreg:$0x5];
	(pc) =	sbr.rel .LBB2_11-.Ltmp7, $4  }
0x23a: {  	[hbm4b:s17+s16] =	stream.linear.scatter [tilespmem:s15], [sflag:$0x2], $0x200, $0x38;
	[tilespmem:$0xB530] =	vst v63  }
0x23b: {  	_ =	swait.ge [sflag:s12], $0x200  }
0x23c: {  	[sflag:s12] =	ssyncset.done $0x0  }
0x23d: {  	s17 =	rddreg [dreg:$0x7];
	[sflag:s12] =	ssyncadd.s32 $0xFFFFFE00  }
.LBB2_12:
0x23e: {  	_ =	sfence.sel $0x180000  }
0x23f: {  	[bflag:$0x0] =	sbarrier.arrive $0xFFFF  }
0x240: {  	_ =	strace $0x90000047  }
0x241: {  	s0 =	stileid.u32;
	[bflag:$0x2] =	sbarrier.arrive $0xFFFF  }
0x242: {  	p0 =	sne.s32 s0, $0x0;
	s0 =	rddreg [dreg:$0x2]  }
0x243: {  	s0 =	sadd.s32 @!p0 $0x100000, s0  }
0x244: {  	[sflag:s0] =	ssyncadd.tile.s32 @!p0 $0x1;
	_ =	shalt  }
.Lfunc_end2:
_tile_overlayer_lowered:
.L_overlay_start_2:
0x245: {  	(tag) =	ssettag $0x2  }
0x246: {  	s0 =	rddreg [dreg:$0x0];
	s2 =	stileid.u32  }
0x247: {  	s1 =	rddreg [dreg:$0x1];
	p0 =	sne.s32 s2, $0x0  }
0x248: {  	s3 =	rddreg [dreg:$0x2];
	[bflag:$0x3] =	sbarrier.arrive $0xFFFF;
	s2 =	simm.s32 @!p0 $0x1C02  }
0x249: {  	[timem:s3], [sflag:s2] =	dma.local @!p0 [hbm:s0], s1  }
0x24a: {  	s0 =	simm.s32 @!p0 $0x2  }
0x24b: {  	_ =	swait.ge @!p0 [sflag:s0], s1  }
0x24c: {  	s1 =	ssub.s32 @!p0 $0x0, s1;
	[sflag:s0] =	ssyncset.done @!p0 $0x0  }
0x24d: {  	[sflag:s0] =	ssyncadd.s32 @!p0 s1  }
0x24e: {  	[bflag:$0x3] =	sbarrier.arrive $0xFFFF  }
0x24f: {  	_ =	shalt  }

</sc_bundles>
